<compile_context>
chip_gen: v7x
topology: tpu7x:2x2x1
jax: 0.10.2.dev20260603
libtpu: 0.0.44.dev20260713+nightly
codegen_flags: <defaults>
</compile_context>

<pallas_src>
import functools

import jax
import jax.numpy as jnp
from jax import lax
from jax.experimental import pallas as pl
from jax.experimental.pallas import tpu as pltpu
from jax.experimental.pallas import tpu_sc as plsc

B, L, D = 4096, 200, 64
NW = 32
BW = B // NW
NBUF = 8
LOOKAHEAD = 6
NG = L // NBUF

_mesh = plsc.VectorSubcoreMesh(core_axis_name="c", subcore_axis_name="s")


@functools.partial(
    pl.kernel,
    mesh=_mesh,
    out_type=jax.ShapeDtypeStruct((L // 2, B, 2 * D), jnp.float32),
    scratch_types=[
        pltpu.VMEM((L, BW), jnp.int32),
        pltpu.VMEM((NBUF, BW, D), jnp.float32),
        [pltpu.SemaphoreType.DMA] * NBUF,
        [pltpu.SemaphoreType.DMA] * NBUF,
    ],
    compiler_params=pltpu.CompilerParams(use_tc_tiling_on_sc=False, needs_layout_passes=False),
)
def _emb_gather(xt_hbm, table_hbm, out_hbm, idx_v, gbuf, gsems, ssems):
    wid = lax.axis_index("s") * 2 + lax.axis_index("c")
    pltpu.sync_copy(xt_hbm.at[:, pl.ds(wid * BW, BW)], idx_v)

    def gather_start(l, b):
        pltpu.make_async_copy(
            table_hbm.at[idx_v.at[l]], gbuf.at[b], gsems[b]
        ).start()

    def gather_wait(b):
        pltpu.make_async_copy(
            table_hbm.at[idx_v.at[0]], gbuf.at[b], gsems[b]
        ).wait()

    def out_slice(l):
        return out_hbm.at[
            lax.shift_right_logical(l, 1),
            pl.ds(wid * BW, BW),
            pl.ds(lax.bitwise_and(l, 1) * D, D),
        ]

    def store_start(l, b):
        pltpu.make_async_copy(gbuf.at[b], out_slice(l), ssems[b]).start()

    def store_wait(b):
        pltpu.make_async_copy(gbuf.at[b], out_slice(0), ssems[b]).wait()

    for b in range(LOOKAHEAD):
        gather_start(b, b)

    def body(g, carry):
        for b in range(NBUF):
            l = g * NBUF + b
            s = (b + LOOKAHEAD) % NBUF
            nl = l + LOOKAHEAD

            @pl.when(nl < L)
            def _():
                @pl.when(nl >= NBUF)
                def _():
                    store_wait(s)

                gather_start(nl, s)

            gather_wait(b)
            store_start(l, b)
        return carry

    lax.fori_loop(0, NG, body, 0)
    for b in range(NBUF):
        store_wait(b)


QB = 100


def _tc_transpose_body(in_ref, out_ref):
    for i in range(QB):
        out_ref[2 * i : 2 * i + 2, :, 0, :, :] = in_ref[i].T.reshape(2, D // 8, 8, BW)


_tc_transpose = pl.pallas_call(
    _tc_transpose_body,
    grid=(L // 2 // QB, B // BW),
    in_specs=[pl.BlockSpec((QB, BW, 2 * D), lambda q, j: (q, j, 0))],
    out_specs=pl.BlockSpec((2 * QB, D // 8, 1, 8, BW), lambda q, j: (q, 0, j, 0, 0)),
    out_shape=jax.ShapeDtypeStruct((L, D // 8, B // BW, 8, BW), jnp.float32),
)


def kernel(x, table):
    xt = jnp.swapaxes(x, 0, 1)
    interm = _emb_gather(xt, table)
    p = _tc_transpose(interm)
    return p.transpose((2, 4, 0, 1, 3)).reshape(B, L, D)

# --- scband reference (transcript-rebuilt; emitter-appended) ---
"""Pipeline reference for scband-embeddings-77412490543448 (READ-ONLY COPY).

The authoritative reference and input builder live on the scoring server;
editing this copy changes nothing except your own understanding.
"""

import jax, jax.numpy as jnp
import numpy as np

VOCAB = 100000
EMBED_DIM = 64
BATCH = 4096
SEQ = 200

def setup_inputs(seed: int = 0) -> dict:
    key = jax.random.key(seed)
    k1, k2 = jax.random.split(key)
    x = jax.random.randint(k1, (BATCH, SEQ), 0, VOCAB, dtype=jnp.int64 if jax.config.jax_enable_x64 else jnp.int32)
    table = jax.random.normal(k2, (VOCAB, EMBED_DIM), dtype=jnp.float32) * 0.02
    return {"x": x, "table": table}

def reference(x, table):
    # Embedding lookup: table[x] -> [B, L, D]
    emb = jnp.take(table, x, axis=0)
    # ape=False so no positional embedding added.
    # Dropout in eval mode is identity.
    return emb

if __name__ == "__main__":
    import jax
    _d = setup_inputs()
    print(jax.jit(kernel)(*tuple(_d.values())))

</pallas_src>

<mosaic_0001>
#map = affine_map<(d0, d1) -> (0, 0)>
#map1 = affine_map<(d0, d1) -> (0, 0, 0)>
module attributes {stable_mosaic.version = 14 : i64} {
  func.func @_emb_gather(%arg0: i32, %arg1: i32, %arg2: memref<200x4096xi32, #tpu.memory_space<hbm>>, %arg3: memref<100000x64xf32, #tpu.memory_space<hbm>>, %arg4: memref<100x4096x128xf32, #tpu.memory_space<hbm>>, %arg5: memref<200x128xi32, #tpu.memory_space<vmem>>, %arg6: memref<8x128x64xf32, #tpu.memory_space<vmem>>, %arg7: memref<!tpu.dma_semaphore, #tpu.memory_space<semaphore_mem>>, %arg8: memref<!tpu.dma_semaphore, #tpu.memory_space<semaphore_mem>>, %arg9: memref<!tpu.dma_semaphore, #tpu.memory_space<semaphore_mem>>, %arg10: memref<!tpu.dma_semaphore, #tpu.memory_space<semaphore_mem>>, %arg11: memref<!tpu.dma_semaphore, #tpu.memory_space<semaphore_mem>>, %arg12: memref<!tpu.dma_semaphore, #tpu.memory_space<semaphore_mem>>, %arg13: memref<!tpu.dma_semaphore, #tpu.memory_space<semaphore_mem>>, %arg14: memref<!tpu.dma_semaphore, #tpu.memory_space<semaphore_mem>>, %arg15: memref<!tpu.dma_semaphore, #tpu.memory_space<semaphore_mem>>, %arg16: memref<!tpu.dma_semaphore, #tpu.memory_space<semaphore_mem>>, %arg17: memref<!tpu.dma_semaphore, #tpu.memory_space<semaphore_mem>>, %arg18: memref<!tpu.dma_semaphore, #tpu.memory_space<semaphore_mem>>, %arg19: memref<!tpu.dma_semaphore, #tpu.memory_space<semaphore_mem>>, %arg20: memref<!tpu.dma_semaphore, #tpu.memory_space<semaphore_mem>>, %arg21: memref<!tpu.dma_semaphore, #tpu.memory_space<semaphore_mem>>, %arg22: memref<!tpu.dma_semaphore, #tpu.memory_space<semaphore_mem>>) attributes {dimension_semantics = [#tpu.dimension_semantics<core_parallel>, #tpu.dimension_semantics<subcore_parallel>], iteration_bounds = array<i64: 2, 16>, scalar_prefetch = 0 : i64, scratch_operands = 18 : i64, tpu.core_type = #tpu.core_type<sc_vector_subcore>, window_params = [{transform_indices = #map}, {transform_indices = #map}, {transform_indices = #map1}]} {
    %mul3A = arith.constant 2 : i32
    %mul3A_0 = arith.muli %arg1, %mul3A : i32
    %add3A = arith.addi %mul3A_0, %arg0 : i32
    %mul3A_1 = arith.constant 128 : i32
    %mul3A_2 = arith.muli %add3A, %mul3A_1 : i32
    "tpu.region"() ({
      %run_scoped3A = tpu.sem_alloc : memref<!tpu.dma_semaphore, #tpu.memory_space<semaphore_mem>>
      %dma_start3A_260 = arith.constant 0 : i32
      %dma_start3A_261 = tpu.memref_slice %arg2[%dma_start3A_260, %mul3A_2] : memref<200x4096xi32, #tpu.memory_space<hbm>> -> memref<200x128xi32, #tpu.memory_space<hbm>>
      %dma_start3A_262 = arith.constant 0 : i32
      %dma_start3A_263 = tpu.memref_slice %arg2[%dma_start3A_262, %mul3A_2] : memref<200x4096xi32, #tpu.memory_space<hbm>> -> memref<200x128xi32, #tpu.memory_space<hbm>>
      tpu.enqueue_dma source(%dma_start3A_263 : memref<200x128xi32, #tpu.memory_space<hbm>>) target(%arg5 : memref<200x128xi32, #tpu.memory_space<vmem>>) target_semaphore(%run_scoped3A : memref<!tpu.dma_semaphore, #tpu.memory_space<semaphore_mem>>)
      %dma_wait3A_264 = arith.constant 0 : i32
      %dma_wait3A_265 = tpu.memref_slice %arg2[%dma_wait3A_264, %mul3A_2] : memref<200x4096xi32, #tpu.memory_space<hbm>> -> memref<200x128xi32, #tpu.memory_space<hbm>>
      %dma_wait3A_266 = arith.constant 0 : i32
      %dma_wait3A_267 = tpu.memref_slice %arg2[%dma_wait3A_266, %mul3A_2] : memref<200x4096xi32, #tpu.memory_space<hbm>> -> memref<200x128xi32, #tpu.memory_space<hbm>>
      tpu.wait_dma2 semaphore(%run_scoped3A : memref<!tpu.dma_semaphore, #tpu.memory_space<semaphore_mem>>) src(%dma_wait3A_267 : memref<200x128xi32, #tpu.memory_space<hbm>>) dst(%arg5 : memref<200x128xi32, #tpu.memory_space<vmem>>)
      tpu.yield
    }) : () -> ()
    %dma_start3A = arith.constant 0 : i32
    %dma_start3A_3 = arith.constant 0 : i32
    %dma_start3A_4 = arith.constant 0 : i32
    %dma_start3A_5 = arith.constant 0 : i32
    %dma_start3A_6 = tpu.memref_slice %arg6[%dma_start3A_3, %dma_start3A_4, %dma_start3A_5] : memref<8x128x64xf32, #tpu.memory_space<vmem>> -> memref<1x128x64xf32, #tpu.memory_space<vmem>>
    %dma_start3A_7 = tpu.memref_squeeze %dma_start3A_6 : memref<1x128x64xf32, #tpu.memory_space<vmem>> -> memref<128x64xf32, #tpu.memory_space<vmem>>
    %dma_start3A_8 = arith.constant 0 : i32
    %dma_start3A_9 = tpu.memref_slice %arg5[%dma_start3A, %dma_start3A_8] : memref<200x128xi32, #tpu.memory_space<vmem>> -> memref<1x128xi32, #tpu.memory_space<vmem>>
    %dma_start3A_10 = tpu.memref_squeeze %dma_start3A_9 : memref<1x128xi32, #tpu.memory_space<vmem>> -> memref<128xi32, #tpu.memory_space<vmem>>
    %dma_start3A_11 = arith.constant 0 : i32
    %dma_start3A_12 = arith.constant 0 : i32
    %dma_start3A_13 = tpu.memref_slice %arg3[%dma_start3A_11, %dma_start3A_12] : memref<100000x64xf32, #tpu.memory_space<hbm>> -> memref<100000x64xf32, #tpu.memory_space<hbm>>
    tpu.enqueue_indirect_dma source(%dma_start3A_13 : memref<100000x64xf32, #tpu.memory_space<hbm>>) target(%dma_start3A_7 : memref<128x64xf32, #tpu.memory_space<vmem>>) offsets(%dma_start3A_10 : memref<128xi32, #tpu.memory_space<vmem>>) semaphore(%arg7 : memref<!tpu.dma_semaphore, #tpu.memory_space<semaphore_mem>>)
    %dma_start3A_14 = arith.constant 1 : i32
    %dma_start3A_15 = arith.constant 1 : i32
    %dma_start3A_16 = arith.constant 0 : i32
    %dma_start3A_17 = arith.constant 0 : i32
    %dma_start3A_18 = tpu.memref_slice %arg6[%dma_start3A_15, %dma_start3A_16, %dma_start3A_17] : memref<8x128x64xf32, #tpu.memory_space<vmem>> -> memref<1x128x64xf32, #tpu.memory_space<vmem>>
    %dma_start3A_19 = tpu.memref_squeeze %dma_start3A_18 : memref<1x128x64xf32, #tpu.memory_space<vmem>> -> memref<128x64xf32, #tpu.memory_space<vmem>>
    %dma_start3A_20 = arith.constant 0 : i32
    %dma_start3A_21 = tpu.memref_slice %arg5[%dma_start3A_14, %dma_start3A_20] : memref<200x128xi32, #tpu.memory_space<vmem>> -> memref<1x128xi32, #tpu.memory_space<vmem>>
    %dma_start3A_22 = tpu.memref_squeeze %dma_start3A_21 : memref<1x128xi32, #tpu.memory_space<vmem>> -> memref<128xi32, #tpu.memory_space<vmem>>
    %dma_start3A_23 = arith.constant 0 : i32
    %dma_start3A_24 = arith.constant 0 : i32
    %dma_start3A_25 = tpu.memref_slice %arg3[%dma_start3A_23, %dma_start3A_24] : memref<100000x64xf32, #tpu.memory_space<hbm>> -> memref<100000x64xf32, #tpu.memory_space<hbm>>
    tpu.enqueue_indirect_dma source(%dma_start3A_25 : memref<100000x64xf32, #tpu.memory_space<hbm>>) target(%dma_start3A_19 : memref<128x64xf32, #tpu.memory_space<vmem>>) offsets(%dma_start3A_22 : memref<128xi32, #tpu.memory_space<vmem>>) semaphore(%arg8 : memref<!tpu.dma_semaphore, #tpu.memory_space<semaphore_mem>>)
    %dma_start3A_26 = arith.constant 2 : i32
    %dma_start3A_27 = arith.constant 2 : i32
    %dma_start3A_28 = arith.constant 0 : i32
    %dma_start3A_29 = arith.constant 0 : i32
    %dma_start3A_30 = tpu.memref_slice %arg6[%dma_start3A_27, %dma_start3A_28, %dma_start3A_29] : memref<8x128x64xf32, #tpu.memory_space<vmem>> -> memref<1x128x64xf32, #tpu.memory_space<vmem>>
    %dma_start3A_31 = tpu.memref_squeeze %dma_start3A_30 : memref<1x128x64xf32, #tpu.memory_space<vmem>> -> memref<128x64xf32, #tpu.memory_space<vmem>>
    %dma_start3A_32 = arith.constant 0 : i32
    %dma_start3A_33 = tpu.memref_slice %arg5[%dma_start3A_26, %dma_start3A_32] : memref<200x128xi32, #tpu.memory_space<vmem>> -> memref<1x128xi32, #tpu.memory_space<vmem>>
    %dma_start3A_34 = tpu.memref_squeeze %dma_start3A_33 : memref<1x128xi32, #tpu.memory_space<vmem>> -> memref<128xi32, #tpu.memory_space<vmem>>
    %dma_start3A_35 = arith.constant 0 : i32
    %dma_start3A_36 = arith.constant 0 : i32
    %dma_start3A_37 = tpu.memref_slice %arg3[%dma_start3A_35, %dma_start3A_36] : memref<100000x64xf32, #tpu.memory_space<hbm>> -> memref<100000x64xf32, #tpu.memory_space<hbm>>
    tpu.enqueue_indirect_dma source(%dma_start3A_37 : memref<100000x64xf32, #tpu.memory_space<hbm>>) target(%dma_start3A_31 : memref<128x64xf32, #tpu.memory_space<vmem>>) offsets(%dma_start3A_34 : memref<128xi32, #tpu.memory_space<vmem>>) semaphore(%arg9 : memref<!tpu.dma_semaphore, #tpu.memory_space<semaphore_mem>>)
    %dma_start3A_38 = arith.constant 3 : i32
    %dma_start3A_39 = arith.constant 3 : i32
    %dma_start3A_40 = arith.constant 0 : i32
    %dma_start3A_41 = arith.constant 0 : i32
    %dma_start3A_42 = tpu.memref_slice %arg6[%dma_start3A_39, %dma_start3A_40, %dma_start3A_41] : memref<8x128x64xf32, #tpu.memory_space<vmem>> -> memref<1x128x64xf32, #tpu.memory_space<vmem>>
    %dma_start3A_43 = tpu.memref_squeeze %dma_start3A_42 : memref<1x128x64xf32, #tpu.memory_space<vmem>> -> memref<128x64xf32, #tpu.memory_space<vmem>>
    %dma_start3A_44 = arith.constant 0 : i32
    %dma_start3A_45 = tpu.memref_slice %arg5[%dma_start3A_38, %dma_start3A_44] : memref<200x128xi32, #tpu.memory_space<vmem>> -> memref<1x128xi32, #tpu.memory_space<vmem>>
    %dma_start3A_46 = tpu.memref_squeeze %dma_start3A_45 : memref<1x128xi32, #tpu.memory_space<vmem>> -> memref<128xi32, #tpu.memory_space<vmem>>
    %dma_start3A_47 = arith.constant 0 : i32
    %dma_start3A_48 = arith.constant 0 : i32
    %dma_start3A_49 = tpu.memref_slice %arg3[%dma_start3A_47, %dma_start3A_48] : memref<100000x64xf32, #tpu.memory_space<hbm>> -> memref<100000x64xf32, #tpu.memory_space<hbm>>
    tpu.enqueue_indirect_dma source(%dma_start3A_49 : memref<100000x64xf32, #tpu.memory_space<hbm>>) target(%dma_start3A_43 : memref<128x64xf32, #tpu.memory_space<vmem>>) offsets(%dma_start3A_46 : memref<128xi32, #tpu.memory_space<vmem>>) semaphore(%arg10 : memref<!tpu.dma_semaphore, #tpu.memory_space<semaphore_mem>>)
    %dma_start3A_50 = arith.constant 4 : i32
    %dma_start3A_51 = arith.constant 4 : i32
    %dma_start3A_52 = arith.constant 0 : i32
    %dma_start3A_53 = arith.constant 0 : i32
    %dma_start3A_54 = tpu.memref_slice %arg6[%dma_start3A_51, %dma_start3A_52, %dma_start3A_53] : memref<8x128x64xf32, #tpu.memory_space<vmem>> -> memref<1x128x64xf32, #tpu.memory_space<vmem>>
    %dma_start3A_55 = tpu.memref_squeeze %dma_start3A_54 : memref<1x128x64xf32, #tpu.memory_space<vmem>> -> memref<128x64xf32, #tpu.memory_space<vmem>>
    %dma_start3A_56 = arith.constant 0 : i32
    %dma_start3A_57 = tpu.memref_slice %arg5[%dma_start3A_50, %dma_start3A_56] : memref<200x128xi32, #tpu.memory_space<vmem>> -> memref<1x128xi32, #tpu.memory_space<vmem>>
    %dma_start3A_58 = tpu.memref_squeeze %dma_start3A_57 : memref<1x128xi32, #tpu.memory_space<vmem>> -> memref<128xi32, #tpu.memory_space<vmem>>
    %dma_start3A_59 = arith.constant 0 : i32
    %dma_start3A_60 = arith.constant 0 : i32
    %dma_start3A_61 = tpu.memref_slice %arg3[%dma_start3A_59, %dma_start3A_60] : memref<100000x64xf32, #tpu.memory_space<hbm>> -> memref<100000x64xf32, #tpu.memory_space<hbm>>
    tpu.enqueue_indirect_dma source(%dma_start3A_61 : memref<100000x64xf32, #tpu.memory_space<hbm>>) target(%dma_start3A_55 : memref<128x64xf32, #tpu.memory_space<vmem>>) offsets(%dma_start3A_58 : memref<128xi32, #tpu.memory_space<vmem>>) semaphore(%arg11 : memref<!tpu.dma_semaphore, #tpu.memory_space<semaphore_mem>>)
    %dma_start3A_62 = arith.constant 5 : i32
    %dma_start3A_63 = arith.constant 5 : i32
    %dma_start3A_64 = arith.constant 0 : i32
    %dma_start3A_65 = arith.constant 0 : i32
    %dma_start3A_66 = tpu.memref_slice %arg6[%dma_start3A_63, %dma_start3A_64, %dma_start3A_65] : memref<8x128x64xf32, #tpu.memory_space<vmem>> -> memref<1x128x64xf32, #tpu.memory_space<vmem>>
    %dma_start3A_67 = tpu.memref_squeeze %dma_start3A_66 : memref<1x128x64xf32, #tpu.memory_space<vmem>> -> memref<128x64xf32, #tpu.memory_space<vmem>>
    %dma_start3A_68 = arith.constant 0 : i32
    %dma_start3A_69 = tpu.memref_slice %arg5[%dma_start3A_62, %dma_start3A_68] : memref<200x128xi32, #tpu.memory_space<vmem>> -> memref<1x128xi32, #tpu.memory_space<vmem>>
    %dma_start3A_70 = tpu.memref_squeeze %dma_start3A_69 : memref<1x128xi32, #tpu.memory_space<vmem>> -> memref<128xi32, #tpu.memory_space<vmem>>
    %dma_start3A_71 = arith.constant 0 : i32
    %dma_start3A_72 = arith.constant 0 : i32
    %dma_start3A_73 = tpu.memref_slice %arg3[%dma_start3A_71, %dma_start3A_72] : memref<100000x64xf32, #tpu.memory_space<hbm>> -> memref<100000x64xf32, #tpu.memory_space<hbm>>
    tpu.enqueue_indirect_dma source(%dma_start3A_73 : memref<100000x64xf32, #tpu.memory_space<hbm>>) target(%dma_start3A_67 : memref<128x64xf32, #tpu.memory_space<vmem>>) offsets(%dma_start3A_70 : memref<128xi32, #tpu.memory_space<vmem>>) semaphore(%arg12 : memref<!tpu.dma_semaphore, #tpu.memory_space<semaphore_mem>>)
    %scan3A = arith.constant 0 : i32
    %scan3A_74 = arith.constant 0 : i32
    %scan3A_75 = arith.constant 25 : i32
    %scan3A_76 = arith.addi %scan3A_74, %scan3A_75 : i32
    %scan3A_77 = arith.constant 1 : i32
    scf.for %scan3A_260 = %scan3A_74 to %scan3A_76 step %scan3A_77  : i32 {
      %mul3A_261 = arith.constant 8 : i32
      %mul3A_262 = arith.muli %scan3A_260, %mul3A_261 : i32
      %add3A_263 = arith.constant 0 : i32
      %add3A_264 = arith.addi %mul3A_262, %add3A_263 : i32
      %add3A_265 = arith.constant 6 : i32
      %add3A_266 = arith.addi %add3A_264, %add3A_265 : i32
      %lt3A = arith.constant 200 : i32
      %lt3A_267 = arith.cmpi slt, %add3A_266, %lt3A : i32
      %convert_element_type3A = arith.extui %lt3A_267 : i1 to i32
      %cond3A = arith.constant 0 : i32
      %cond3A_268 = arith.cmpi ne, %convert_element_type3A, %cond3A : i32
      scf.if %cond3A_268 {
        %ge3A = arith.constant 8 : i32
        %ge3A_610 = arith.cmpi sge, %add3A_266, %ge3A : i32
        %convert_element_type3A_611 = arith.extui %ge3A_610 : i1 to i32
        %cond3A_612 = arith.constant 0 : i32
        %cond3A_613 = arith.cmpi ne, %convert_element_type3A_611, %cond3A_612 : i32
        scf.if %cond3A_613 {
          %shift_right_logical3A_625 = arith.constant 0 : i32
          %shift_right_logical3A_626 = arith.constant 1 : i32
          %shift_right_logical3A_627 = arith.shrui %shift_right_logical3A_625, %shift_right_logical3A_626 : i32
          %mul3A_628 = arith.constant 128 : i32
          %mul3A_629 = arith.muli %add3A, %mul3A_628 : i32
          %and3A_630 = arith.constant 0 : i32
          %and3A_631 = arith.constant 1 : i32
          %and3A_632 = arith.andi %and3A_630, %and3A_631 : i32
          %mul3A_633 = arith.constant 64 : i32
          %mul3A_634 = arith.muli %and3A_632, %mul3A_633 : i32
          %dma_wait3A_635 = arith.constant 6 : i32
          %dma_wait3A_636 = arith.constant 0 : i32
          %dma_wait3A_637 = arith.constant 0 : i32
          %dma_wait3A_638 = tpu.memref_slice %arg6[%dma_wait3A_635, %dma_wait3A_636, %dma_wait3A_637] : memref<8x128x64xf32, #tpu.memory_space<vmem>> -> memref<1x128x64xf32, #tpu.memory_space<vmem>>
          %dma_wait3A_639 = tpu.memref_squeeze %dma_wait3A_638 : memref<1x128x64xf32, #tpu.memory_space<vmem>> -> memref<128x64xf32, #tpu.memory_space<vmem>>
          %dma_wait3A_640 = tpu.memref_slice %arg4[%shift_right_logical3A_627, %mul3A_629, %mul3A_634] : memref<100x4096x128xf32, #tpu.memory_space<hbm>> -> memref<1x128x64xf32, #tpu.memory_space<hbm>>
          %dma_wait3A_641 = tpu.memref_squeeze %dma_wait3A_640 : memref<1x128x64xf32, #tpu.memory_space<hbm>> -> memref<128x64xf32, #tpu.memory_space<hbm>>
          %dma_wait3A_642 = tpu.memref_slice %arg4[%shift_right_logical3A_627, %mul3A_629, %mul3A_634] : memref<100x4096x128xf32, #tpu.memory_space<hbm>> -> memref<1x128x64xf32, #tpu.memory_space<hbm>>
          %dma_wait3A_643 = tpu.memref_squeeze %dma_wait3A_642 : memref<1x128x64xf32, #tpu.memory_space<hbm>> -> memref<128x64xf32, #tpu.memory_space<hbm>>
          %dma_wait3A_644 = arith.constant 0 : i32
          %dma_wait3A_645 = arith.constant 0 : i32
          %dma_wait3A_646 = tpu.memref_slice %arg6[%dma_wait3A_635, %dma_wait3A_644, %dma_wait3A_645] : memref<8x128x64xf32, #tpu.memory_space<vmem>> -> memref<1x128x64xf32, #tpu.memory_space<vmem>>
          %dma_wait3A_647 = tpu.memref_squeeze %dma_wait3A_646 : memref<1x128x64xf32, #tpu.memory_space<vmem>> -> memref<128x64xf32, #tpu.memory_space<vmem>>
          tpu.wait_dma2 semaphore(%arg21 : memref<!tpu.dma_semaphore, #tpu.memory_space<semaphore_mem>>) src(%dma_wait3A_647 : memref<128x64xf32, #tpu.memory_space<vmem>>) dst(%dma_wait3A_643 : memref<128x64xf32, #tpu.memory_space<hbm>>)
        } else {
        }
        %dma_start3A_614 = arith.constant 6 : i32
        %dma_start3A_615 = arith.constant 0 : i32
        %dma_start3A_616 = arith.constant 0 : i32
        %dma_start3A_617 = tpu.memref_slice %arg6[%dma_start3A_614, %dma_start3A_615, %dma_start3A_616] : memref<8x128x64xf32, #tpu.memory_space<vmem>> -> memref<1x128x64xf32, #tpu.memory_space<vmem>>
        %dma_start3A_618 = tpu.memref_squeeze %dma_start3A_617 : memref<1x128x64xf32, #tpu.memory_space<vmem>> -> memref<128x64xf32, #tpu.memory_space<vmem>>
        %dma_start3A_619 = arith.constant 0 : i32
        %dma_start3A_620 = tpu.memref_slice %arg5[%add3A_266, %dma_start3A_619] : memref<200x128xi32, #tpu.memory_space<vmem>> -> memref<1x128xi32, #tpu.memory_space<vmem>>
        %dma_start3A_621 = tpu.memref_squeeze %dma_start3A_620 : memref<1x128xi32, #tpu.memory_space<vmem>> -> memref<128xi32, #tpu.memory_space<vmem>>
        %dma_start3A_622 = arith.constant 0 : i32
        %dma_start3A_623 = arith.constant 0 : i32
        %dma_start3A_624 = tpu.memref_slice %arg3[%dma_start3A_622, %dma_start3A_623] : memref<100000x64xf32, #tpu.memory_space<hbm>> -> memref<100000x64xf32, #tpu.memory_space<hbm>>
        tpu.enqueue_indirect_dma source(%dma_start3A_624 : memref<100000x64xf32, #tpu.memory_space<hbm>>) target(%dma_start3A_618 : memref<128x64xf32, #tpu.memory_space<vmem>>) offsets(%dma_start3A_621 : memref<128xi32, #tpu.memory_space<vmem>>) semaphore(%arg13 : memref<!tpu.dma_semaphore, #tpu.memory_space<semaphore_mem>>)
      } else {
      }
      %dma_wait3A_269 = arith.constant 0 : i32
      %dma_wait3A_270 = arith.constant 0 : i32
      %dma_wait3A_271 = arith.constant 0 : i32
      %dma_wait3A_272 = arith.constant 0 : i32
      %dma_wait3A_273 = tpu.memref_slice %arg6[%dma_wait3A_270, %dma_wait3A_271, %dma_wait3A_272] : memref<8x128x64xf32, #tpu.memory_space<vmem>> -> memref<1x128x64xf32, #tpu.memory_space<vmem>>
      %dma_wait3A_274 = tpu.memref_squeeze %dma_wait3A_273 : memref<1x128x64xf32, #tpu.memory_space<vmem>> -> memref<128x64xf32, #tpu.memory_space<vmem>>
      %dma_wait3A_275 = arith.constant 0 : i32
      %dma_wait3A_276 = tpu.memref_slice %arg5[%dma_wait3A_269, %dma_wait3A_275] : memref<200x128xi32, #tpu.memory_space<vmem>> -> memref<1x128xi32, #tpu.memory_space<vmem>>
      %dma_wait3A_277 = tpu.memref_squeeze %dma_wait3A_276 : memref<1x128xi32, #tpu.memory_space<vmem>> -> memref<128xi32, #tpu.memory_space<vmem>>
      %dma_wait3A_278 = arith.constant 0 : i32
      %dma_wait3A_279 = arith.constant 0 : i32
      %dma_wait3A_280 = tpu.memref_slice %arg3[%dma_wait3A_278, %dma_wait3A_279] : memref<100000x64xf32, #tpu.memory_space<hbm>> -> memref<100000x64xf32, #tpu.memory_space<hbm>>
      tpu.wait_indirect_dma semaphore(%arg7 : memref<!tpu.dma_semaphore, #tpu.memory_space<semaphore_mem>>) src(%dma_wait3A_280 : memref<100000x64xf32, #tpu.memory_space<hbm>>) dst(%dma_wait3A_274 : memref<128x64xf32, #tpu.memory_space<vmem>>)
      %shift_right_logical3A_281 = arith.constant 1 : i32
      %shift_right_logical3A_282 = arith.shrui %add3A_264, %shift_right_logical3A_281 : i32
      %mul3A_283 = arith.constant 128 : i32
      %mul3A_284 = arith.muli %add3A, %mul3A_283 : i32
      %and3A_285 = arith.constant 1 : i32
      %and3A_286 = arith.andi %add3A_264, %and3A_285 : i32
      %mul3A_287 = arith.constant 64 : i32
      %mul3A_288 = arith.muli %and3A_286, %mul3A_287 : i32
      %dma_start3A_289 = arith.constant 0 : i32
      %dma_start3A_290 = arith.constant 0 : i32
      %dma_start3A_291 = arith.constant 0 : i32
      %dma_start3A_292 = tpu.memref_slice %arg6[%dma_start3A_289, %dma_start3A_290, %dma_start3A_291] : memref<8x128x64xf32, #tpu.memory_space<vmem>> -> memref<1x128x64xf32, #tpu.memory_space<vmem>>
      %dma_start3A_293 = tpu.memref_squeeze %dma_start3A_292 : memref<1x128x64xf32, #tpu.memory_space<vmem>> -> memref<128x64xf32, #tpu.memory_space<vmem>>
      %dma_start3A_294 = tpu.memref_slice %arg4[%shift_right_logical3A_282, %mul3A_284, %mul3A_288] : memref<100x4096x128xf32, #tpu.memory_space<hbm>> -> memref<1x128x64xf32, #tpu.memory_space<hbm>>
      %dma_start3A_295 = tpu.memref_squeeze %dma_start3A_294 : memref<1x128x64xf32, #tpu.memory_space<hbm>> -> memref<128x64xf32, #tpu.memory_space<hbm>>
      %dma_start3A_296 = tpu.memref_slice %arg4[%shift_right_logical3A_282, %mul3A_284, %mul3A_288] : memref<100x4096x128xf32, #tpu.memory_space<hbm>> -> memref<1x128x64xf32, #tpu.memory_space<hbm>>
      %dma_start3A_297 = tpu.memref_squeeze %dma_start3A_296 : memref<1x128x64xf32, #tpu.memory_space<hbm>> -> memref<128x64xf32, #tpu.memory_space<hbm>>
      %dma_start3A_298 = arith.constant 0 : i32
      %dma_start3A_299 = arith.constant 0 : i32
      %dma_start3A_300 = tpu.memref_slice %arg6[%dma_start3A_289, %dma_start3A_298, %dma_start3A_299] : memref<8x128x64xf32, #tpu.memory_space<vmem>> -> memref<1x128x64xf32, #tpu.memory_space<vmem>>
      %dma_start3A_301 = tpu.memref_squeeze %dma_start3A_300 : memref<1x128x64xf32, #tpu.memory_space<vmem>> -> memref<128x64xf32, #tpu.memory_space<vmem>>
      tpu.enqueue_dma source(%dma_start3A_301 : memref<128x64xf32, #tpu.memory_space<vmem>>) target(%dma_start3A_297 : memref<128x64xf32, #tpu.memory_space<hbm>>) target_semaphore(%arg15 : memref<!tpu.dma_semaphore, #tpu.memory_space<semaphore_mem>>)
      %mul3A_302 = arith.constant 8 : i32
      %mul3A_303 = arith.muli %scan3A_260, %mul3A_302 : i32
      %add3A_304 = arith.constant 1 : i32
      %add3A_305 = arith.addi %mul3A_303, %add3A_304 : i32
      %add3A_306 = arith.constant 6 : i32
      %add3A_307 = arith.addi %add3A_305, %add3A_306 : i32
      %lt3A_308 = arith.constant 200 : i32
      %lt3A_309 = arith.cmpi slt, %add3A_307, %lt3A_308 : i32
      %convert_element_type3A_310 = arith.extui %lt3A_309 : i1 to i32
      %cond3A_311 = arith.constant 0 : i32
      %cond3A_312 = arith.cmpi ne, %convert_element_type3A_310, %cond3A_311 : i32
      scf.if %cond3A_312 {
        %ge3A = arith.constant 8 : i32
        %ge3A_610 = arith.cmpi sge, %add3A_307, %ge3A : i32
        %convert_element_type3A_611 = arith.extui %ge3A_610 : i1 to i32
        %cond3A_612 = arith.constant 0 : i32
        %cond3A_613 = arith.cmpi ne, %convert_element_type3A_611, %cond3A_612 : i32
        scf.if %cond3A_613 {
          %shift_right_logical3A_625 = arith.constant 0 : i32
          %shift_right_logical3A_626 = arith.constant 1 : i32
          %shift_right_logical3A_627 = arith.shrui %shift_right_logical3A_625, %shift_right_logical3A_626 : i32
          %mul3A_628 = arith.constant 128 : i32
          %mul3A_629 = arith.muli %add3A, %mul3A_628 : i32
          %and3A_630 = arith.constant 0 : i32
          %and3A_631 = arith.constant 1 : i32
          %and3A_632 = arith.andi %and3A_630, %and3A_631 : i32
          %mul3A_633 = arith.constant 64 : i32
          %mul3A_634 = arith.muli %and3A_632, %mul3A_633 : i32
          %dma_wait3A_635 = arith.constant 7 : i32
          %dma_wait3A_636 = arith.constant 0 : i32
          %dma_wait3A_637 = arith.constant 0 : i32
          %dma_wait3A_638 = tpu.memref_slice %arg6[%dma_wait3A_635, %dma_wait3A_636, %dma_wait3A_637] : memref<8x128x64xf32, #tpu.memory_space<vmem>> -> memref<1x128x64xf32, #tpu.memory_space<vmem>>
          %dma_wait3A_639 = tpu.memref_squeeze %dma_wait3A_638 : memref<1x128x64xf32, #tpu.memory_space<vmem>> -> memref<128x64xf32, #tpu.memory_space<vmem>>
          %dma_wait3A_640 = tpu.memref_slice %arg4[%shift_right_logical3A_627, %mul3A_629, %mul3A_634] : memref<100x4096x128xf32, #tpu.memory_space<hbm>> -> memref<1x128x64xf32, #tpu.memory_space<hbm>>
          %dma_wait3A_641 = tpu.memref_squeeze %dma_wait3A_640 : memref<1x128x64xf32, #tpu.memory_space<hbm>> -> memref<128x64xf32, #tpu.memory_space<hbm>>
          %dma_wait3A_642 = tpu.memref_slice %arg4[%shift_right_logical3A_627, %mul3A_629, %mul3A_634] : memref<100x4096x128xf32, #tpu.memory_space<hbm>> -> memref<1x128x64xf32, #tpu.memory_space<hbm>>
          %dma_wait3A_643 = tpu.memref_squeeze %dma_wait3A_642 : memref<1x128x64xf32, #tpu.memory_space<hbm>> -> memref<128x64xf32, #tpu.memory_space<hbm>>
          %dma_wait3A_644 = arith.constant 0 : i32
          %dma_wait3A_645 = arith.constant 0 : i32
          %dma_wait3A_646 = tpu.memref_slice %arg6[%dma_wait3A_635, %dma_wait3A_644, %dma_wait3A_645] : memref<8x128x64xf32, #tpu.memory_space<vmem>> -> memref<1x128x64xf32, #tpu.memory_space<vmem>>
          %dma_wait3A_647 = tpu.memref_squeeze %dma_wait3A_646 : memref<1x128x64xf32, #tpu.memory_space<vmem>> -> memref<128x64xf32, #tpu.memory_space<vmem>>
          tpu.wait_dma2 semaphore(%arg22 : memref<!tpu.dma_semaphore, #tpu.memory_space<semaphore_mem>>) src(%dma_wait3A_647 : memref<128x64xf32, #tpu.memory_space<vmem>>) dst(%dma_wait3A_643 : memref<128x64xf32, #tpu.memory_space<hbm>>)
        } else {
        }
        %dma_start3A_614 = arith.constant 7 : i32
        %dma_start3A_615 = arith.constant 0 : i32
        %dma_start3A_616 = arith.constant 0 : i32
        %dma_start3A_617 = tpu.memref_slice %arg6[%dma_start3A_614, %dma_start3A_615, %dma_start3A_616] : memref<8x128x64xf32, #tpu.memory_space<vmem>> -> memref<1x128x64xf32, #tpu.memory_space<vmem>>
        %dma_start3A_618 = tpu.memref_squeeze %dma_start3A_617 : memref<1x128x64xf32, #tpu.memory_space<vmem>> -> memref<128x64xf32, #tpu.memory_space<vmem>>
        %dma_start3A_619 = arith.constant 0 : i32
        %dma_start3A_620 = tpu.memref_slice %arg5[%add3A_307, %dma_start3A_619] : memref<200x128xi32, #tpu.memory_space<vmem>> -> memref<1x128xi32, #tpu.memory_space<vmem>>
        %dma_start3A_621 = tpu.memref_squeeze %dma_start3A_620 : memref<1x128xi32, #tpu.memory_space<vmem>> -> memref<128xi32, #tpu.memory_space<vmem>>
        %dma_start3A_622 = arith.constant 0 : i32
        %dma_start3A_623 = arith.constant 0 : i32
        %dma_start3A_624 = tpu.memref_slice %arg3[%dma_start3A_622, %dma_start3A_623] : memref<100000x64xf32, #tpu.memory_space<hbm>> -> memref<100000x64xf32, #tpu.memory_space<hbm>>
        tpu.enqueue_indirect_dma source(%dma_start3A_624 : memref<100000x64xf32, #tpu.memory_space<hbm>>) target(%dma_start3A_618 : memref<128x64xf32, #tpu.memory_space<vmem>>) offsets(%dma_start3A_621 : memref<128xi32, #tpu.memory_space<vmem>>) semaphore(%arg14 : memref<!tpu.dma_semaphore, #tpu.memory_space<semaphore_mem>>)
      } else {
      }
      %dma_wait3A_313 = arith.constant 0 : i32
      %dma_wait3A_314 = arith.constant 1 : i32
      %dma_wait3A_315 = arith.constant 0 : i32
      %dma_wait3A_316 = arith.constant 0 : i32
      %dma_wait3A_317 = tpu.memref_slice %arg6[%dma_wait3A_314, %dma_wait3A_315, %dma_wait3A_316] : memref<8x128x64xf32, #tpu.memory_space<vmem>> -> memref<1x128x64xf32, #tpu.memory_space<vmem>>
      %dma_wait3A_318 = tpu.memref_squeeze %dma_wait3A_317 : memref<1x128x64xf32, #tpu.memory_space<vmem>> -> memref<128x64xf32, #tpu.memory_space<vmem>>
      %dma_wait3A_319 = arith.constant 0 : i32
      %dma_wait3A_320 = tpu.memref_slice %arg5[%dma_wait3A_313, %dma_wait3A_319] : memref<200x128xi32, #tpu.memory_space<vmem>> -> memref<1x128xi32, #tpu.memory_space<vmem>>
      %dma_wait3A_321 = tpu.memref_squeeze %dma_wait3A_320 : memref<1x128xi32, #tpu.memory_space<vmem>> -> memref<128xi32, #tpu.memory_space<vmem>>
      %dma_wait3A_322 = arith.constant 0 : i32
      %dma_wait3A_323 = arith.constant 0 : i32
      %dma_wait3A_324 = tpu.memref_slice %arg3[%dma_wait3A_322, %dma_wait3A_323] : memref<100000x64xf32, #tpu.memory_space<hbm>> -> memref<100000x64xf32, #tpu.memory_space<hbm>>
      tpu.wait_indirect_dma semaphore(%arg8 : memref<!tpu.dma_semaphore, #tpu.memory_space<semaphore_mem>>) src(%dma_wait3A_324 : memref<100000x64xf32, #tpu.memory_space<hbm>>) dst(%dma_wait3A_318 : memref<128x64xf32, #tpu.memory_space<vmem>>)
      %shift_right_logical3A_325 = arith.constant 1 : i32
      %shift_right_logical3A_326 = arith.shrui %add3A_305, %shift_right_logical3A_325 : i32
      %mul3A_327 = arith.constant 128 : i32
      %mul3A_328 = arith.muli %add3A, %mul3A_327 : i32
      %and3A_329 = arith.constant 1 : i32
      %and3A_330 = arith.andi %add3A_305, %and3A_329 : i32
      %mul3A_331 = arith.constant 64 : i32
      %mul3A_332 = arith.muli %and3A_330, %mul3A_331 : i32
      %dma_start3A_333 = arith.constant 1 : i32
      %dma_start3A_334 = arith.constant 0 : i32
      %dma_start3A_335 = arith.constant 0 : i32
      %dma_start3A_336 = tpu.memref_slice %arg6[%dma_start3A_333, %dma_start3A_334, %dma_start3A_335] : memref<8x128x64xf32, #tpu.memory_space<vmem>> -> memref<1x128x64xf32, #tpu.memory_space<vmem>>
      %dma_start3A_337 = tpu.memref_squeeze %dma_start3A_336 : memref<1x128x64xf32, #tpu.memory_space<vmem>> -> memref<128x64xf32, #tpu.memory_space<vmem>>
      %dma_start3A_338 = tpu.memref_slice %arg4[%shift_right_logical3A_326, %mul3A_328, %mul3A_332] : memref<100x4096x128xf32, #tpu.memory_space<hbm>> -> memref<1x128x64xf32, #tpu.memory_space<hbm>>
      %dma_start3A_339 = tpu.memref_squeeze %dma_start3A_338 : memref<1x128x64xf32, #tpu.memory_space<hbm>> -> memref<128x64xf32, #tpu.memory_space<hbm>>
      %dma_start3A_340 = tpu.memref_slice %arg4[%shift_right_logical3A_326, %mul3A_328, %mul3A_332] : memref<100x4096x128xf32, #tpu.memory_space<hbm>> -> memref<1x128x64xf32, #tpu.memory_space<hbm>>
      %dma_start3A_341 = tpu.memref_squeeze %dma_start3A_340 : memref<1x128x64xf32, #tpu.memory_space<hbm>> -> memref<128x64xf32, #tpu.memory_space<hbm>>
      %dma_start3A_342 = arith.constant 0 : i32
      %dma_start3A_343 = arith.constant 0 : i32
      %dma_start3A_344 = tpu.memref_slice %arg6[%dma_start3A_333, %dma_start3A_342, %dma_start3A_343] : memref<8x128x64xf32, #tpu.memory_space<vmem>> -> memref<1x128x64xf32, #tpu.memory_space<vmem>>
      %dma_start3A_345 = tpu.memref_squeeze %dma_start3A_344 : memref<1x128x64xf32, #tpu.memory_space<vmem>> -> memref<128x64xf32, #tpu.memory_space<vmem>>
      tpu.enqueue_dma source(%dma_start3A_345 : memref<128x64xf32, #tpu.memory_space<vmem>>) target(%dma_start3A_341 : memref<128x64xf32, #tpu.memory_space<hbm>>) target_semaphore(%arg16 : memref<!tpu.dma_semaphore, #tpu.memory_space<semaphore_mem>>)
      %mul3A_346 = arith.constant 8 : i32
      %mul3A_347 = arith.muli %scan3A_260, %mul3A_346 : i32
      %add3A_348 = arith.constant 2 : i32
      %add3A_349 = arith.addi %mul3A_347, %add3A_348 : i32
      %add3A_350 = arith.constant 6 : i32
      %add3A_351 = arith.addi %add3A_349, %add3A_350 : i32
      %lt3A_352 = arith.constant 200 : i32
      %lt3A_353 = arith.cmpi slt, %add3A_351, %lt3A_352 : i32
      %convert_element_type3A_354 = arith.extui %lt3A_353 : i1 to i32
      %cond3A_355 = arith.constant 0 : i32
      %cond3A_356 = arith.cmpi ne, %convert_element_type3A_354, %cond3A_355 : i32
      scf.if %cond3A_356 {
        %ge3A = arith.constant 8 : i32
        %ge3A_610 = arith.cmpi sge, %add3A_351, %ge3A : i32
        %convert_element_type3A_611 = arith.extui %ge3A_610 : i1 to i32
        %cond3A_612 = arith.constant 0 : i32
        %cond3A_613 = arith.cmpi ne, %convert_element_type3A_611, %cond3A_612 : i32
        scf.if %cond3A_613 {
          %shift_right_logical3A_625 = arith.constant 0 : i32
          %shift_right_logical3A_626 = arith.constant 1 : i32
          %shift_right_logical3A_627 = arith.shrui %shift_right_logical3A_625, %shift_right_logical3A_626 : i32
          %mul3A_628 = arith.constant 128 : i32
          %mul3A_629 = arith.muli %add3A, %mul3A_628 : i32
          %and3A_630 = arith.constant 0 : i32
          %and3A_631 = arith.constant 1 : i32
          %and3A_632 = arith.andi %and3A_630, %and3A_631 : i32
          %mul3A_633 = arith.constant 64 : i32
          %mul3A_634 = arith.muli %and3A_632, %mul3A_633 : i32
          %dma_wait3A_635 = arith.constant 0 : i32
          %dma_wait3A_636 = arith.constant 0 : i32
          %dma_wait3A_637 = arith.constant 0 : i32
          %dma_wait3A_638 = tpu.memref_slice %arg6[%dma_wait3A_635, %dma_wait3A_636, %dma_wait3A_637] : memref<8x128x64xf32, #tpu.memory_space<vmem>> -> memref<1x128x64xf32, #tpu.memory_space<vmem>>
          %dma_wait3A_639 = tpu.memref_squeeze %dma_wait3A_638 : memref<1x128x64xf32, #tpu.memory_space<vmem>> -> memref<128x64xf32, #tpu.memory_space<vmem>>
          %dma_wait3A_640 = tpu.memref_slice %arg4[%shift_right_logical3A_627, %mul3A_629, %mul3A_634] : memref<100x4096x128xf32, #tpu.memory_space<hbm>> -> memref<1x128x64xf32, #tpu.memory_space<hbm>>
          %dma_wait3A_641 = tpu.memref_squeeze %dma_wait3A_640 : memref<1x128x64xf32, #tpu.memory_space<hbm>> -> memref<128x64xf32, #tpu.memory_space<hbm>>
          %dma_wait3A_642 = tpu.memref_slice %arg4[%shift_right_logical3A_627, %mul3A_629, %mul3A_634] : memref<100x4096x128xf32, #tpu.memory_space<hbm>> -> memref<1x128x64xf32, #tpu.memory_space<hbm>>
          %dma_wait3A_643 = tpu.memref_squeeze %dma_wait3A_642 : memref<1x128x64xf32, #tpu.memory_space<hbm>> -> memref<128x64xf32, #tpu.memory_space<hbm>>
          %dma_wait3A_644 = arith.constant 0 : i32
          %dma_wait3A_645 = arith.constant 0 : i32
          %dma_wait3A_646 = tpu.memref_slice %arg6[%dma_wait3A_635, %dma_wait3A_644, %dma_wait3A_645] : memref<8x128x64xf32, #tpu.memory_space<vmem>> -> memref<1x128x64xf32, #tpu.memory_space<vmem>>
          %dma_wait3A_647 = tpu.memref_squeeze %dma_wait3A_646 : memref<1x128x64xf32, #tpu.memory_space<vmem>> -> memref<128x64xf32, #tpu.memory_space<vmem>>
          tpu.wait_dma2 semaphore(%arg15 : memref<!tpu.dma_semaphore, #tpu.memory_space<semaphore_mem>>) src(%dma_wait3A_647 : memref<128x64xf32, #tpu.memory_space<vmem>>) dst(%dma_wait3A_643 : memref<128x64xf32, #tpu.memory_space<hbm>>)
        } else {
        }
        %dma_start3A_614 = arith.constant 0 : i32
        %dma_start3A_615 = arith.constant 0 : i32
        %dma_start3A_616 = arith.constant 0 : i32
        %dma_start3A_617 = tpu.memref_slice %arg6[%dma_start3A_614, %dma_start3A_615, %dma_start3A_616] : memref<8x128x64xf32, #tpu.memory_space<vmem>> -> memref<1x128x64xf32, #tpu.memory_space<vmem>>
        %dma_start3A_618 = tpu.memref_squeeze %dma_start3A_617 : memref<1x128x64xf32, #tpu.memory_space<vmem>> -> memref<128x64xf32, #tpu.memory_space<vmem>>
        %dma_start3A_619 = arith.constant 0 : i32
        %dma_start3A_620 = tpu.memref_slice %arg5[%add3A_351, %dma_start3A_619] : memref<200x128xi32, #tpu.memory_space<vmem>> -> memref<1x128xi32, #tpu.memory_space<vmem>>
        %dma_start3A_621 = tpu.memref_squeeze %dma_start3A_620 : memref<1x128xi32, #tpu.memory_space<vmem>> -> memref<128xi32, #tpu.memory_space<vmem>>
        %dma_start3A_622 = arith.constant 0 : i32
        %dma_start3A_623 = arith.constant 0 : i32
        %dma_start3A_624 = tpu.memref_slice %arg3[%dma_start3A_622, %dma_start3A_623] : memref<100000x64xf32, #tpu.memory_space<hbm>> -> memref<100000x64xf32, #tpu.memory_space<hbm>>
        tpu.enqueue_indirect_dma source(%dma_start3A_624 : memref<100000x64xf32, #tpu.memory_space<hbm>>) target(%dma_start3A_618 : memref<128x64xf32, #tpu.memory_space<vmem>>) offsets(%dma_start3A_621 : memref<128xi32, #tpu.memory_space<vmem>>) semaphore(%arg7 : memref<!tpu.dma_semaphore, #tpu.memory_space<semaphore_mem>>)
      } else {
      }
      %dma_wait3A_357 = arith.constant 0 : i32
      %dma_wait3A_358 = arith.constant 2 : i32
      %dma_wait3A_359 = arith.constant 0 : i32
      %dma_wait3A_360 = arith.constant 0 : i32
      %dma_wait3A_361 = tpu.memref_slice %arg6[%dma_wait3A_358, %dma_wait3A_359, %dma_wait3A_360] : memref<8x128x64xf32, #tpu.memory_space<vmem>> -> memref<1x128x64xf32, #tpu.memory_space<vmem>>
      %dma_wait3A_362 = tpu.memref_squeeze %dma_wait3A_361 : memref<1x128x64xf32, #tpu.memory_space<vmem>> -> memref<128x64xf32, #tpu.memory_space<vmem>>
      %dma_wait3A_363 = arith.constant 0 : i32
      %dma_wait3A_364 = tpu.memref_slice %arg5[%dma_wait3A_357, %dma_wait3A_363] : memref<200x128xi32, #tpu.memory_space<vmem>> -> memref<1x128xi32, #tpu.memory_space<vmem>>
      %dma_wait3A_365 = tpu.memref_squeeze %dma_wait3A_364 : memref<1x128xi32, #tpu.memory_space<vmem>> -> memref<128xi32, #tpu.memory_space<vmem>>
      %dma_wait3A_366 = arith.constant 0 : i32
      %dma_wait3A_367 = arith.constant 0 : i32
      %dma_wait3A_368 = tpu.memref_slice %arg3[%dma_wait3A_366, %dma_wait3A_367] : memref<100000x64xf32, #tpu.memory_space<hbm>> -> memref<100000x64xf32, #tpu.memory_space<hbm>>
      tpu.wait_indirect_dma semaphore(%arg9 : memref<!tpu.dma_semaphore, #tpu.memory_space<semaphore_mem>>) src(%dma_wait3A_368 : memref<100000x64xf32, #tpu.memory_space<hbm>>) dst(%dma_wait3A_362 : memref<128x64xf32, #tpu.memory_space<vmem>>)
      %shift_right_logical3A_369 = arith.constant 1 : i32
      %shift_right_logical3A_370 = arith.shrui %add3A_349, %shift_right_logical3A_369 : i32
      %mul3A_371 = arith.constant 128 : i32
      %mul3A_372 = arith.muli %add3A, %mul3A_371 : i32
      %and3A_373 = arith.constant 1 : i32
      %and3A_374 = arith.andi %add3A_349, %and3A_373 : i32
      %mul3A_375 = arith.constant 64 : i32
      %mul3A_376 = arith.muli %and3A_374, %mul3A_375 : i32
      %dma_start3A_377 = arith.constant 2 : i32
      %dma_start3A_378 = arith.constant 0 : i32
      %dma_start3A_379 = arith.constant 0 : i32
      %dma_start3A_380 = tpu.memref_slice %arg6[%dma_start3A_377, %dma_start3A_378, %dma_start3A_379] : memref<8x128x64xf32, #tpu.memory_space<vmem>> -> memref<1x128x64xf32, #tpu.memory_space<vmem>>
      %dma_start3A_381 = tpu.memref_squeeze %dma_start3A_380 : memref<1x128x64xf32, #tpu.memory_space<vmem>> -> memref<128x64xf32, #tpu.memory_space<vmem>>
      %dma_start3A_382 = tpu.memref_slice %arg4[%shift_right_logical3A_370, %mul3A_372, %mul3A_376] : memref<100x4096x128xf32, #tpu.memory_space<hbm>> -> memref<1x128x64xf32, #tpu.memory_space<hbm>>
      %dma_start3A_383 = tpu.memref_squeeze %dma_start3A_382 : memref<1x128x64xf32, #tpu.memory_space<hbm>> -> memref<128x64xf32, #tpu.memory_space<hbm>>
      %dma_start3A_384 = tpu.memref_slice %arg4[%shift_right_logical3A_370, %mul3A_372, %mul3A_376] : memref<100x4096x128xf32, #tpu.memory_space<hbm>> -> memref<1x128x64xf32, #tpu.memory_space<hbm>>
      %dma_start3A_385 = tpu.memref_squeeze %dma_start3A_384 : memref<1x128x64xf32, #tpu.memory_space<hbm>> -> memref<128x64xf32, #tpu.memory_space<hbm>>
      %dma_start3A_386 = arith.constant 0 : i32
      %dma_start3A_387 = arith.constant 0 : i32
      %dma_start3A_388 = tpu.memref_slice %arg6[%dma_start3A_377, %dma_start3A_386, %dma_start3A_387] : memref<8x128x64xf32, #tpu.memory_space<vmem>> -> memref<1x128x64xf32, #tpu.memory_space<vmem>>
      %dma_start3A_389 = tpu.memref_squeeze %dma_start3A_388 : memref<1x128x64xf32, #tpu.memory_space<vmem>> -> memref<128x64xf32, #tpu.memory_space<vmem>>
      tpu.enqueue_dma source(%dma_start3A_389 : memref<128x64xf32, #tpu.memory_space<vmem>>) target(%dma_start3A_385 : memref<128x64xf32, #tpu.memory_space<hbm>>) target_semaphore(%arg17 : memref<!tpu.dma_semaphore, #tpu.memory_space<semaphore_mem>>)
      %mul3A_390 = arith.constant 8 : i32
      %mul3A_391 = arith.muli %scan3A_260, %mul3A_390 : i32
      %add3A_392 = arith.constant 3 : i32
      %add3A_393 = arith.addi %mul3A_391, %add3A_392 : i32
      %add3A_394 = arith.constant 6 : i32
      %add3A_395 = arith.addi %add3A_393, %add3A_394 : i32
      %lt3A_396 = arith.constant 200 : i32
      %lt3A_397 = arith.cmpi slt, %add3A_395, %lt3A_396 : i32
      %convert_element_type3A_398 = arith.extui %lt3A_397 : i1 to i32
      %cond3A_399 = arith.constant 0 : i32
      %cond3A_400 = arith.cmpi ne, %convert_element_type3A_398, %cond3A_399 : i32
      scf.if %cond3A_400 {
        %ge3A = arith.constant 8 : i32
        %ge3A_610 = arith.cmpi sge, %add3A_395, %ge3A : i32
        %convert_element_type3A_611 = arith.extui %ge3A_610 : i1 to i32
        %cond3A_612 = arith.constant 0 : i32
        %cond3A_613 = arith.cmpi ne, %convert_element_type3A_611, %cond3A_612 : i32
        scf.if %cond3A_613 {
          %shift_right_logical3A_625 = arith.constant 0 : i32
          %shift_right_logical3A_626 = arith.constant 1 : i32
          %shift_right_logical3A_627 = arith.shrui %shift_right_logical3A_625, %shift_right_logical3A_626 : i32
          %mul3A_628 = arith.constant 128 : i32
          %mul3A_629 = arith.muli %add3A, %mul3A_628 : i32
          %and3A_630 = arith.constant 0 : i32
          %and3A_631 = arith.constant 1 : i32
          %and3A_632 = arith.andi %and3A_630, %and3A_631 : i32
          %mul3A_633 = arith.constant 64 : i32
          %mul3A_634 = arith.muli %and3A_632, %mul3A_633 : i32
          %dma_wait3A_635 = arith.constant 1 : i32
          %dma_wait3A_636 = arith.constant 0 : i32
          %dma_wait3A_637 = arith.constant 0 : i32
          %dma_wait3A_638 = tpu.memref_slice %arg6[%dma_wait3A_635, %dma_wait3A_636, %dma_wait3A_637] : memref<8x128x64xf32, #tpu.memory_space<vmem>> -> memref<1x128x64xf32, #tpu.memory_space<vmem>>
          %dma_wait3A_639 = tpu.memref_squeeze %dma_wait3A_638 : memref<1x128x64xf32, #tpu.memory_space<vmem>> -> memref<128x64xf32, #tpu.memory_space<vmem>>
          %dma_wait3A_640 = tpu.memref_slice %arg4[%shift_right_logical3A_627, %mul3A_629, %mul3A_634] : memref<100x4096x128xf32, #tpu.memory_space<hbm>> -> memref<1x128x64xf32, #tpu.memory_space<hbm>>
          %dma_wait3A_641 = tpu.memref_squeeze %dma_wait3A_640 : memref<1x128x64xf32, #tpu.memory_space<hbm>> -> memref<128x64xf32, #tpu.memory_space<hbm>>
          %dma_wait3A_642 = tpu.memref_slice %arg4[%shift_right_logical3A_627, %mul3A_629, %mul3A_634] : memref<100x4096x128xf32, #tpu.memory_space<hbm>> -> memref<1x128x64xf32, #tpu.memory_space<hbm>>
          %dma_wait3A_643 = tpu.memref_squeeze %dma_wait3A_642 : memref<1x128x64xf32, #tpu.memory_space<hbm>> -> memref<128x64xf32, #tpu.memory_space<hbm>>
          %dma_wait3A_644 = arith.constant 0 : i32
          %dma_wait3A_645 = arith.constant 0 : i32
          %dma_wait3A_646 = tpu.memref_slice %arg6[%dma_wait3A_635, %dma_wait3A_644, %dma_wait3A_645] : memref<8x128x64xf32, #tpu.memory_space<vmem>> -> memref<1x128x64xf32, #tpu.memory_space<vmem>>
          %dma_wait3A_647 = tpu.memref_squeeze %dma_wait3A_646 : memref<1x128x64xf32, #tpu.memory_space<vmem>> -> memref<128x64xf32, #tpu.memory_space<vmem>>
          tpu.wait_dma2 semaphore(%arg16 : memref<!tpu.dma_semaphore, #tpu.memory_space<semaphore_mem>>) src(%dma_wait3A_647 : memref<128x64xf32, #tpu.memory_space<vmem>>) dst(%dma_wait3A_643 : memref<128x64xf32, #tpu.memory_space<hbm>>)
        } else {
        }
        %dma_start3A_614 = arith.constant 1 : i32
        %dma_start3A_615 = arith.constant 0 : i32
        %dma_start3A_616 = arith.constant 0 : i32
        %dma_start3A_617 = tpu.memref_slice %arg6[%dma_start3A_614, %dma_start3A_615, %dma_start3A_616] : memref<8x128x64xf32, #tpu.memory_space<vmem>> -> memref<1x128x64xf32, #tpu.memory_space<vmem>>
        %dma_start3A_618 = tpu.memref_squeeze %dma_start3A_617 : memref<1x128x64xf32, #tpu.memory_space<vmem>> -> memref<128x64xf32, #tpu.memory_space<vmem>>
        %dma_start3A_619 = arith.constant 0 : i32
        %dma_start3A_620 = tpu.memref_slice %arg5[%add3A_395, %dma_start3A_619] : memref<200x128xi32, #tpu.memory_space<vmem>> -> memref<1x128xi32, #tpu.memory_space<vmem>>
        %dma_start3A_621 = tpu.memref_squeeze %dma_start3A_620 : memref<1x128xi32, #tpu.memory_space<vmem>> -> memref<128xi32, #tpu.memory_space<vmem>>
        %dma_start3A_622 = arith.constant 0 : i32
        %dma_start3A_623 = arith.constant 0 : i32
        %dma_start3A_624 = tpu.memref_slice %arg3[%dma_start3A_622, %dma_start3A_623] : memref<100000x64xf32, #tpu.memory_space<hbm>> -> memref<100000x64xf32, #tpu.memory_space<hbm>>
        tpu.enqueue_indirect_dma source(%dma_start3A_624 : memref<100000x64xf32, #tpu.memory_space<hbm>>) target(%dma_start3A_618 : memref<128x64xf32, #tpu.memory_space<vmem>>) offsets(%dma_start3A_621 : memref<128xi32, #tpu.memory_space<vmem>>) semaphore(%arg8 : memref<!tpu.dma_semaphore, #tpu.memory_space<semaphore_mem>>)
      } else {
      }
      %dma_wait3A_401 = arith.constant 0 : i32
      %dma_wait3A_402 = arith.constant 3 : i32
      %dma_wait3A_403 = arith.constant 0 : i32
      %dma_wait3A_404 = arith.constant 0 : i32
      %dma_wait3A_405 = tpu.memref_slice %arg6[%dma_wait3A_402, %dma_wait3A_403, %dma_wait3A_404] : memref<8x128x64xf32, #tpu.memory_space<vmem>> -> memref<1x128x64xf32, #tpu.memory_space<vmem>>
      %dma_wait3A_406 = tpu.memref_squeeze %dma_wait3A_405 : memref<1x128x64xf32, #tpu.memory_space<vmem>> -> memref<128x64xf32, #tpu.memory_space<vmem>>
      %dma_wait3A_407 = arith.constant 0 : i32
      %dma_wait3A_408 = tpu.memref_slice %arg5[%dma_wait3A_401, %dma_wait3A_407] : memref<200x128xi32, #tpu.memory_space<vmem>> -> memref<1x128xi32, #tpu.memory_space<vmem>>
      %dma_wait3A_409 = tpu.memref_squeeze %dma_wait3A_408 : memref<1x128xi32, #tpu.memory_space<vmem>> -> memref<128xi32, #tpu.memory_space<vmem>>
      %dma_wait3A_410 = arith.constant 0 : i32
      %dma_wait3A_411 = arith.constant 0 : i32
      %dma_wait3A_412 = tpu.memref_slice %arg3[%dma_wait3A_410, %dma_wait3A_411] : memref<100000x64xf32, #tpu.memory_space<hbm>> -> memref<100000x64xf32, #tpu.memory_space<hbm>>
      tpu.wait_indirect_dma semaphore(%arg10 : memref<!tpu.dma_semaphore, #tpu.memory_space<semaphore_mem>>) src(%dma_wait3A_412 : memref<100000x64xf32, #tpu.memory_space<hbm>>) dst(%dma_wait3A_406 : memref<128x64xf32, #tpu.memory_space<vmem>>)
      %shift_right_logical3A_413 = arith.constant 1 : i32
      %shift_right_logical3A_414 = arith.shrui %add3A_393, %shift_right_logical3A_413 : i32
      %mul3A_415 = arith.constant 128 : i32
      %mul3A_416 = arith.muli %add3A, %mul3A_415 : i32
      %and3A_417 = arith.constant 1 : i32
      %and3A_418 = arith.andi %add3A_393, %and3A_417 : i32
      %mul3A_419 = arith.constant 64 : i32
      %mul3A_420 = arith.muli %and3A_418, %mul3A_419 : i32
      %dma_start3A_421 = arith.constant 3 : i32
      %dma_start3A_422 = arith.constant 0 : i32
      %dma_start3A_423 = arith.constant 0 : i32
      %dma_start3A_424 = tpu.memref_slice %arg6[%dma_start3A_421, %dma_start3A_422, %dma_start3A_423] : memref<8x128x64xf32, #tpu.memory_space<vmem>> -> memref<1x128x64xf32, #tpu.memory_space<vmem>>
      %dma_start3A_425 = tpu.memref_squeeze %dma_start3A_424 : memref<1x128x64xf32, #tpu.memory_space<vmem>> -> memref<128x64xf32, #tpu.memory_space<vmem>>
      %dma_start3A_426 = tpu.memref_slice %arg4[%shift_right_logical3A_414, %mul3A_416, %mul3A_420] : memref<100x4096x128xf32, #tpu.memory_space<hbm>> -> memref<1x128x64xf32, #tpu.memory_space<hbm>>
      %dma_start3A_427 = tpu.memref_squeeze %dma_start3A_426 : memref<1x128x64xf32, #tpu.memory_space<hbm>> -> memref<128x64xf32, #tpu.memory_space<hbm>>
      %dma_start3A_428 = tpu.memref_slice %arg4[%shift_right_logical3A_414, %mul3A_416, %mul3A_420] : memref<100x4096x128xf32, #tpu.memory_space<hbm>> -> memref<1x128x64xf32, #tpu.memory_space<hbm>>
      %dma_start3A_429 = tpu.memref_squeeze %dma_start3A_428 : memref<1x128x64xf32, #tpu.memory_space<hbm>> -> memref<128x64xf32, #tpu.memory_space<hbm>>
      %dma_start3A_430 = arith.constant 0 : i32
      %dma_start3A_431 = arith.constant 0 : i32
      %dma_start3A_432 = tpu.memref_slice %arg6[%dma_start3A_421, %dma_start3A_430, %dma_start3A_431] : memref<8x128x64xf32, #tpu.memory_space<vmem>> -> memref<1x128x64xf32, #tpu.memory_space<vmem>>
      %dma_start3A_433 = tpu.memref_squeeze %dma_start3A_432 : memref<1x128x64xf32, #tpu.memory_space<vmem>> -> memref<128x64xf32, #tpu.memory_space<vmem>>
      tpu.enqueue_dma source(%dma_start3A_433 : memref<128x64xf32, #tpu.memory_space<vmem>>) target(%dma_start3A_429 : memref<128x64xf32, #tpu.memory_space<hbm>>) target_semaphore(%arg18 : memref<!tpu.dma_semaphore, #tpu.memory_space<semaphore_mem>>)
      %mul3A_434 = arith.constant 8 : i32
      %mul3A_435 = arith.muli %scan3A_260, %mul3A_434 : i32
      %add3A_436 = arith.constant 4 : i32
      %add3A_437 = arith.addi %mul3A_435, %add3A_436 : i32
      %add3A_438 = arith.constant 6 : i32
      %add3A_439 = arith.addi %add3A_437, %add3A_438 : i32
      %lt3A_440 = arith.constant 200 : i32
      %lt3A_441 = arith.cmpi slt, %add3A_439, %lt3A_440 : i32
      %convert_element_type3A_442 = arith.extui %lt3A_441 : i1 to i32
      %cond3A_443 = arith.constant 0 : i32
      %cond3A_444 = arith.cmpi ne, %convert_element_type3A_442, %cond3A_443 : i32
      scf.if %cond3A_444 {
        %ge3A = arith.constant 8 : i32
        %ge3A_610 = arith.cmpi sge, %add3A_439, %ge3A : i32
        %convert_element_type3A_611 = arith.extui %ge3A_610 : i1 to i32
        %cond3A_612 = arith.constant 0 : i32
        %cond3A_613 = arith.cmpi ne, %convert_element_type3A_611, %cond3A_612 : i32
        scf.if %cond3A_613 {
          %shift_right_logical3A_625 = arith.constant 0 : i32
          %shift_right_logical3A_626 = arith.constant 1 : i32
          %shift_right_logical3A_627 = arith.shrui %shift_right_logical3A_625, %shift_right_logical3A_626 : i32
          %mul3A_628 = arith.constant 128 : i32
          %mul3A_629 = arith.muli %add3A, %mul3A_628 : i32
          %and3A_630 = arith.constant 0 : i32
          %and3A_631 = arith.constant 1 : i32
          %and3A_632 = arith.andi %and3A_630, %and3A_631 : i32
          %mul3A_633 = arith.constant 64 : i32
          %mul3A_634 = arith.muli %and3A_632, %mul3A_633 : i32
          %dma_wait3A_635 = arith.constant 2 : i32
          %dma_wait3A_636 = arith.constant 0 : i32
          %dma_wait3A_637 = arith.constant 0 : i32
          %dma_wait3A_638 = tpu.memref_slice %arg6[%dma_wait3A_635, %dma_wait3A_636, %dma_wait3A_637] : memref<8x128x64xf32, #tpu.memory_space<vmem>> -> memref<1x128x64xf32, #tpu.memory_space<vmem>>
          %dma_wait3A_639 = tpu.memref_squeeze %dma_wait3A_638 : memref<1x128x64xf32, #tpu.memory_space<vmem>> -> memref<128x64xf32, #tpu.memory_space<vmem>>
          %dma_wait3A_640 = tpu.memref_slice %arg4[%shift_right_logical3A_627, %mul3A_629, %mul3A_634] : memref<100x4096x128xf32, #tpu.memory_space<hbm>> -> memref<1x128x64xf32, #tpu.memory_space<hbm>>
          %dma_wait3A_641 = tpu.memref_squeeze %dma_wait3A_640 : memref<1x128x64xf32, #tpu.memory_space<hbm>> -> memref<128x64xf32, #tpu.memory_space<hbm>>
          %dma_wait3A_642 = tpu.memref_slice %arg4[%shift_right_logical3A_627, %mul3A_629, %mul3A_634] : memref<100x4096x128xf32, #tpu.memory_space<hbm>> -> memref<1x128x64xf32, #tpu.memory_space<hbm>>
          %dma_wait3A_643 = tpu.memref_squeeze %dma_wait3A_642 : memref<1x128x64xf32, #tpu.memory_space<hbm>> -> memref<128x64xf32, #tpu.memory_space<hbm>>
          %dma_wait3A_644 = arith.constant 0 : i32
          %dma_wait3A_645 = arith.constant 0 : i32
          %dma_wait3A_646 = tpu.memref_slice %arg6[%dma_wait3A_635, %dma_wait3A_644, %dma_wait3A_645] : memref<8x128x64xf32, #tpu.memory_space<vmem>> -> memref<1x128x64xf32, #tpu.memory_space<vmem>>
          %dma_wait3A_647 = tpu.memref_squeeze %dma_wait3A_646 : memref<1x128x64xf32, #tpu.memory_space<vmem>> -> memref<128x64xf32, #tpu.memory_space<vmem>>
          tpu.wait_dma2 semaphore(%arg17 : memref<!tpu.dma_semaphore, #tpu.memory_space<semaphore_mem>>) src(%dma_wait3A_647 : memref<128x64xf32, #tpu.memory_space<vmem>>) dst(%dma_wait3A_643 : memref<128x64xf32, #tpu.memory_space<hbm>>)
        } else {
        }
        %dma_start3A_614 = arith.constant 2 : i32
        %dma_start3A_615 = arith.constant 0 : i32
        %dma_start3A_616 = arith.constant 0 : i32
        %dma_start3A_617 = tpu.memref_slice %arg6[%dma_start3A_614, %dma_start3A_615, %dma_start3A_616] : memref<8x128x64xf32, #tpu.memory_space<vmem>> -> memref<1x128x64xf32, #tpu.memory_space<vmem>>
        %dma_start3A_618 = tpu.memref_squeeze %dma_start3A_617 : memref<1x128x64xf32, #tpu.memory_space<vmem>> -> memref<128x64xf32, #tpu.memory_space<vmem>>
        %dma_start3A_619 = arith.constant 0 : i32
        %dma_start3A_620 = tpu.memref_slice %arg5[%add3A_439, %dma_start3A_619] : memref<200x128xi32, #tpu.memory_space<vmem>> -> memref<1x128xi32, #tpu.memory_space<vmem>>
        %dma_start3A_621 = tpu.memref_squeeze %dma_start3A_620 : memref<1x128xi32, #tpu.memory_space<vmem>> -> memref<128xi32, #tpu.memory_space<vmem>>
        %dma_start3A_622 = arith.constant 0 : i32
        %dma_start3A_623 = arith.constant 0 : i32
        %dma_start3A_624 = tpu.memref_slice %arg3[%dma_start3A_622, %dma_start3A_623] : memref<100000x64xf32, #tpu.memory_space<hbm>> -> memref<100000x64xf32, #tpu.memory_space<hbm>>
        tpu.enqueue_indirect_dma source(%dma_start3A_624 : memref<100000x64xf32, #tpu.memory_space<hbm>>) target(%dma_start3A_618 : memref<128x64xf32, #tpu.memory_space<vmem>>) offsets(%dma_start3A_621 : memref<128xi32, #tpu.memory_space<vmem>>) semaphore(%arg9 : memref<!tpu.dma_semaphore, #tpu.memory_space<semaphore_mem>>)
      } else {
      }
      %dma_wait3A_445 = arith.constant 0 : i32
      %dma_wait3A_446 = arith.constant 4 : i32
      %dma_wait3A_447 = arith.constant 0 : i32
      %dma_wait3A_448 = arith.constant 0 : i32
      %dma_wait3A_449 = tpu.memref_slice %arg6[%dma_wait3A_446, %dma_wait3A_447, %dma_wait3A_448] : memref<8x128x64xf32, #tpu.memory_space<vmem>> -> memref<1x128x64xf32, #tpu.memory_space<vmem>>
      %dma_wait3A_450 = tpu.memref_squeeze %dma_wait3A_449 : memref<1x128x64xf32, #tpu.memory_space<vmem>> -> memref<128x64xf32, #tpu.memory_space<vmem>>
      %dma_wait3A_451 = arith.constant 0 : i32
      %dma_wait3A_452 = tpu.memref_slice %arg5[%dma_wait3A_445, %dma_wait3A_451] : memref<200x128xi32, #tpu.memory_space<vmem>> -> memref<1x128xi32, #tpu.memory_space<vmem>>
      %dma_wait3A_453 = tpu.memref_squeeze %dma_wait3A_452 : memref<1x128xi32, #tpu.memory_space<vmem>> -> memref<128xi32, #tpu.memory_space<vmem>>
      %dma_wait3A_454 = arith.constant 0 : i32
      %dma_wait3A_455 = arith.constant 0 : i32
      %dma_wait3A_456 = tpu.memref_slice %arg3[%dma_wait3A_454, %dma_wait3A_455] : memref<100000x64xf32, #tpu.memory_space<hbm>> -> memref<100000x64xf32, #tpu.memory_space<hbm>>
      tpu.wait_indirect_dma semaphore(%arg11 : memref<!tpu.dma_semaphore, #tpu.memory_space<semaphore_mem>>) src(%dma_wait3A_456 : memref<100000x64xf32, #tpu.memory_space<hbm>>) dst(%dma_wait3A_450 : memref<128x64xf32, #tpu.memory_space<vmem>>)
      %shift_right_logical3A_457 = arith.constant 1 : i32
      %shift_right_logical3A_458 = arith.shrui %add3A_437, %shift_right_logical3A_457 : i32
      %mul3A_459 = arith.constant 128 : i32
      %mul3A_460 = arith.muli %add3A, %mul3A_459 : i32
      %and3A_461 = arith.constant 1 : i32
      %and3A_462 = arith.andi %add3A_437, %and3A_461 : i32
      %mul3A_463 = arith.constant 64 : i32
      %mul3A_464 = arith.muli %and3A_462, %mul3A_463 : i32
      %dma_start3A_465 = arith.constant 4 : i32
      %dma_start3A_466 = arith.constant 0 : i32
      %dma_start3A_467 = arith.constant 0 : i32
      %dma_start3A_468 = tpu.memref_slice %arg6[%dma_start3A_465, %dma_start3A_466, %dma_start3A_467] : memref<8x128x64xf32, #tpu.memory_space<vmem>> -> memref<1x128x64xf32, #tpu.memory_space<vmem>>
      %dma_start3A_469 = tpu.memref_squeeze %dma_start3A_468 : memref<1x128x64xf32, #tpu.memory_space<vmem>> -> memref<128x64xf32, #tpu.memory_space<vmem>>
      %dma_start3A_470 = tpu.memref_slice %arg4[%shift_right_logical3A_458, %mul3A_460, %mul3A_464] : memref<100x4096x128xf32, #tpu.memory_space<hbm>> -> memref<1x128x64xf32, #tpu.memory_space<hbm>>
      %dma_start3A_471 = tpu.memref_squeeze %dma_start3A_470 : memref<1x128x64xf32, #tpu.memory_space<hbm>> -> memref<128x64xf32, #tpu.memory_space<hbm>>
      %dma_start3A_472 = tpu.memref_slice %arg4[%shift_right_logical3A_458, %mul3A_460, %mul3A_464] : memref<100x4096x128xf32, #tpu.memory_space<hbm>> -> memref<1x128x64xf32, #tpu.memory_space<hbm>>
      %dma_start3A_473 = tpu.memref_squeeze %dma_start3A_472 : memref<1x128x64xf32, #tpu.memory_space<hbm>> -> memref<128x64xf32, #tpu.memory_space<hbm>>
      %dma_start3A_474 = arith.constant 0 : i32
      %dma_start3A_475 = arith.constant 0 : i32
      %dma_start3A_476 = tpu.memref_slice %arg6[%dma_start3A_465, %dma_start3A_474, %dma_start3A_475] : memref<8x128x64xf32, #tpu.memory_space<vmem>> -> memref<1x128x64xf32, #tpu.memory_space<vmem>>
      %dma_start3A_477 = tpu.memref_squeeze %dma_start3A_476 : memref<1x128x64xf32, #tpu.memory_space<vmem>> -> memref<128x64xf32, #tpu.memory_space<vmem>>
      tpu.enqueue_dma source(%dma_start3A_477 : memref<128x64xf32, #tpu.memory_space<vmem>>) target(%dma_start3A_473 : memref<128x64xf32, #tpu.memory_space<hbm>>) target_semaphore(%arg19 : memref<!tpu.dma_semaphore, #tpu.memory_space<semaphore_mem>>)
      %mul3A_478 = arith.constant 8 : i32
      %mul3A_479 = arith.muli %scan3A_260, %mul3A_478 : i32
      %add3A_480 = arith.constant 5 : i32
      %add3A_481 = arith.addi %mul3A_479, %add3A_480 : i32
      %add3A_482 = arith.constant 6 : i32
      %add3A_483 = arith.addi %add3A_481, %add3A_482 : i32
      %lt3A_484 = arith.constant 200 : i32
      %lt3A_485 = arith.cmpi slt, %add3A_483, %lt3A_484 : i32
      %convert_element_type3A_486 = arith.extui %lt3A_485 : i1 to i32
      %cond3A_487 = arith.constant 0 : i32
      %cond3A_488 = arith.cmpi ne, %convert_element_type3A_486, %cond3A_487 : i32
      scf.if %cond3A_488 {
        %ge3A = arith.constant 8 : i32
        %ge3A_610 = arith.cmpi sge, %add3A_483, %ge3A : i32
        %convert_element_type3A_611 = arith.extui %ge3A_610 : i1 to i32
        %cond3A_612 = arith.constant 0 : i32
        %cond3A_613 = arith.cmpi ne, %convert_element_type3A_611, %cond3A_612 : i32
        scf.if %cond3A_613 {
          %shift_right_logical3A_625 = arith.constant 0 : i32
          %shift_right_logical3A_626 = arith.constant 1 : i32
          %shift_right_logical3A_627 = arith.shrui %shift_right_logical3A_625, %shift_right_logical3A_626 : i32
          %mul3A_628 = arith.constant 128 : i32
          %mul3A_629 = arith.muli %add3A, %mul3A_628 : i32
          %and3A_630 = arith.constant 0 : i32
          %and3A_631 = arith.constant 1 : i32
          %and3A_632 = arith.andi %and3A_630, %and3A_631 : i32
          %mul3A_633 = arith.constant 64 : i32
          %mul3A_634 = arith.muli %and3A_632, %mul3A_633 : i32
          %dma_wait3A_635 = arith.constant 3 : i32
          %dma_wait3A_636 = arith.constant 0 : i32
          %dma_wait3A_637 = arith.constant 0 : i32
          %dma_wait3A_638 = tpu.memref_slice %arg6[%dma_wait3A_635, %dma_wait3A_636, %dma_wait3A_637] : memref<8x128x64xf32, #tpu.memory_space<vmem>> -> memref<1x128x64xf32, #tpu.memory_space<vmem>>
          %dma_wait3A_639 = tpu.memref_squeeze %dma_wait3A_638 : memref<1x128x64xf32, #tpu.memory_space<vmem>> -> memref<128x64xf32, #tpu.memory_space<vmem>>
          %dma_wait3A_640 = tpu.memref_slice %arg4[%shift_right_logical3A_627, %mul3A_629, %mul3A_634] : memref<100x4096x128xf32, #tpu.memory_space<hbm>> -> memref<1x128x64xf32, #tpu.memory_space<hbm>>
          %dma_wait3A_641 = tpu.memref_squeeze %dma_wait3A_640 : memref<1x128x64xf32, #tpu.memory_space<hbm>> -> memref<128x64xf32, #tpu.memory_space<hbm>>
          %dma_wait3A_642 = tpu.memref_slice %arg4[%shift_right_logical3A_627, %mul3A_629, %mul3A_634] : memref<100x4096x128xf32, #tpu.memory_space<hbm>> -> memref<1x128x64xf32, #tpu.memory_space<hbm>>
          %dma_wait3A_643 = tpu.memref_squeeze %dma_wait3A_642 : memref<1x128x64xf32, #tpu.memory_space<hbm>> -> memref<128x64xf32, #tpu.memory_space<hbm>>
          %dma_wait3A_644 = arith.constant 0 : i32
          %dma_wait3A_645 = arith.constant 0 : i32
          %dma_wait3A_646 = tpu.memref_slice %arg6[%dma_wait3A_635, %dma_wait3A_644, %dma_wait3A_645] : memref<8x128x64xf32, #tpu.memory_space<vmem>> -> memref<1x128x64xf32, #tpu.memory_space<vmem>>
          %dma_wait3A_647 = tpu.memref_squeeze %dma_wait3A_646 : memref<1x128x64xf32, #tpu.memory_space<vmem>> -> memref<128x64xf32, #tpu.memory_space<vmem>>
          tpu.wait_dma2 semaphore(%arg18 : memref<!tpu.dma_semaphore, #tpu.memory_space<semaphore_mem>>) src(%dma_wait3A_647 : memref<128x64xf32, #tpu.memory_space<vmem>>) dst(%dma_wait3A_643 : memref<128x64xf32, #tpu.memory_space<hbm>>)
        } else {
        }
        %dma_start3A_614 = arith.constant 3 : i32
        %dma_start3A_615 = arith.constant 0 : i32
        %dma_start3A_616 = arith.constant 0 : i32
        %dma_start3A_617 = tpu.memref_slice %arg6[%dma_start3A_614, %dma_start3A_615, %dma_start3A_616] : memref<8x128x64xf32, #tpu.memory_space<vmem>> -> memref<1x128x64xf32, #tpu.memory_space<vmem>>
        %dma_start3A_618 = tpu.memref_squeeze %dma_start3A_617 : memref<1x128x64xf32, #tpu.memory_space<vmem>> -> memref<128x64xf32, #tpu.memory_space<vmem>>
        %dma_start3A_619 = arith.constant 0 : i32
        %dma_start3A_620 = tpu.memref_slice %arg5[%add3A_483, %dma_start3A_619] : memref<200x128xi32, #tpu.memory_space<vmem>> -> memref<1x128xi32, #tpu.memory_space<vmem>>
        %dma_start3A_621 = tpu.memref_squeeze %dma_start3A_620 : memref<1x128xi32, #tpu.memory_space<vmem>> -> memref<128xi32, #tpu.memory_space<vmem>>
        %dma_start3A_622 = arith.constant 0 : i32
        %dma_start3A_623 = arith.constant 0 : i32
        %dma_start3A_624 = tpu.memref_slice %arg3[%dma_start3A_622, %dma_start3A_623] : memref<100000x64xf32, #tpu.memory_space<hbm>> -> memref<100000x64xf32, #tpu.memory_space<hbm>>
        tpu.enqueue_indirect_dma source(%dma_start3A_624 : memref<100000x64xf32, #tpu.memory_space<hbm>>) target(%dma_start3A_618 : memref<128x64xf32, #tpu.memory_space<vmem>>) offsets(%dma_start3A_621 : memref<128xi32, #tpu.memory_space<vmem>>) semaphore(%arg10 : memref<!tpu.dma_semaphore, #tpu.memory_space<semaphore_mem>>)
      } else {
      }
      %dma_wait3A_489 = arith.constant 0 : i32
      %dma_wait3A_490 = arith.constant 5 : i32
      %dma_wait3A_491 = arith.constant 0 : i32
      %dma_wait3A_492 = arith.constant 0 : i32
      %dma_wait3A_493 = tpu.memref_slice %arg6[%dma_wait3A_490, %dma_wait3A_491, %dma_wait3A_492] : memref<8x128x64xf32, #tpu.memory_space<vmem>> -> memref<1x128x64xf32, #tpu.memory_space<vmem>>
      %dma_wait3A_494 = tpu.memref_squeeze %dma_wait3A_493 : memref<1x128x64xf32, #tpu.memory_space<vmem>> -> memref<128x64xf32, #tpu.memory_space<vmem>>
      %dma_wait3A_495 = arith.constant 0 : i32
      %dma_wait3A_496 = tpu.memref_slice %arg5[%dma_wait3A_489, %dma_wait3A_495] : memref<200x128xi32, #tpu.memory_space<vmem>> -> memref<1x128xi32, #tpu.memory_space<vmem>>
      %dma_wait3A_497 = tpu.memref_squeeze %dma_wait3A_496 : memref<1x128xi32, #tpu.memory_space<vmem>> -> memref<128xi32, #tpu.memory_space<vmem>>
      %dma_wait3A_498 = arith.constant 0 : i32
      %dma_wait3A_499 = arith.constant 0 : i32
      %dma_wait3A_500 = tpu.memref_slice %arg3[%dma_wait3A_498, %dma_wait3A_499] : memref<100000x64xf32, #tpu.memory_space<hbm>> -> memref<100000x64xf32, #tpu.memory_space<hbm>>
      tpu.wait_indirect_dma semaphore(%arg12 : memref<!tpu.dma_semaphore, #tpu.memory_space<semaphore_mem>>) src(%dma_wait3A_500 : memref<100000x64xf32, #tpu.memory_space<hbm>>) dst(%dma_wait3A_494 : memref<128x64xf32, #tpu.memory_space<vmem>>)
      %shift_right_logical3A_501 = arith.constant 1 : i32
      %shift_right_logical3A_502 = arith.shrui %add3A_481, %shift_right_logical3A_501 : i32
      %mul3A_503 = arith.constant 128 : i32
      %mul3A_504 = arith.muli %add3A, %mul3A_503 : i32
      %and3A_505 = arith.constant 1 : i32
      %and3A_506 = arith.andi %add3A_481, %and3A_505 : i32
      %mul3A_507 = arith.constant 64 : i32
      %mul3A_508 = arith.muli %and3A_506, %mul3A_507 : i32
      %dma_start3A_509 = arith.constant 5 : i32
      %dma_start3A_510 = arith.constant 0 : i32
      %dma_start3A_511 = arith.constant 0 : i32
      %dma_start3A_512 = tpu.memref_slice %arg6[%dma_start3A_509, %dma_start3A_510, %dma_start3A_511] : memref<8x128x64xf32, #tpu.memory_space<vmem>> -> memref<1x128x64xf32, #tpu.memory_space<vmem>>
      %dma_start3A_513 = tpu.memref_squeeze %dma_start3A_512 : memref<1x128x64xf32, #tpu.memory_space<vmem>> -> memref<128x64xf32, #tpu.memory_space<vmem>>
      %dma_start3A_514 = tpu.memref_slice %arg4[%shift_right_logical3A_502, %mul3A_504, %mul3A_508] : memref<100x4096x128xf32, #tpu.memory_space<hbm>> -> memref<1x128x64xf32, #tpu.memory_space<hbm>>
      %dma_start3A_515 = tpu.memref_squeeze %dma_start3A_514 : memref<1x128x64xf32, #tpu.memory_space<hbm>> -> memref<128x64xf32, #tpu.memory_space<hbm>>
      %dma_start3A_516 = tpu.memref_slice %arg4[%shift_right_logical3A_502, %mul3A_504, %mul3A_508] : memref<100x4096x128xf32, #tpu.memory_space<hbm>> -> memref<1x128x64xf32, #tpu.memory_space<hbm>>
      %dma_start3A_517 = tpu.memref_squeeze %dma_start3A_516 : memref<1x128x64xf32, #tpu.memory_space<hbm>> -> memref<128x64xf32, #tpu.memory_space<hbm>>
      %dma_start3A_518 = arith.constant 0 : i32
      %dma_start3A_519 = arith.constant 0 : i32
      %dma_start3A_520 = tpu.memref_slice %arg6[%dma_start3A_509, %dma_start3A_518, %dma_start3A_519] : memref<8x128x64xf32, #tpu.memory_space<vmem>> -> memref<1x128x64xf32, #tpu.memory_space<vmem>>
      %dma_start3A_521 = tpu.memref_squeeze %dma_start3A_520 : memref<1x128x64xf32, #tpu.memory_space<vmem>> -> memref<128x64xf32, #tpu.memory_space<vmem>>
      tpu.enqueue_dma source(%dma_start3A_521 : memref<128x64xf32, #tpu.memory_space<vmem>>) target(%dma_start3A_517 : memref<128x64xf32, #tpu.memory_space<hbm>>) target_semaphore(%arg20 : memref<!tpu.dma_semaphore, #tpu.memory_space<semaphore_mem>>)
      %mul3A_522 = arith.constant 8 : i32
      %mul3A_523 = arith.muli %scan3A_260, %mul3A_522 : i32
      %add3A_524 = arith.constant 6 : i32
      %add3A_525 = arith.addi %mul3A_523, %add3A_524 : i32
      %add3A_526 = arith.constant 6 : i32
      %add3A_527 = arith.addi %add3A_525, %add3A_526 : i32
      %lt3A_528 = arith.constant 200 : i32
      %lt3A_529 = arith.cmpi slt, %add3A_527, %lt3A_528 : i32
      %convert_element_type3A_530 = arith.extui %lt3A_529 : i1 to i32
      %cond3A_531 = arith.constant 0 : i32
      %cond3A_532 = arith.cmpi ne, %convert_element_type3A_530, %cond3A_531 : i32
      scf.if %cond3A_532 {
        %ge3A = arith.constant 8 : i32
        %ge3A_610 = arith.cmpi sge, %add3A_527, %ge3A : i32
        %convert_element_type3A_611 = arith.extui %ge3A_610 : i1 to i32
        %cond3A_612 = arith.constant 0 : i32
        %cond3A_613 = arith.cmpi ne, %convert_element_type3A_611, %cond3A_612 : i32
        scf.if %cond3A_613 {
          %shift_right_logical3A_625 = arith.constant 0 : i32
          %shift_right_logical3A_626 = arith.constant 1 : i32
          %shift_right_logical3A_627 = arith.shrui %shift_right_logical3A_625, %shift_right_logical3A_626 : i32
          %mul3A_628 = arith.constant 128 : i32
          %mul3A_629 = arith.muli %add3A, %mul3A_628 : i32
          %and3A_630 = arith.constant 0 : i32
          %and3A_631 = arith.constant 1 : i32
          %and3A_632 = arith.andi %and3A_630, %and3A_631 : i32
          %mul3A_633 = arith.constant 64 : i32
          %mul3A_634 = arith.muli %and3A_632, %mul3A_633 : i32
          %dma_wait3A_635 = arith.constant 4 : i32
          %dma_wait3A_636 = arith.constant 0 : i32
          %dma_wait3A_637 = arith.constant 0 : i32
          %dma_wait3A_638 = tpu.memref_slice %arg6[%dma_wait3A_635, %dma_wait3A_636, %dma_wait3A_637] : memref<8x128x64xf32, #tpu.memory_space<vmem>> -> memref<1x128x64xf32, #tpu.memory_space<vmem>>
          %dma_wait3A_639 = tpu.memref_squeeze %dma_wait3A_638 : memref<1x128x64xf32, #tpu.memory_space<vmem>> -> memref<128x64xf32, #tpu.memory_space<vmem>>
          %dma_wait3A_640 = tpu.memref_slice %arg4[%shift_right_logical3A_627, %mul3A_629, %mul3A_634] : memref<100x4096x128xf32, #tpu.memory_space<hbm>> -> memref<1x128x64xf32, #tpu.memory_space<hbm>>
          %dma_wait3A_641 = tpu.memref_squeeze %dma_wait3A_640 : memref<1x128x64xf32, #tpu.memory_space<hbm>> -> memref<128x64xf32, #tpu.memory_space<hbm>>
          %dma_wait3A_642 = tpu.memref_slice %arg4[%shift_right_logical3A_627, %mul3A_629, %mul3A_634] : memref<100x4096x128xf32, #tpu.memory_space<hbm>> -> memref<1x128x64xf32, #tpu.memory_space<hbm>>
          %dma_wait3A_643 = tpu.memref_squeeze %dma_wait3A_642 : memref<1x128x64xf32, #tpu.memory_space<hbm>> -> memref<128x64xf32, #tpu.memory_space<hbm>>
          %dma_wait3A_644 = arith.constant 0 : i32
          %dma_wait3A_645 = arith.constant 0 : i32
          %dma_wait3A_646 = tpu.memref_slice %arg6[%dma_wait3A_635, %dma_wait3A_644, %dma_wait3A_645] : memref<8x128x64xf32, #tpu.memory_space<vmem>> -> memref<1x128x64xf32, #tpu.memory_space<vmem>>
          %dma_wait3A_647 = tpu.memref_squeeze %dma_wait3A_646 : memref<1x128x64xf32, #tpu.memory_space<vmem>> -> memref<128x64xf32, #tpu.memory_space<vmem>>
          tpu.wait_dma2 semaphore(%arg19 : memref<!tpu.dma_semaphore, #tpu.memory_space<semaphore_mem>>) src(%dma_wait3A_647 : memref<128x64xf32, #tpu.memory_space<vmem>>) dst(%dma_wait3A_643 : memref<128x64xf32, #tpu.memory_space<hbm>>)
        } else {
        }
        %dma_start3A_614 = arith.constant 4 : i32
        %dma_start3A_615 = arith.constant 0 : i32
        %dma_start3A_616 = arith.constant 0 : i32
        %dma_start3A_617 = tpu.memref_slice %arg6[%dma_start3A_614, %dma_start3A_615, %dma_start3A_616] : memref<8x128x64xf32, #tpu.memory_space<vmem>> -> memref<1x128x64xf32, #tpu.memory_space<vmem>>
        %dma_start3A_618 = tpu.memref_squeeze %dma_start3A_617 : memref<1x128x64xf32, #tpu.memory_space<vmem>> -> memref<128x64xf32, #tpu.memory_space<vmem>>
        %dma_start3A_619 = arith.constant 0 : i32
        %dma_start3A_620 = tpu.memref_slice %arg5[%add3A_527, %dma_start3A_619] : memref<200x128xi32, #tpu.memory_space<vmem>> -> memref<1x128xi32, #tpu.memory_space<vmem>>
        %dma_start3A_621 = tpu.memref_squeeze %dma_start3A_620 : memref<1x128xi32, #tpu.memory_space<vmem>> -> memref<128xi32, #tpu.memory_space<vmem>>
        %dma_start3A_622 = arith.constant 0 : i32
        %dma_start3A_623 = arith.constant 0 : i32
        %dma_start3A_624 = tpu.memref_slice %arg3[%dma_start3A_622, %dma_start3A_623] : memref<100000x64xf32, #tpu.memory_space<hbm>> -> memref<100000x64xf32, #tpu.memory_space<hbm>>
        tpu.enqueue_indirect_dma source(%dma_start3A_624 : memref<100000x64xf32, #tpu.memory_space<hbm>>) target(%dma_start3A_618 : memref<128x64xf32, #tpu.memory_space<vmem>>) offsets(%dma_start3A_621 : memref<128xi32, #tpu.memory_space<vmem>>) semaphore(%arg11 : memref<!tpu.dma_semaphore, #tpu.memory_space<semaphore_mem>>)
      } else {
      }
      %dma_wait3A_533 = arith.constant 0 : i32
      %dma_wait3A_534 = arith.constant 6 : i32
      %dma_wait3A_535 = arith.constant 0 : i32
      %dma_wait3A_536 = arith.constant 0 : i32
      %dma_wait3A_537 = tpu.memref_slice %arg6[%dma_wait3A_534, %dma_wait3A_535, %dma_wait3A_536] : memref<8x128x64xf32, #tpu.memory_space<vmem>> -> memref<1x128x64xf32, #tpu.memory_space<vmem>>
      %dma_wait3A_538 = tpu.memref_squeeze %dma_wait3A_537 : memref<1x128x64xf32, #tpu.memory_space<vmem>> -> memref<128x64xf32, #tpu.memory_space<vmem>>
      %dma_wait3A_539 = arith.constant 0 : i32
      %dma_wait3A_540 = tpu.memref_slice %arg5[%dma_wait3A_533, %dma_wait3A_539] : memref<200x128xi32, #tpu.memory_space<vmem>> -> memref<1x128xi32, #tpu.memory_space<vmem>>
      %dma_wait3A_541 = tpu.memref_squeeze %dma_wait3A_540 : memref<1x128xi32, #tpu.memory_space<vmem>> -> memref<128xi32, #tpu.memory_space<vmem>>
      %dma_wait3A_542 = arith.constant 0 : i32
      %dma_wait3A_543 = arith.constant 0 : i32
      %dma_wait3A_544 = tpu.memref_slice %arg3[%dma_wait3A_542, %dma_wait3A_543] : memref<100000x64xf32, #tpu.memory_space<hbm>> -> memref<100000x64xf32, #tpu.memory_space<hbm>>
      tpu.wait_indirect_dma semaphore(%arg13 : memref<!tpu.dma_semaphore, #tpu.memory_space<semaphore_mem>>) src(%dma_wait3A_544 : memref<100000x64xf32, #tpu.memory_space<hbm>>) dst(%dma_wait3A_538 : memref<128x64xf32, #tpu.memory_space<vmem>>)
      %shift_right_logical3A_545 = arith.constant 1 : i32
      %shift_right_logical3A_546 = arith.shrui %add3A_525, %shift_right_logical3A_545 : i32
      %mul3A_547 = arith.constant 128 : i32
      %mul3A_548 = arith.muli %add3A, %mul3A_547 : i32
      %and3A_549 = arith.constant 1 : i32
      %and3A_550 = arith.andi %add3A_525, %and3A_549 : i32
      %mul3A_551 = arith.constant 64 : i32
      %mul3A_552 = arith.muli %and3A_550, %mul3A_551 : i32
      %dma_start3A_553 = arith.constant 6 : i32
      %dma_start3A_554 = arith.constant 0 : i32
      %dma_start3A_555 = arith.constant 0 : i32
      %dma_start3A_556 = tpu.memref_slice %arg6[%dma_start3A_553, %dma_start3A_554, %dma_start3A_555] : memref<8x128x64xf32, #tpu.memory_space<vmem>> -> memref<1x128x64xf32, #tpu.memory_space<vmem>>
      %dma_start3A_557 = tpu.memref_squeeze %dma_start3A_556 : memref<1x128x64xf32, #tpu.memory_space<vmem>> -> memref<128x64xf32, #tpu.memory_space<vmem>>
      %dma_start3A_558 = tpu.memref_slice %arg4[%shift_right_logical3A_546, %mul3A_548, %mul3A_552] : memref<100x4096x128xf32, #tpu.memory_space<hbm>> -> memref<1x128x64xf32, #tpu.memory_space<hbm>>
      %dma_start3A_559 = tpu.memref_squeeze %dma_start3A_558 : memref<1x128x64xf32, #tpu.memory_space<hbm>> -> memref<128x64xf32, #tpu.memory_space<hbm>>
      %dma_start3A_560 = tpu.memref_slice %arg4[%shift_right_logical3A_546, %mul3A_548, %mul3A_552] : memref<100x4096x128xf32, #tpu.memory_space<hbm>> -> memref<1x128x64xf32, #tpu.memory_space<hbm>>
      %dma_start3A_561 = tpu.memref_squeeze %dma_start3A_560 : memref<1x128x64xf32, #tpu.memory_space<hbm>> -> memref<128x64xf32, #tpu.memory_space<hbm>>
      %dma_start3A_562 = arith.constant 0 : i32
      %dma_start3A_563 = arith.constant 0 : i32
      %dma_start3A_564 = tpu.memref_slice %arg6[%dma_start3A_553, %dma_start3A_562, %dma_start3A_563] : memref<8x128x64xf32, #tpu.memory_space<vmem>> -> memref<1x128x64xf32, #tpu.memory_space<vmem>>
      %dma_start3A_565 = tpu.memref_squeeze %dma_start3A_564 : memref<1x128x64xf32, #tpu.memory_space<vmem>> -> memref<128x64xf32, #tpu.memory_space<vmem>>
      tpu.enqueue_dma source(%dma_start3A_565 : memref<128x64xf32, #tpu.memory_space<vmem>>) target(%dma_start3A_561 : memref<128x64xf32, #tpu.memory_space<hbm>>) target_semaphore(%arg21 : memref<!tpu.dma_semaphore, #tpu.memory_space<semaphore_mem>>)
      %mul3A_566 = arith.constant 8 : i32
      %mul3A_567 = arith.muli %scan3A_260, %mul3A_566 : i32
      %add3A_568 = arith.constant 7 : i32
      %add3A_569 = arith.addi %mul3A_567, %add3A_568 : i32
      %add3A_570 = arith.constant 6 : i32
      %add3A_571 = arith.addi %add3A_569, %add3A_570 : i32
      %lt3A_572 = arith.constant 200 : i32
      %lt3A_573 = arith.cmpi slt, %add3A_571, %lt3A_572 : i32
      %convert_element_type3A_574 = arith.extui %lt3A_573 : i1 to i32
      %cond3A_575 = arith.constant 0 : i32
      %cond3A_576 = arith.cmpi ne, %convert_element_type3A_574, %cond3A_575 : i32
      scf.if %cond3A_576 {
        %ge3A = arith.constant 8 : i32
        %ge3A_610 = arith.cmpi sge, %add3A_571, %ge3A : i32
        %convert_element_type3A_611 = arith.extui %ge3A_610 : i1 to i32
        %cond3A_612 = arith.constant 0 : i32
        %cond3A_613 = arith.cmpi ne, %convert_element_type3A_611, %cond3A_612 : i32
        scf.if %cond3A_613 {
          %shift_right_logical3A_625 = arith.constant 0 : i32
          %shift_right_logical3A_626 = arith.constant 1 : i32
          %shift_right_logical3A_627 = arith.shrui %shift_right_logical3A_625, %shift_right_logical3A_626 : i32
          %mul3A_628 = arith.constant 128 : i32
          %mul3A_629 = arith.muli %add3A, %mul3A_628 : i32
          %and3A_630 = arith.constant 0 : i32
          %and3A_631 = arith.constant 1 : i32
          %and3A_632 = arith.andi %and3A_630, %and3A_631 : i32
          %mul3A_633 = arith.constant 64 : i32
          %mul3A_634 = arith.muli %and3A_632, %mul3A_633 : i32
          %dma_wait3A_635 = arith.constant 5 : i32
          %dma_wait3A_636 = arith.constant 0 : i32
          %dma_wait3A_637 = arith.constant 0 : i32
          %dma_wait3A_638 = tpu.memref_slice %arg6[%dma_wait3A_635, %dma_wait3A_636, %dma_wait3A_637] : memref<8x128x64xf32, #tpu.memory_space<vmem>> -> memref<1x128x64xf32, #tpu.memory_space<vmem>>
          %dma_wait3A_639 = tpu.memref_squeeze %dma_wait3A_638 : memref<1x128x64xf32, #tpu.memory_space<vmem>> -> memref<128x64xf32, #tpu.memory_space<vmem>>
          %dma_wait3A_640 = tpu.memref_slice %arg4[%shift_right_logical3A_627, %mul3A_629, %mul3A_634] : memref<100x4096x128xf32, #tpu.memory_space<hbm>> -> memref<1x128x64xf32, #tpu.memory_space<hbm>>
          %dma_wait3A_641 = tpu.memref_squeeze %dma_wait3A_640 : memref<1x128x64xf32, #tpu.memory_space<hbm>> -> memref<128x64xf32, #tpu.memory_space<hbm>>
          %dma_wait3A_642 = tpu.memref_slice %arg4[%shift_right_logical3A_627, %mul3A_629, %mul3A_634] : memref<100x4096x128xf32, #tpu.memory_space<hbm>> -> memref<1x128x64xf32, #tpu.memory_space<hbm>>
          %dma_wait3A_643 = tpu.memref_squeeze %dma_wait3A_642 : memref<1x128x64xf32, #tpu.memory_space<hbm>> -> memref<128x64xf32, #tpu.memory_space<hbm>>
          %dma_wait3A_644 = arith.constant 0 : i32
          %dma_wait3A_645 = arith.constant 0 : i32
          %dma_wait3A_646 = tpu.memref_slice %arg6[%dma_wait3A_635, %dma_wait3A_644, %dma_wait3A_645] : memref<8x128x64xf32, #tpu.memory_space<vmem>> -> memref<1x128x64xf32, #tpu.memory_space<vmem>>
          %dma_wait3A_647 = tpu.memref_squeeze %dma_wait3A_646 : memref<1x128x64xf32, #tpu.memory_space<vmem>> -> memref<128x64xf32, #tpu.memory_space<vmem>>
          tpu.wait_dma2 semaphore(%arg20 : memref<!tpu.dma_semaphore, #tpu.memory_space<semaphore_mem>>) src(%dma_wait3A_647 : memref<128x64xf32, #tpu.memory_space<vmem>>) dst(%dma_wait3A_643 : memref<128x64xf32, #tpu.memory_space<hbm>>)
        } else {
        }
        %dma_start3A_614 = arith.constant 5 : i32
        %dma_start3A_615 = arith.constant 0 : i32
        %dma_start3A_616 = arith.constant 0 : i32
        %dma_start3A_617 = tpu.memref_slice %arg6[%dma_start3A_614, %dma_start3A_615, %dma_start3A_616] : memref<8x128x64xf32, #tpu.memory_space<vmem>> -> memref<1x128x64xf32, #tpu.memory_space<vmem>>
        %dma_start3A_618 = tpu.memref_squeeze %dma_start3A_617 : memref<1x128x64xf32, #tpu.memory_space<vmem>> -> memref<128x64xf32, #tpu.memory_space<vmem>>
        %dma_start3A_619 = arith.constant 0 : i32
        %dma_start3A_620 = tpu.memref_slice %arg5[%add3A_571, %dma_start3A_619] : memref<200x128xi32, #tpu.memory_space<vmem>> -> memref<1x128xi32, #tpu.memory_space<vmem>>
        %dma_start3A_621 = tpu.memref_squeeze %dma_start3A_620 : memref<1x128xi32, #tpu.memory_space<vmem>> -> memref<128xi32, #tpu.memory_space<vmem>>
        %dma_start3A_622 = arith.constant 0 : i32
        %dma_start3A_623 = arith.constant 0 : i32
        %dma_start3A_624 = tpu.memref_slice %arg3[%dma_start3A_622, %dma_start3A_623] : memref<100000x64xf32, #tpu.memory_space<hbm>> -> memref<100000x64xf32, #tpu.memory_space<hbm>>
        tpu.enqueue_indirect_dma source(%dma_start3A_624 : memref<100000x64xf32, #tpu.memory_space<hbm>>) target(%dma_start3A_618 : memref<128x64xf32, #tpu.memory_space<vmem>>) offsets(%dma_start3A_621 : memref<128xi32, #tpu.memory_space<vmem>>) semaphore(%arg12 : memref<!tpu.dma_semaphore, #tpu.memory_space<semaphore_mem>>)
      } else {
      }
      %dma_wait3A_577 = arith.constant 0 : i32
      %dma_wait3A_578 = arith.constant 7 : i32
      %dma_wait3A_579 = arith.constant 0 : i32
      %dma_wait3A_580 = arith.constant 0 : i32
      %dma_wait3A_581 = tpu.memref_slice %arg6[%dma_wait3A_578, %dma_wait3A_579, %dma_wait3A_580] : memref<8x128x64xf32, #tpu.memory_space<vmem>> -> memref<1x128x64xf32, #tpu.memory_space<vmem>>
      %dma_wait3A_582 = tpu.memref_squeeze %dma_wait3A_581 : memref<1x128x64xf32, #tpu.memory_space<vmem>> -> memref<128x64xf32, #tpu.memory_space<vmem>>
      %dma_wait3A_583 = arith.constant 0 : i32
      %dma_wait3A_584 = tpu.memref_slice %arg5[%dma_wait3A_577, %dma_wait3A_583] : memref<200x128xi32, #tpu.memory_space<vmem>> -> memref<1x128xi32, #tpu.memory_space<vmem>>
      %dma_wait3A_585 = tpu.memref_squeeze %dma_wait3A_584 : memref<1x128xi32, #tpu.memory_space<vmem>> -> memref<128xi32, #tpu.memory_space<vmem>>
      %dma_wait3A_586 = arith.constant 0 : i32
      %dma_wait3A_587 = arith.constant 0 : i32
      %dma_wait3A_588 = tpu.memref_slice %arg3[%dma_wait3A_586, %dma_wait3A_587] : memref<100000x64xf32, #tpu.memory_space<hbm>> -> memref<100000x64xf32, #tpu.memory_space<hbm>>
      tpu.wait_indirect_dma semaphore(%arg14 : memref<!tpu.dma_semaphore, #tpu.memory_space<semaphore_mem>>) src(%dma_wait3A_588 : memref<100000x64xf32, #tpu.memory_space<hbm>>) dst(%dma_wait3A_582 : memref<128x64xf32, #tpu.memory_space<vmem>>)
      %shift_right_logical3A_589 = arith.constant 1 : i32
      %shift_right_logical3A_590 = arith.shrui %add3A_569, %shift_right_logical3A_589 : i32
      %mul3A_591 = arith.constant 128 : i32
      %mul3A_592 = arith.muli %add3A, %mul3A_591 : i32
      %and3A_593 = arith.constant 1 : i32
      %and3A_594 = arith.andi %add3A_569, %and3A_593 : i32
      %mul3A_595 = arith.constant 64 : i32
      %mul3A_596 = arith.muli %and3A_594, %mul3A_595 : i32
      %dma_start3A_597 = arith.constant 7 : i32
      %dma_start3A_598 = arith.constant 0 : i32
      %dma_start3A_599 = arith.constant 0 : i32
      %dma_start3A_600 = tpu.memref_slice %arg6[%dma_start3A_597, %dma_start3A_598, %dma_start3A_599] : memref<8x128x64xf32, #tpu.memory_space<vmem>> -> memref<1x128x64xf32, #tpu.memory_space<vmem>>
      %dma_start3A_601 = tpu.memref_squeeze %dma_start3A_600 : memref<1x128x64xf32, #tpu.memory_space<vmem>> -> memref<128x64xf32, #tpu.memory_space<vmem>>
      %dma_start3A_602 = tpu.memref_slice %arg4[%shift_right_logical3A_590, %mul3A_592, %mul3A_596] : memref<100x4096x128xf32, #tpu.memory_space<hbm>> -> memref<1x128x64xf32, #tpu.memory_space<hbm>>
      %dma_start3A_603 = tpu.memref_squeeze %dma_start3A_602 : memref<1x128x64xf32, #tpu.memory_space<hbm>> -> memref<128x64xf32, #tpu.memory_space<hbm>>
      %dma_start3A_604 = tpu.memref_slice %arg4[%shift_right_logical3A_590, %mul3A_592, %mul3A_596] : memref<100x4096x128xf32, #tpu.memory_space<hbm>> -> memref<1x128x64xf32, #tpu.memory_space<hbm>>
      %dma_start3A_605 = tpu.memref_squeeze %dma_start3A_604 : memref<1x128x64xf32, #tpu.memory_space<hbm>> -> memref<128x64xf32, #tpu.memory_space<hbm>>
      %dma_start3A_606 = arith.constant 0 : i32
      %dma_start3A_607 = arith.constant 0 : i32
      %dma_start3A_608 = tpu.memref_slice %arg6[%dma_start3A_597, %dma_start3A_606, %dma_start3A_607] : memref<8x128x64xf32, #tpu.memory_space<vmem>> -> memref<1x128x64xf32, #tpu.memory_space<vmem>>
      %dma_start3A_609 = tpu.memref_squeeze %dma_start3A_608 : memref<1x128x64xf32, #tpu.memory_space<vmem>> -> memref<128x64xf32, #tpu.memory_space<vmem>>
      tpu.enqueue_dma source(%dma_start3A_609 : memref<128x64xf32, #tpu.memory_space<vmem>>) target(%dma_start3A_605 : memref<128x64xf32, #tpu.memory_space<hbm>>) target_semaphore(%arg22 : memref<!tpu.dma_semaphore, #tpu.memory_space<semaphore_mem>>)
    }
    %scan3A_78 = arith.constant 25 : i32
    %shift_right_logical3A = arith.constant 0 : i32
    %shift_right_logical3A_79 = arith.constant 1 : i32
    %shift_right_logical3A_80 = arith.shrui %shift_right_logical3A, %shift_right_logical3A_79 : i32
    %mul3A_81 = arith.constant 128 : i32
    %mul3A_82 = arith.muli %add3A, %mul3A_81 : i32
    %and3A = arith.constant 0 : i32
    %and3A_83 = arith.constant 1 : i32
    %and3A_84 = arith.andi %and3A, %and3A_83 : i32
    %mul3A_85 = arith.constant 64 : i32
    %mul3A_86 = arith.muli %and3A_84, %mul3A_85 : i32
    %dma_wait3A = arith.constant 0 : i32
    %dma_wait3A_87 = arith.constant 0 : i32
    %dma_wait3A_88 = arith.constant 0 : i32
    %dma_wait3A_89 = tpu.memref_slice %arg6[%dma_wait3A, %dma_wait3A_87, %dma_wait3A_88] : memref<8x128x64xf32, #tpu.memory_space<vmem>> -> memref<1x128x64xf32, #tpu.memory_space<vmem>>
    %dma_wait3A_90 = tpu.memref_squeeze %dma_wait3A_89 : memref<1x128x64xf32, #tpu.memory_space<vmem>> -> memref<128x64xf32, #tpu.memory_space<vmem>>
    %dma_wait3A_91 = tpu.memref_slice %arg4[%shift_right_logical3A_80, %mul3A_82, %mul3A_86] : memref<100x4096x128xf32, #tpu.memory_space<hbm>> -> memref<1x128x64xf32, #tpu.memory_space<hbm>>
    %dma_wait3A_92 = tpu.memref_squeeze %dma_wait3A_91 : memref<1x128x64xf32, #tpu.memory_space<hbm>> -> memref<128x64xf32, #tpu.memory_space<hbm>>
    %dma_wait3A_93 = tpu.memref_slice %arg4[%shift_right_logical3A_80, %mul3A_82, %mul3A_86] : memref<100x4096x128xf32, #tpu.memory_space<hbm>> -> memref<1x128x64xf32, #tpu.memory_space<hbm>>
    %dma_wait3A_94 = tpu.memref_squeeze %dma_wait3A_93 : memref<1x128x64xf32, #tpu.memory_space<hbm>> -> memref<128x64xf32, #tpu.memory_space<hbm>>
    %dma_wait3A_95 = arith.constant 0 : i32
    %dma_wait3A_96 = arith.constant 0 : i32
    %dma_wait3A_97 = tpu.memref_slice %arg6[%dma_wait3A, %dma_wait3A_95, %dma_wait3A_96] : memref<8x128x64xf32, #tpu.memory_space<vmem>> -> memref<1x128x64xf32, #tpu.memory_space<vmem>>
    %dma_wait3A_98 = tpu.memref_squeeze %dma_wait3A_97 : memref<1x128x64xf32, #tpu.memory_space<vmem>> -> memref<128x64xf32, #tpu.memory_space<vmem>>
    tpu.wait_dma2 semaphore(%arg15 : memref<!tpu.dma_semaphore, #tpu.memory_space<semaphore_mem>>) src(%dma_wait3A_98 : memref<128x64xf32, #tpu.memory_space<vmem>>) dst(%dma_wait3A_94 : memref<128x64xf32, #tpu.memory_space<hbm>>)
    %shift_right_logical3A_99 = arith.constant 0 : i32
    %shift_right_logical3A_100 = arith.constant 1 : i32
    %shift_right_logical3A_101 = arith.shrui %shift_right_logical3A_99, %shift_right_logical3A_100 : i32
    %mul3A_102 = arith.constant 128 : i32
    %mul3A_103 = arith.muli %add3A, %mul3A_102 : i32
    %and3A_104 = arith.constant 0 : i32
    %and3A_105 = arith.constant 1 : i32
    %and3A_106 = arith.andi %and3A_104, %and3A_105 : i32
    %mul3A_107 = arith.constant 64 : i32
    %mul3A_108 = arith.muli %and3A_106, %mul3A_107 : i32
    %dma_wait3A_109 = arith.constant 1 : i32
    %dma_wait3A_110 = arith.constant 0 : i32
    %dma_wait3A_111 = arith.constant 0 : i32
    %dma_wait3A_112 = tpu.memref_slice %arg6[%dma_wait3A_109, %dma_wait3A_110, %dma_wait3A_111] : memref<8x128x64xf32, #tpu.memory_space<vmem>> -> memref<1x128x64xf32, #tpu.memory_space<vmem>>
    %dma_wait3A_113 = tpu.memref_squeeze %dma_wait3A_112 : memref<1x128x64xf32, #tpu.memory_space<vmem>> -> memref<128x64xf32, #tpu.memory_space<vmem>>
    %dma_wait3A_114 = tpu.memref_slice %arg4[%shift_right_logical3A_101, %mul3A_103, %mul3A_108] : memref<100x4096x128xf32, #tpu.memory_space<hbm>> -> memref<1x128x64xf32, #tpu.memory_space<hbm>>
    %dma_wait3A_115 = tpu.memref_squeeze %dma_wait3A_114 : memref<1x128x64xf32, #tpu.memory_space<hbm>> -> memref<128x64xf32, #tpu.memory_space<hbm>>
    %dma_wait3A_116 = tpu.memref_slice %arg4[%shift_right_logical3A_101, %mul3A_103, %mul3A_108] : memref<100x4096x128xf32, #tpu.memory_space<hbm>> -> memref<1x128x64xf32, #tpu.memory_space<hbm>>
    %dma_wait3A_117 = tpu.memref_squeeze %dma_wait3A_116 : memref<1x128x64xf32, #tpu.memory_space<hbm>> -> memref<128x64xf32, #tpu.memory_space<hbm>>
    %dma_wait3A_118 = arith.constant 0 : i32
    %dma_wait3A_119 = arith.constant 0 : i32
    %dma_wait3A_120 = tpu.memref_slice %arg6[%dma_wait3A_109, %dma_wait3A_118, %dma_wait3A_119] : memref<8x128x64xf32, #tpu.memory_space<vmem>> -> memref<1x128x64xf32, #tpu.memory_space<vmem>>
    %dma_wait3A_121 = tpu.memref_squeeze %dma_wait3A_120 : memref<1x128x64xf32, #tpu.memory_space<vmem>> -> memref<128x64xf32, #tpu.memory_space<vmem>>
    tpu.wait_dma2 semaphore(%arg16 : memref<!tpu.dma_semaphore, #tpu.memory_space<semaphore_mem>>) src(%dma_wait3A_121 : memref<128x64xf32, #tpu.memory_space<vmem>>) dst(%dma_wait3A_117 : memref<128x64xf32, #tpu.memory_space<hbm>>)
    %shift_right_logical3A_122 = arith.constant 0 : i32
    %shift_right_logical3A_123 = arith.constant 1 : i32
    %shift_right_logical3A_124 = arith.shrui %shift_right_logical3A_122, %shift_right_logical3A_123 : i32
    %mul3A_125 = arith.constant 128 : i32
    %mul3A_126 = arith.muli %add3A, %mul3A_125 : i32
    %and3A_127 = arith.constant 0 : i32
    %and3A_128 = arith.constant 1 : i32
    %and3A_129 = arith.andi %and3A_127, %and3A_128 : i32
    %mul3A_130 = arith.constant 64 : i32
    %mul3A_131 = arith.muli %and3A_129, %mul3A_130 : i32
    %dma_wait3A_132 = arith.constant 2 : i32
    %dma_wait3A_133 = arith.constant 0 : i32
    %dma_wait3A_134 = arith.constant 0 : i32
    %dma_wait3A_135 = tpu.memref_slice %arg6[%dma_wait3A_132, %dma_wait3A_133, %dma_wait3A_134] : memref<8x128x64xf32, #tpu.memory_space<vmem>> -> memref<1x128x64xf32, #tpu.memory_space<vmem>>
    %dma_wait3A_136 = tpu.memref_squeeze %dma_wait3A_135 : memref<1x128x64xf32, #tpu.memory_space<vmem>> -> memref<128x64xf32, #tpu.memory_space<vmem>>
    %dma_wait3A_137 = tpu.memref_slice %arg4[%shift_right_logical3A_124, %mul3A_126, %mul3A_131] : memref<100x4096x128xf32, #tpu.memory_space<hbm>> -> memref<1x128x64xf32, #tpu.memory_space<hbm>>
    %dma_wait3A_138 = tpu.memref_squeeze %dma_wait3A_137 : memref<1x128x64xf32, #tpu.memory_space<hbm>> -> memref<128x64xf32, #tpu.memory_space<hbm>>
    %dma_wait3A_139 = tpu.memref_slice %arg4[%shift_right_logical3A_124, %mul3A_126, %mul3A_131] : memref<100x4096x128xf32, #tpu.memory_space<hbm>> -> memref<1x128x64xf32, #tpu.memory_space<hbm>>
    %dma_wait3A_140 = tpu.memref_squeeze %dma_wait3A_139 : memref<1x128x64xf32, #tpu.memory_space<hbm>> -> memref<128x64xf32, #tpu.memory_space<hbm>>
    %dma_wait3A_141 = arith.constant 0 : i32
    %dma_wait3A_142 = arith.constant 0 : i32
    %dma_wait3A_143 = tpu.memref_slice %arg6[%dma_wait3A_132, %dma_wait3A_141, %dma_wait3A_142] : memref<8x128x64xf32, #tpu.memory_space<vmem>> -> memref<1x128x64xf32, #tpu.memory_space<vmem>>
    %dma_wait3A_144 = tpu.memref_squeeze %dma_wait3A_143 : memref<1x128x64xf32, #tpu.memory_space<vmem>> -> memref<128x64xf32, #tpu.memory_space<vmem>>
    tpu.wait_dma2 semaphore(%arg17 : memref<!tpu.dma_semaphore, #tpu.memory_space<semaphore_mem>>) src(%dma_wait3A_144 : memref<128x64xf32, #tpu.memory_space<vmem>>) dst(%dma_wait3A_140 : memref<128x64xf32, #tpu.memory_space<hbm>>)
    %shift_right_logical3A_145 = arith.constant 0 : i32
    %shift_right_logical3A_146 = arith.constant 1 : i32
    %shift_right_logical3A_147 = arith.shrui %shift_right_logical3A_145, %shift_right_logical3A_146 : i32
    %mul3A_148 = arith.constant 128 : i32
    %mul3A_149 = arith.muli %add3A, %mul3A_148 : i32
    %and3A_150 = arith.constant 0 : i32
    %and3A_151 = arith.constant 1 : i32
    %and3A_152 = arith.andi %and3A_150, %and3A_151 : i32
    %mul3A_153 = arith.constant 64 : i32
    %mul3A_154 = arith.muli %and3A_152, %mul3A_153 : i32
    %dma_wait3A_155 = arith.constant 3 : i32
    %dma_wait3A_156 = arith.constant 0 : i32
    %dma_wait3A_157 = arith.constant 0 : i32
    %dma_wait3A_158 = tpu.memref_slice %arg6[%dma_wait3A_155, %dma_wait3A_156, %dma_wait3A_157] : memref<8x128x64xf32, #tpu.memory_space<vmem>> -> memref<1x128x64xf32, #tpu.memory_space<vmem>>
    %dma_wait3A_159 = tpu.memref_squeeze %dma_wait3A_158 : memref<1x128x64xf32, #tpu.memory_space<vmem>> -> memref<128x64xf32, #tpu.memory_space<vmem>>
    %dma_wait3A_160 = tpu.memref_slice %arg4[%shift_right_logical3A_147, %mul3A_149, %mul3A_154] : memref<100x4096x128xf32, #tpu.memory_space<hbm>> -> memref<1x128x64xf32, #tpu.memory_space<hbm>>
    %dma_wait3A_161 = tpu.memref_squeeze %dma_wait3A_160 : memref<1x128x64xf32, #tpu.memory_space<hbm>> -> memref<128x64xf32, #tpu.memory_space<hbm>>
    %dma_wait3A_162 = tpu.memref_slice %arg4[%shift_right_logical3A_147, %mul3A_149, %mul3A_154] : memref<100x4096x128xf32, #tpu.memory_space<hbm>> -> memref<1x128x64xf32, #tpu.memory_space<hbm>>
    %dma_wait3A_163 = tpu.memref_squeeze %dma_wait3A_162 : memref<1x128x64xf32, #tpu.memory_space<hbm>> -> memref<128x64xf32, #tpu.memory_space<hbm>>
    %dma_wait3A_164 = arith.constant 0 : i32
    %dma_wait3A_165 = arith.constant 0 : i32
    %dma_wait3A_166 = tpu.memref_slice %arg6[%dma_wait3A_155, %dma_wait3A_164, %dma_wait3A_165] : memref<8x128x64xf32, #tpu.memory_space<vmem>> -> memref<1x128x64xf32, #tpu.memory_space<vmem>>
    %dma_wait3A_167 = tpu.memref_squeeze %dma_wait3A_166 : memref<1x128x64xf32, #tpu.memory_space<vmem>> -> memref<128x64xf32, #tpu.memory_space<vmem>>
    tpu.wait_dma2 semaphore(%arg18 : memref<!tpu.dma_semaphore, #tpu.memory_space<semaphore_mem>>) src(%dma_wait3A_167 : memref<128x64xf32, #tpu.memory_space<vmem>>) dst(%dma_wait3A_163 : memref<128x64xf32, #tpu.memory_space<hbm>>)
    %shift_right_logical3A_168 = arith.constant 0 : i32
    %shift_right_logical3A_169 = arith.constant 1 : i32
    %shift_right_logical3A_170 = arith.shrui %shift_right_logical3A_168, %shift_right_logical3A_169 : i32
    %mul3A_171 = arith.constant 128 : i32
    %mul3A_172 = arith.muli %add3A, %mul3A_171 : i32
    %and3A_173 = arith.constant 0 : i32
    %and3A_174 = arith.constant 1 : i32
    %and3A_175 = arith.andi %and3A_173, %and3A_174 : i32
    %mul3A_176 = arith.constant 64 : i32
    %mul3A_177 = arith.muli %and3A_175, %mul3A_176 : i32
    %dma_wait3A_178 = arith.constant 4 : i32
    %dma_wait3A_179 = arith.constant 0 : i32
    %dma_wait3A_180 = arith.constant 0 : i32
    %dma_wait3A_181 = tpu.memref_slice %arg6[%dma_wait3A_178, %dma_wait3A_179, %dma_wait3A_180] : memref<8x128x64xf32, #tpu.memory_space<vmem>> -> memref<1x128x64xf32, #tpu.memory_space<vmem>>
    %dma_wait3A_182 = tpu.memref_squeeze %dma_wait3A_181 : memref<1x128x64xf32, #tpu.memory_space<vmem>> -> memref<128x64xf32, #tpu.memory_space<vmem>>
    %dma_wait3A_183 = tpu.memref_slice %arg4[%shift_right_logical3A_170, %mul3A_172, %mul3A_177] : memref<100x4096x128xf32, #tpu.memory_space<hbm>> -> memref<1x128x64xf32, #tpu.memory_space<hbm>>
    %dma_wait3A_184 = tpu.memref_squeeze %dma_wait3A_183 : memref<1x128x64xf32, #tpu.memory_space<hbm>> -> memref<128x64xf32, #tpu.memory_space<hbm>>
    %dma_wait3A_185 = tpu.memref_slice %arg4[%shift_right_logical3A_170, %mul3A_172, %mul3A_177] : memref<100x4096x128xf32, #tpu.memory_space<hbm>> -> memref<1x128x64xf32, #tpu.memory_space<hbm>>
    %dma_wait3A_186 = tpu.memref_squeeze %dma_wait3A_185 : memref<1x128x64xf32, #tpu.memory_space<hbm>> -> memref<128x64xf32, #tpu.memory_space<hbm>>
    %dma_wait3A_187 = arith.constant 0 : i32
    %dma_wait3A_188 = arith.constant 0 : i32
    %dma_wait3A_189 = tpu.memref_slice %arg6[%dma_wait3A_178, %dma_wait3A_187, %dma_wait3A_188] : memref<8x128x64xf32, #tpu.memory_space<vmem>> -> memref<1x128x64xf32, #tpu.memory_space<vmem>>
    %dma_wait3A_190 = tpu.memref_squeeze %dma_wait3A_189 : memref<1x128x64xf32, #tpu.memory_space<vmem>> -> memref<128x64xf32, #tpu.memory_space<vmem>>
    tpu.wait_dma2 semaphore(%arg19 : memref<!tpu.dma_semaphore, #tpu.memory_space<semaphore_mem>>) src(%dma_wait3A_190 : memref<128x64xf32, #tpu.memory_space<vmem>>) dst(%dma_wait3A_186 : memref<128x64xf32, #tpu.memory_space<hbm>>)
    %shift_right_logical3A_191 = arith.constant 0 : i32
    %shift_right_logical3A_192 = arith.constant 1 : i32
    %shift_right_logical3A_193 = arith.shrui %shift_right_logical3A_191, %shift_right_logical3A_192 : i32
    %mul3A_194 = arith.constant 128 : i32
    %mul3A_195 = arith.muli %add3A, %mul3A_194 : i32
    %and3A_196 = arith.constant 0 : i32
    %and3A_197 = arith.constant 1 : i32
    %and3A_198 = arith.andi %and3A_196, %and3A_197 : i32
    %mul3A_199 = arith.constant 64 : i32
    %mul3A_200 = arith.muli %and3A_198, %mul3A_199 : i32
    %dma_wait3A_201 = arith.constant 5 : i32
    %dma_wait3A_202 = arith.constant 0 : i32
    %dma_wait3A_203 = arith.constant 0 : i32
    %dma_wait3A_204 = tpu.memref_slice %arg6[%dma_wait3A_201, %dma_wait3A_202, %dma_wait3A_203] : memref<8x128x64xf32, #tpu.memory_space<vmem>> -> memref<1x128x64xf32, #tpu.memory_space<vmem>>
    %dma_wait3A_205 = tpu.memref_squeeze %dma_wait3A_204 : memref<1x128x64xf32, #tpu.memory_space<vmem>> -> memref<128x64xf32, #tpu.memory_space<vmem>>
    %dma_wait3A_206 = tpu.memref_slice %arg4[%shift_right_logical3A_193, %mul3A_195, %mul3A_200] : memref<100x4096x128xf32, #tpu.memory_space<hbm>> -> memref<1x128x64xf32, #tpu.memory_space<hbm>>
    %dma_wait3A_207 = tpu.memref_squeeze %dma_wait3A_206 : memref<1x128x64xf32, #tpu.memory_space<hbm>> -> memref<128x64xf32, #tpu.memory_space<hbm>>
    %dma_wait3A_208 = tpu.memref_slice %arg4[%shift_right_logical3A_193, %mul3A_195, %mul3A_200] : memref<100x4096x128xf32, #tpu.memory_space<hbm>> -> memref<1x128x64xf32, #tpu.memory_space<hbm>>
    %dma_wait3A_209 = tpu.memref_squeeze %dma_wait3A_208 : memref<1x128x64xf32, #tpu.memory_space<hbm>> -> memref<128x64xf32, #tpu.memory_space<hbm>>
    %dma_wait3A_210 = arith.constant 0 : i32
    %dma_wait3A_211 = arith.constant 0 : i32
    %dma_wait3A_212 = tpu.memref_slice %arg6[%dma_wait3A_201, %dma_wait3A_210, %dma_wait3A_211] : memref<8x128x64xf32, #tpu.memory_space<vmem>> -> memref<1x128x64xf32, #tpu.memory_space<vmem>>
    %dma_wait3A_213 = tpu.memref_squeeze %dma_wait3A_212 : memref<1x128x64xf32, #tpu.memory_space<vmem>> -> memref<128x64xf32, #tpu.memory_space<vmem>>
    tpu.wait_dma2 semaphore(%arg20 : memref<!tpu.dma_semaphore, #tpu.memory_space<semaphore_mem>>) src(%dma_wait3A_213 : memref<128x64xf32, #tpu.memory_space<vmem>>) dst(%dma_wait3A_209 : memref<128x64xf32, #tpu.memory_space<hbm>>)
    %shift_right_logical3A_214 = arith.constant 0 : i32
    %shift_right_logical3A_215 = arith.constant 1 : i32
    %shift_right_logical3A_216 = arith.shrui %shift_right_logical3A_214, %shift_right_logical3A_215 : i32
    %mul3A_217 = arith.constant 128 : i32
    %mul3A_218 = arith.muli %add3A, %mul3A_217 : i32
    %and3A_219 = arith.constant 0 : i32
    %and3A_220 = arith.constant 1 : i32
    %and3A_221 = arith.andi %and3A_219, %and3A_220 : i32
    %mul3A_222 = arith.constant 64 : i32
    %mul3A_223 = arith.muli %and3A_221, %mul3A_222 : i32
    %dma_wait3A_224 = arith.constant 6 : i32
    %dma_wait3A_225 = arith.constant 0 : i32
    %dma_wait3A_226 = arith.constant 0 : i32
    %dma_wait3A_227 = tpu.memref_slice %arg6[%dma_wait3A_224, %dma_wait3A_225, %dma_wait3A_226] : memref<8x128x64xf32, #tpu.memory_space<vmem>> -> memref<1x128x64xf32, #tpu.memory_space<vmem>>
    %dma_wait3A_228 = tpu.memref_squeeze %dma_wait3A_227 : memref<1x128x64xf32, #tpu.memory_space<vmem>> -> memref<128x64xf32, #tpu.memory_space<vmem>>
    %dma_wait3A_229 = tpu.memref_slice %arg4[%shift_right_logical3A_216, %mul3A_218, %mul3A_223] : memref<100x4096x128xf32, #tpu.memory_space<hbm>> -> memref<1x128x64xf32, #tpu.memory_space<hbm>>
    %dma_wait3A_230 = tpu.memref_squeeze %dma_wait3A_229 : memref<1x128x64xf32, #tpu.memory_space<hbm>> -> memref<128x64xf32, #tpu.memory_space<hbm>>
    %dma_wait3A_231 = tpu.memref_slice %arg4[%shift_right_logical3A_216, %mul3A_218, %mul3A_223] : memref<100x4096x128xf32, #tpu.memory_space<hbm>> -> memref<1x128x64xf32, #tpu.memory_space<hbm>>
    %dma_wait3A_232 = tpu.memref_squeeze %dma_wait3A_231 : memref<1x128x64xf32, #tpu.memory_space<hbm>> -> memref<128x64xf32, #tpu.memory_space<hbm>>
    %dma_wait3A_233 = arith.constant 0 : i32
    %dma_wait3A_234 = arith.constant 0 : i32
    %dma_wait3A_235 = tpu.memref_slice %arg6[%dma_wait3A_224, %dma_wait3A_233, %dma_wait3A_234] : memref<8x128x64xf32, #tpu.memory_space<vmem>> -> memref<1x128x64xf32, #tpu.memory_space<vmem>>
    %dma_wait3A_236 = tpu.memref_squeeze %dma_wait3A_235 : memref<1x128x64xf32, #tpu.memory_space<vmem>> -> memref<128x64xf32, #tpu.memory_space<vmem>>
    tpu.wait_dma2 semaphore(%arg21 : memref<!tpu.dma_semaphore, #tpu.memory_space<semaphore_mem>>) src(%dma_wait3A_236 : memref<128x64xf32, #tpu.memory_space<vmem>>) dst(%dma_wait3A_232 : memref<128x64xf32, #tpu.memory_space<hbm>>)
    %shift_right_logical3A_237 = arith.constant 0 : i32
    %shift_right_logical3A_238 = arith.constant 1 : i32
    %shift_right_logical3A_239 = arith.shrui %shift_right_logical3A_237, %shift_right_logical3A_238 : i32
    %mul3A_240 = arith.constant 128 : i32
    %mul3A_241 = arith.muli %add3A, %mul3A_240 : i32
    %and3A_242 = arith.constant 0 : i32
    %and3A_243 = arith.constant 1 : i32
    %and3A_244 = arith.andi %and3A_242, %and3A_243 : i32
    %mul3A_245 = arith.constant 64 : i32
    %mul3A_246 = arith.muli %and3A_244, %mul3A_245 : i32
    %dma_wait3A_247 = arith.constant 7 : i32
    %dma_wait3A_248 = arith.constant 0 : i32
    %dma_wait3A_249 = arith.constant 0 : i32
    %dma_wait3A_250 = tpu.memref_slice %arg6[%dma_wait3A_247, %dma_wait3A_248, %dma_wait3A_249] : memref<8x128x64xf32, #tpu.memory_space<vmem>> -> memref<1x128x64xf32, #tpu.memory_space<vmem>>
    %dma_wait3A_251 = tpu.memref_squeeze %dma_wait3A_250 : memref<1x128x64xf32, #tpu.memory_space<vmem>> -> memref<128x64xf32, #tpu.memory_space<vmem>>
    %dma_wait3A_252 = tpu.memref_slice %arg4[%shift_right_logical3A_239, %mul3A_241, %mul3A_246] : memref<100x4096x128xf32, #tpu.memory_space<hbm>> -> memref<1x128x64xf32, #tpu.memory_space<hbm>>
    %dma_wait3A_253 = tpu.memref_squeeze %dma_wait3A_252 : memref<1x128x64xf32, #tpu.memory_space<hbm>> -> memref<128x64xf32, #tpu.memory_space<hbm>>
    %dma_wait3A_254 = tpu.memref_slice %arg4[%shift_right_logical3A_239, %mul3A_241, %mul3A_246] : memref<100x4096x128xf32, #tpu.memory_space<hbm>> -> memref<1x128x64xf32, #tpu.memory_space<hbm>>
    %dma_wait3A_255 = tpu.memref_squeeze %dma_wait3A_254 : memref<1x128x64xf32, #tpu.memory_space<hbm>> -> memref<128x64xf32, #tpu.memory_space<hbm>>
    %dma_wait3A_256 = arith.constant 0 : i32
    %dma_wait3A_257 = arith.constant 0 : i32
    %dma_wait3A_258 = tpu.memref_slice %arg6[%dma_wait3A_247, %dma_wait3A_256, %dma_wait3A_257] : memref<8x128x64xf32, #tpu.memory_space<vmem>> -> memref<1x128x64xf32, #tpu.memory_space<vmem>>
    %dma_wait3A_259 = tpu.memref_squeeze %dma_wait3A_258 : memref<1x128x64xf32, #tpu.memory_space<vmem>> -> memref<128x64xf32, #tpu.memory_space<vmem>>
    tpu.wait_dma2 semaphore(%arg22 : memref<!tpu.dma_semaphore, #tpu.memory_space<semaphore_mem>>) src(%dma_wait3A_259 : memref<128x64xf32, #tpu.memory_space<vmem>>) dst(%dma_wait3A_255 : memref<128x64xf32, #tpu.memory_space<hbm>>)
    return
  }
}

module attributes {stable_mosaic.version = 14 : i64} {
  func.func @_tc_transpose_body(%arg0: i32, %arg1: i32, %arg2: memref<100x128x128xf32, #tpu.memory_space<vmem>>, %arg3: memref<200x8x1x8x128xf32, #tpu.memory_space<vmem>>) attributes {dimension_semantics = [#tpu.dimension_semantics<arbitrary>, #tpu.dimension_semantics<arbitrary>], iteration_bounds = array<i64: 1, 32>, scalar_prefetch = 0 : i64, scratch_operands = 0 : i64, tpu.core_type = #tpu.core_type<tc>, window_params = [{transform_indices = @transform_0, window_bounds = array<i64: 100, 128, 128>}, {transform_indices = @transform_1, window_bounds = array<i64: 200, 8, 1, 8, 128>}]} {
    %get3A = arith.constant 0 : index
    %get3A_0 = arith.constant 0 : index
    %get3A_1 = arith.constant 0 : index
    %get3A_2 = vector.load %arg2[%get3A, %get3A_0, %get3A_1] : memref<100x128x128xf32, #tpu.memory_space<vmem>>, vector<1x128x128xf32>
    %get3A_3 = vector.shape_cast %get3A_2 : vector<1x128x128xf32> to vector<128x128xf32>
    %transpose3A = tpu.transpose %get3A_3, [1, 0] : vector<128x128xf32> -> vector<128x128xf32>
    %reshape3A = vector.shape_cast %transpose3A : vector<128x128xf32> to vector<2x8x8x128xf32>
    %swap3A = arith.constant 0 : index
    %swap3A_4 = arith.constant 0 : index
    %swap3A_5 = arith.constant 0 : index
    %swap3A_6 = arith.constant 0 : index
    %swap3A_7 = arith.constant 0 : index
    %swap3A_8 = vector.load %arg3[%swap3A, %swap3A_4, %swap3A_5, %swap3A_6, %swap3A_7] : memref<200x8x1x8x128xf32, #tpu.memory_space<vmem>>, vector<2x8x1x8x128xf32>
    %swap3A_9 = vector.shape_cast %swap3A_8 : vector<2x8x1x8x128xf32> to vector<2x8x8x128xf32>
    %swap3A_10 = vector.shape_cast %reshape3A : vector<2x8x8x128xf32> to vector<2x8x1x8x128xf32>
    tpu.vector_store %arg3[%swap3A, %swap3A_4, %swap3A_5, %swap3A_6, %swap3A_7], %swap3A_10 {strides = array<i32>} : memref<200x8x1x8x128xf32, #tpu.memory_space<vmem>>, vector<2x8x1x8x128xf32>,
    %get3A_11 = arith.constant 1 : index
    %get3A_12 = arith.constant 0 : index
    %get3A_13 = arith.constant 0 : index
    %get3A_14 = vector.load %arg2[%get3A_11, %get3A_12, %get3A_13] : memref<100x128x128xf32, #tpu.memory_space<vmem>>, vector<1x128x128xf32>
    %get3A_15 = vector.shape_cast %get3A_14 : vector<1x128x128xf32> to vector<128x128xf32>
    %transpose3A_16 = tpu.transpose %get3A_15, [1, 0] : vector<128x128xf32> -> vector<128x128xf32>
    %reshape3A_17 = vector.shape_cast %transpose3A_16 : vector<128x128xf32> to vector<2x8x8x128xf32>
    %swap3A_18 = arith.constant 2 : index
    %swap3A_19 = arith.constant 0 : index
    %swap3A_20 = arith.constant 0 : index
    %swap3A_21 = arith.constant 0 : index
    %swap3A_22 = arith.constant 0 : index
    %swap3A_23 = vector.load %arg3[%swap3A_18, %swap3A_19, %swap3A_20, %swap3A_21, %swap3A_22] : memref<200x8x1x8x128xf32, #tpu.memory_space<vmem>>, vector<2x8x1x8x128xf32>
    %swap3A_24 = vector.shape_cast %swap3A_23 : vector<2x8x1x8x128xf32> to vector<2x8x8x128xf32>
    %swap3A_25 = vector.shape_cast %reshape3A_17 : vector<2x8x8x128xf32> to vector<2x8x1x8x128xf32>
    tpu.vector_store %arg3[%swap3A_18, %swap3A_19, %swap3A_20, %swap3A_21, %swap3A_22], %swap3A_25 {strides = array<i32>} : memref<200x8x1x8x128xf32, #tpu.memory_space<vmem>>, vector<2x8x1x8x128xf32>,
    %get3A_26 = arith.constant 2 : index
    %get3A_27 = arith.constant 0 : index
    %get3A_28 = arith.constant 0 : index
    %get3A_29 = vector.load %arg2[%get3A_26, %get3A_27, %get3A_28] : memref<100x128x128xf32, #tpu.memory_space<vmem>>, vector<1x128x128xf32>
    %get3A_30 = vector.shape_cast %get3A_29 : vector<1x128x128xf32> to vector<128x128xf32>
    %transpose3A_31 = tpu.transpose %get3A_30, [1, 0] : vector<128x128xf32> -> vector<128x128xf32>
    %reshape3A_32 = vector.shape_cast %transpose3A_31 : vector<128x128xf32> to vector<2x8x8x128xf32>
    %swap3A_33 = arith.constant 4 : index
    %swap3A_34 = arith.constant 0 : index
    %swap3A_35 = arith.constant 0 : index
    %swap3A_36 = arith.constant 0 : index
    %swap3A_37 = arith.constant 0 : index
    %swap3A_38 = vector.load %arg3[%swap3A_33, %swap3A_34, %swap3A_35, %swap3A_36, %swap3A_37] : memref<200x8x1x8x128xf32, #tpu.memory_space<vmem>>, vector<2x8x1x8x128xf32>
    %swap3A_39 = vector.shape_cast %swap3A_38 : vector<2x8x1x8x128xf32> to vector<2x8x8x128xf32>
    %swap3A_40 = vector.shape_cast %reshape3A_32 : vector<2x8x8x128xf32> to vector<2x8x1x8x128xf32>
    tpu.vector_store %arg3[%swap3A_33, %swap3A_34, %swap3A_35, %swap3A_36, %swap3A_37], %swap3A_40 {strides = array<i32>} : memref<200x8x1x8x128xf32, #tpu.memory_space<vmem>>, vector<2x8x1x8x128xf32>,
    %get3A_41 = arith.constant 3 : index
    %get3A_42 = arith.constant 0 : index
    %get3A_43 = arith.constant 0 : index
    %get3A_44 = vector.load %arg2[%get3A_41, %get3A_42, %get3A_43] : memref<100x128x128xf32, #tpu.memory_space<vmem>>, vector<1x128x128xf32>
    %get3A_45 = vector.shape_cast %get3A_44 : vector<1x128x128xf32> to vector<128x128xf32>
    %transpose3A_46 = tpu.transpose %get3A_45, [1, 0] : vector<128x128xf32> -> vector<128x128xf32>
    %reshape3A_47 = vector.shape_cast %transpose3A_46 : vector<128x128xf32> to vector<2x8x8x128xf32>
    %swap3A_48 = arith.constant 6 : index
    %swap3A_49 = arith.constant 0 : index
    %swap3A_50 = arith.constant 0 : index
    %swap3A_51 = arith.constant 0 : index
    %swap3A_52 = arith.constant 0 : index
    %swap3A_53 = vector.load %arg3[%swap3A_48, %swap3A_49, %swap3A_50, %swap3A_51, %swap3A_52] : memref<200x8x1x8x128xf32, #tpu.memory_space<vmem>>, vector<2x8x1x8x128xf32>
    %swap3A_54 = vector.shape_cast %swap3A_53 : vector<2x8x1x8x128xf32> to vector<2x8x8x128xf32>
    %swap3A_55 = vector.shape_cast %reshape3A_47 : vector<2x8x8x128xf32> to vector<2x8x1x8x128xf32>
    tpu.vector_store %arg3[%swap3A_48, %swap3A_49, %swap3A_50, %swap3A_51, %swap3A_52], %swap3A_55 {strides = array<i32>} : memref<200x8x1x8x128xf32, #tpu.memory_space<vmem>>, vector<2x8x1x8x128xf32>,
    %get3A_56 = arith.constant 4 : index
    %get3A_57 = arith.constant 0 : index
    %get3A_58 = arith.constant 0 : index
    %get3A_59 = vector.load %arg2[%get3A_56, %get3A_57, %get3A_58] : memref<100x128x128xf32, #tpu.memory_space<vmem>>, vector<1x128x128xf32>
    %get3A_60 = vector.shape_cast %get3A_59 : vector<1x128x128xf32> to vector<128x128xf32>
    %transpose3A_61 = tpu.transpose %get3A_60, [1, 0] : vector<128x128xf32> -> vector<128x128xf32>
    %reshape3A_62 = vector.shape_cast %transpose3A_61 : vector<128x128xf32> to vector<2x8x8x128xf32>
    %swap3A_63 = arith.constant 8 : index
    %swap3A_64 = arith.constant 0 : index
    %swap3A_65 = arith.constant 0 : index
    %swap3A_66 = arith.constant 0 : index
    %swap3A_67 = arith.constant 0 : index
    %swap3A_68 = vector.load %arg3[%swap3A_63, %swap3A_64, %swap3A_65, %swap3A_66, %swap3A_67] : memref<200x8x1x8x128xf32, #tpu.memory_space<vmem>>, vector<2x8x1x8x128xf32>
    %swap3A_69 = vector.shape_cast %swap3A_68 : vector<2x8x1x8x128xf32> to vector<2x8x8x128xf32>
    %swap3A_70 = vector.shape_cast %reshape3A_62 : vector<2x8x8x128xf32> to vector<2x8x1x8x128xf32>
    tpu.vector_store %arg3[%swap3A_63, %swap3A_64, %swap3A_65, %swap3A_66, %swap3A_67], %swap3A_70 {strides = array<i32>} : memref<200x8x1x8x128xf32, #tpu.memory_space<vmem>>, vector<2x8x1x8x128xf32>,
    %get3A_71 = arith.constant 5 : index
    %get3A_72 = arith.constant 0 : index
    %get3A_73 = arith.constant 0 : index
    %get3A_74 = vector.load %arg2[%get3A_71, %get3A_72, %get3A_73] : memref<100x128x128xf32, #tpu.memory_space<vmem>>, vector<1x128x128xf32>
    %get3A_75 = vector.shape_cast %get3A_74 : vector<1x128x128xf32> to vector<128x128xf32>
    %transpose3A_76 = tpu.transpose %get3A_75, [1, 0] : vector<128x128xf32> -> vector<128x128xf32>
    %reshape3A_77 = vector.shape_cast %transpose3A_76 : vector<128x128xf32> to vector<2x8x8x128xf32>
    %swap3A_78 = arith.constant 10 : index
    %swap3A_79 = arith.constant 0 : index
    %swap3A_80 = arith.constant 0 : index
    %swap3A_81 = arith.constant 0 : index
    %swap3A_82 = arith.constant 0 : index
    %swap3A_83 = vector.load %arg3[%swap3A_78, %swap3A_79, %swap3A_80, %swap3A_81, %swap3A_82] : memref<200x8x1x8x128xf32, #tpu.memory_space<vmem>>, vector<2x8x1x8x128xf32>
    %swap3A_84 = vector.shape_cast %swap3A_83 : vector<2x8x1x8x128xf32> to vector<2x8x8x128xf32>
    %swap3A_85 = vector.shape_cast %reshape3A_77 : vector<2x8x8x128xf32> to vector<2x8x1x8x128xf32>
    tpu.vector_store %arg3[%swap3A_78, %swap3A_79, %swap3A_80, %swap3A_81, %swap3A_82], %swap3A_85 {strides = array<i32>} : memref<200x8x1x8x128xf32, #tpu.memory_space<vmem>>, vector<2x8x1x8x128xf32>,
    %get3A_86 = arith.constant 6 : index
    %get3A_87 = arith.constant 0 : index
    %get3A_88 = arith.constant 0 : index
    %get3A_89 = vector.load %arg2[%get3A_86, %get3A_87, %get3A_88] : memref<100x128x128xf32, #tpu.memory_space<vmem>>, vector<1x128x128xf32>
    %get3A_90 = vector.shape_cast %get3A_89 : vector<1x128x128xf32> to vector<128x128xf32>
    %transpose3A_91 = tpu.transpose %get3A_90, [1, 0] : vector<128x128xf32> -> vector<128x128xf32>
    %reshape3A_92 = vector.shape_cast %transpose3A_91 : vector<128x128xf32> to vector<2x8x8x128xf32>
    %swap3A_93 = arith.constant 12 : index
    %swap3A_94 = arith.constant 0 : index
    %swap3A_95 = arith.constant 0 : index
    %swap3A_96 = arith.constant 0 : index
    %swap3A_97 = arith.constant 0 : index
    %swap3A_98 = vector.load %arg3[%swap3A_93, %swap3A_94, %swap3A_95, %swap3A_96, %swap3A_97] : memref<200x8x1x8x128xf32, #tpu.memory_space<vmem>>, vector<2x8x1x8x128xf32>
    %swap3A_99 = vector.shape_cast %swap3A_98 : vector<2x8x1x8x128xf32> to vector<2x8x8x128xf32>
    %swap3A_100 = vector.shape_cast %reshape3A_92 : vector<2x8x8x128xf32> to vector<2x8x1x8x128xf32>
    tpu.vector_store %arg3[%swap3A_93, %swap3A_94, %swap3A_95, %swap3A_96, %swap3A_97], %swap3A_100 {strides = array<i32>} : memref<200x8x1x8x128xf32, #tpu.memory_space<vmem>>, vector<2x8x1x8x128xf32>,
    %get3A_101 = arith.constant 7 : index
    %get3A_102 = arith.constant 0 : index
    %get3A_103 = arith.constant 0 : index
    %get3A_104 = vector.load %arg2[%get3A_101, %get3A_102, %get3A_103] : memref<100x128x128xf32, #tpu.memory_space<vmem>>, vector<1x128x128xf32>
    %get3A_105 = vector.shape_cast %get3A_104 : vector<1x128x128xf32> to vector<128x128xf32>
    %transpose3A_106 = tpu.transpose %get3A_105, [1, 0] : vector<128x128xf32> -> vector<128x128xf32>
    %reshape3A_107 = vector.shape_cast %transpose3A_106 : vector<128x128xf32> to vector<2x8x8x128xf32>
    %swap3A_108 = arith.constant 14 : index
    %swap3A_109 = arith.constant 0 : index
    %swap3A_110 = arith.constant 0 : index
    %swap3A_111 = arith.constant 0 : index
    %swap3A_112 = arith.constant 0 : index
    %swap3A_113 = vector.load %arg3[%swap3A_108, %swap3A_109, %swap3A_110, %swap3A_111, %swap3A_112] : memref<200x8x1x8x128xf32, #tpu.memory_space<vmem>>, vector<2x8x1x8x128xf32>
    %swap3A_114 = vector.shape_cast %swap3A_113 : vector<2x8x1x8x128xf32> to vector<2x8x8x128xf32>
    %swap3A_115 = vector.shape_cast %reshape3A_107 : vector<2x8x8x128xf32> to vector<2x8x1x8x128xf32>
    tpu.vector_store %arg3[%swap3A_108, %swap3A_109, %swap3A_110, %swap3A_111, %swap3A_112], %swap3A_115 {strides = array<i32>} : memref<200x8x1x8x128xf32, #tpu.memory_space<vmem>>, vector<2x8x1x8x128xf32>,
    %get3A_116 = arith.constant 8 : index
    %get3A_117 = arith.constant 0 : index
    %get3A_118 = arith.constant 0 : index
    %get3A_119 = vector.load %arg2[%get3A_116, %get3A_117, %get3A_118] : memref<100x128x128xf32, #tpu.memory_space<vmem>>, vector<1x128x128xf32>
    %get3A_120 = vector.shape_cast %get3A_119 : vector<1x128x128xf32> to vector<128x128xf32>
    %transpose3A_121 = tpu.transpose %get3A_120, [1, 0] : vector<128x128xf32> -> vector<128x128xf32>
    %reshape3A_122 = vector.shape_cast %transpose3A_121 : vector<128x128xf32> to vector<2x8x8x128xf32>
    %swap3A_123 = arith.constant 16 : index
    %swap3A_124 = arith.constant 0 : index
    %swap3A_125 = arith.constant 0 : index
    %swap3A_126 = arith.constant 0 : index
    %swap3A_127 = arith.constant 0 : index
    %swap3A_128 = vector.load %arg3[%swap3A_123, %swap3A_124, %swap3A_125, %swap3A_126, %swap3A_127] : memref<200x8x1x8x128xf32, #tpu.memory_space<vmem>>, vector<2x8x1x8x128xf32>
    %swap3A_129 = vector.shape_cast %swap3A_128 : vector<2x8x1x8x128xf32> to vector<2x8x8x128xf32>
    %swap3A_130 = vector.shape_cast %reshape3A_122 : vector<2x8x8x128xf32> to vector<2x8x1x8x128xf32>
    tpu.vector_store %arg3[%swap3A_123, %swap3A_124, %swap3A_125, %swap3A_126, %swap3A_127], %swap3A_130 {strides = array<i32>} : memref<200x8x1x8x128xf32, #tpu.memory_space<vmem>>, vector<2x8x1x8x128xf32>,
    %get3A_131 = arith.constant 9 : index
    %get3A_132 = arith.constant 0 : index
    %get3A_133 = arith.constant 0 : index
    %get3A_134 = vector.load %arg2[%get3A_131, %get3A_132, %get3A_133] : memref<100x128x128xf32, #tpu.memory_space<vmem>>, vector<1x128x128xf32>
    %get3A_135 = vector.shape_cast %get3A_134 : vector<1x128x128xf32> to vector<128x128xf32>
    %transpose3A_136 = tpu.transpose %get3A_135, [1, 0] : vector<128x128xf32> -> vector<128x128xf32>
    %reshape3A_137 = vector.shape_cast %transpose3A_136 : vector<128x128xf32> to vector<2x8x8x128xf32>
    %swap3A_138 = arith.constant 18 : index
    %swap3A_139 = arith.constant 0 : index
    %swap3A_140 = arith.constant 0 : index
    %swap3A_141 = arith.constant 0 : index
    %swap3A_142 = arith.constant 0 : index
    %swap3A_143 = vector.load %arg3[%swap3A_138, %swap3A_139, %swap3A_140, %swap3A_141, %swap3A_142] : memref<200x8x1x8x128xf32, #tpu.memory_space<vmem>>, vector<2x8x1x8x128xf32>
    %swap3A_144 = vector.shape_cast %swap3A_143 : vector<2x8x1x8x128xf32> to vector<2x8x8x128xf32>
    %swap3A_145 = vector.shape_cast %reshape3A_137 : vector<2x8x8x128xf32> to vector<2x8x1x8x128xf32>
    tpu.vector_store %arg3[%swap3A_138, %swap3A_139, %swap3A_140, %swap3A_141, %swap3A_142], %swap3A_145 {strides = array<i32>} : memref<200x8x1x8x128xf32, #tpu.memory_space<vmem>>, vector<2x8x1x8x128xf32>,
    %get3A_146 = arith.constant 10 : index
    %get3A_147 = arith.constant 0 : index
    %get3A_148 = arith.constant 0 : index
    %get3A_149 = vector.load %arg2[%get3A_146, %get3A_147, %get3A_148] : memref<100x128x128xf32, #tpu.memory_space<vmem>>, vector<1x128x128xf32>
    %get3A_150 = vector.shape_cast %get3A_149 : vector<1x128x128xf32> to vector<128x128xf32>
    %transpose3A_151 = tpu.transpose %get3A_150, [1, 0] : vector<128x128xf32> -> vector<128x128xf32>
    %reshape3A_152 = vector.shape_cast %transpose3A_151 : vector<128x128xf32> to vector<2x8x8x128xf32>
    %swap3A_153 = arith.constant 20 : index
    %swap3A_154 = arith.constant 0 : index
    %swap3A_155 = arith.constant 0 : index
    %swap3A_156 = arith.constant 0 : index
    %swap3A_157 = arith.constant 0 : index
    %swap3A_158 = vector.load %arg3[%swap3A_153, %swap3A_154, %swap3A_155, %swap3A_156, %swap3A_157] : memref<200x8x1x8x128xf32, #tpu.memory_space<vmem>>, vector<2x8x1x8x128xf32>
    %swap3A_159 = vector.shape_cast %swap3A_158 : vector<2x8x1x8x128xf32> to vector<2x8x8x128xf32>
    %swap3A_160 = vector.shape_cast %reshape3A_152 : vector<2x8x8x128xf32> to vector<2x8x1x8x128xf32>
    tpu.vector_store %arg3[%swap3A_153, %swap3A_154, %swap3A_155, %swap3A_156, %swap3A_157], %swap3A_160 {strides = array<i32>} : memref<200x8x1x8x128xf32, #tpu.memory_space<vmem>>, vector<2x8x1x8x128xf32>,
    %get3A_161 = arith.constant 11 : index
    %get3A_162 = arith.constant 0 : index
    %get3A_163 = arith.constant 0 : index
    %get3A_164 = vector.load %arg2[%get3A_161, %get3A_162, %get3A_163] : memref<100x128x128xf32, #tpu.memory_space<vmem>>, vector<1x128x128xf32>
    %get3A_165 = vector.shape_cast %get3A_164 : vector<1x128x128xf32> to vector<128x128xf32>
    %transpose3A_166 = tpu.transpose %get3A_165, [1, 0] : vector<128x128xf32> -> vector<128x128xf32>
    %reshape3A_167 = vector.shape_cast %transpose3A_166 : vector<128x128xf32> to vector<2x8x8x128xf32>
    %swap3A_168 = arith.constant 22 : index
    %swap3A_169 = arith.constant 0 : index
    %swap3A_170 = arith.constant 0 : index
    %swap3A_171 = arith.constant 0 : index
    %swap3A_172 = arith.constant 0 : index
    %swap3A_173 = vector.load %arg3[%swap3A_168, %swap3A_169, %swap3A_170, %swap3A_171, %swap3A_172] : memref<200x8x1x8x128xf32, #tpu.memory_space<vmem>>, vector<2x8x1x8x128xf32>
    %swap3A_174 = vector.shape_cast %swap3A_173 : vector<2x8x1x8x128xf32> to vector<2x8x8x128xf32>
    %swap3A_175 = vector.shape_cast %reshape3A_167 : vector<2x8x8x128xf32> to vector<2x8x1x8x128xf32>
    tpu.vector_store %arg3[%swap3A_168, %swap3A_169, %swap3A_170, %swap3A_171, %swap3A_172], %swap3A_175 {strides = array<i32>} : memref<200x8x1x8x128xf32, #tpu.memory_space<vmem>>, vector<2x8x1x8x128xf32>,
    %get3A_176 = arith.constant 12 : index
    %get3A_177 = arith.constant 0 : index
    %get3A_178 = arith.constant 0 : index
    %get3A_179 = vector.load %arg2[%get3A_176, %get3A_177, %get3A_178] : memref<100x128x128xf32, #tpu.memory_space<vmem>>, vector<1x128x128xf32>
    %get3A_180 = vector.shape_cast %get3A_179 : vector<1x128x128xf32> to vector<128x128xf32>
    %transpose3A_181 = tpu.transpose %get3A_180, [1, 0] : vector<128x128xf32> -> vector<128x128xf32>
    %reshape3A_182 = vector.shape_cast %transpose3A_181 : vector<128x128xf32> to vector<2x8x8x128xf32>
    %swap3A_183 = arith.constant 24 : index
    %swap3A_184 = arith.constant 0 : index
    %swap3A_185 = arith.constant 0 : index
    %swap3A_186 = arith.constant 0 : index
    %swap3A_187 = arith.constant 0 : index
    %swap3A_188 = vector.load %arg3[%swap3A_183, %swap3A_184, %swap3A_185, %swap3A_186, %swap3A_187] : memref<200x8x1x8x128xf32, #tpu.memory_space<vmem>>, vector<2x8x1x8x128xf32>
    %swap3A_189 = vector.shape_cast %swap3A_188 : vector<2x8x1x8x128xf32> to vector<2x8x8x128xf32>
    %swap3A_190 = vector.shape_cast %reshape3A_182 : vector<2x8x8x128xf32> to vector<2x8x1x8x128xf32>
    tpu.vector_store %arg3[%swap3A_183, %swap3A_184, %swap3A_185, %swap3A_186, %swap3A_187], %swap3A_190 {strides = array<i32>} : memref<200x8x1x8x128xf32, #tpu.memory_space<vmem>>, vector<2x8x1x8x128xf32>,
    %get3A_191 = arith.constant 13 : index
    %get3A_192 = arith.constant 0 : index
    %get3A_193 = arith.constant 0 : index
    %get3A_194 = vector.load %arg2[%get3A_191, %get3A_192, %get3A_193] : memref<100x128x128xf32, #tpu.memory_space<vmem>>, vector<1x128x128xf32>
    %get3A_195 = vector.shape_cast %get3A_194 : vector<1x128x128xf32> to vector<128x128xf32>
    %transpose3A_196 = tpu.transpose %get3A_195, [1, 0] : vector<128x128xf32> -> vector<128x128xf32>
    %reshape3A_197 = vector.shape_cast %transpose3A_196 : vector<128x128xf32> to vector<2x8x8x128xf32>
    %swap3A_198 = arith.constant 26 : index
    %swap3A_199 = arith.constant 0 : index
    %swap3A_200 = arith.constant 0 : index
    %swap3A_201 = arith.constant 0 : index
    %swap3A_202 = arith.constant 0 : index
    %swap3A_203 = vector.load %arg3[%swap3A_198, %swap3A_199, %swap3A_200, %swap3A_201, %swap3A_202] : memref<200x8x1x8x128xf32, #tpu.memory_space<vmem>>, vector<2x8x1x8x128xf32>
    %swap3A_204 = vector.shape_cast %swap3A_203 : vector<2x8x1x8x128xf32> to vector<2x8x8x128xf32>
    %swap3A_205 = vector.shape_cast %reshape3A_197 : vector<2x8x8x128xf32> to vector<2x8x1x8x128xf32>
    tpu.vector_store %arg3[%swap3A_198, %swap3A_199, %swap3A_200, %swap3A_201, %swap3A_202], %swap3A_205 {strides = array<i32>} : memref<200x8x1x8x128xf32, #tpu.memory_space<vmem>>, vector<2x8x1x8x128xf32>,
    %get3A_206 = arith.constant 14 : index
    %get3A_207 = arith.constant 0 : index
    %get3A_208 = arith.constant 0 : index
    %get3A_209 = vector.load %arg2[%get3A_206, %get3A_207, %get3A_208] : memref<100x128x128xf32, #tpu.memory_space<vmem>>, vector<1x128x128xf32>
    %get3A_210 = vector.shape_cast %get3A_209 : vector<1x128x128xf32> to vector<128x128xf32>
    %transpose3A_211 = tpu.transpose %get3A_210, [1, 0] : vector<128x128xf32> -> vector<128x128xf32>
    %reshape3A_212 = vector.shape_cast %transpose3A_211 : vector<128x128xf32> to vector<2x8x8x128xf32>
    %swap3A_213 = arith.constant 28 : index
    %swap3A_214 = arith.constant 0 : index
    %swap3A_215 = arith.constant 0 : index
    %swap3A_216 = arith.constant 0 : index
    %swap3A_217 = arith.constant 0 : index
    %swap3A_218 = vector.load %arg3[%swap3A_213, %swap3A_214, %swap3A_215, %swap3A_216, %swap3A_217] : memref<200x8x1x8x128xf32, #tpu.memory_space<vmem>>, vector<2x8x1x8x128xf32>
    %swap3A_219 = vector.shape_cast %swap3A_218 : vector<2x8x1x8x128xf32> to vector<2x8x8x128xf32>
    %swap3A_220 = vector.shape_cast %reshape3A_212 : vector<2x8x8x128xf32> to vector<2x8x1x8x128xf32>
    tpu.vector_store %arg3[%swap3A_213, %swap3A_214, %swap3A_215, %swap3A_216, %swap3A_217], %swap3A_220 {strides = array<i32>} : memref<200x8x1x8x128xf32, #tpu.memory_space<vmem>>, vector<2x8x1x8x128xf32>,
    %get3A_221 = arith.constant 15 : index
    %get3A_222 = arith.constant 0 : index
    %get3A_223 = arith.constant 0 : index
    %get3A_224 = vector.load %arg2[%get3A_221, %get3A_222, %get3A_223] : memref<100x128x128xf32, #tpu.memory_space<vmem>>, vector<1x128x128xf32>
    %get3A_225 = vector.shape_cast %get3A_224 : vector<1x128x128xf32> to vector<128x128xf32>
    %transpose3A_226 = tpu.transpose %get3A_225, [1, 0] : vector<128x128xf32> -> vector<128x128xf32>
    %reshape3A_227 = vector.shape_cast %transpose3A_226 : vector<128x128xf32> to vector<2x8x8x128xf32>
    %swap3A_228 = arith.constant 30 : index
    %swap3A_229 = arith.constant 0 : index
    %swap3A_230 = arith.constant 0 : index
    %swap3A_231 = arith.constant 0 : index
    %swap3A_232 = arith.constant 0 : index
    %swap3A_233 = vector.load %arg3[%swap3A_228, %swap3A_229, %swap3A_230, %swap3A_231, %swap3A_232] : memref<200x8x1x8x128xf32, #tpu.memory_space<vmem>>, vector<2x8x1x8x128xf32>
    %swap3A_234 = vector.shape_cast %swap3A_233 : vector<2x8x1x8x128xf32> to vector<2x8x8x128xf32>
    %swap3A_235 = vector.shape_cast %reshape3A_227 : vector<2x8x8x128xf32> to vector<2x8x1x8x128xf32>
    tpu.vector_store %arg3[%swap3A_228, %swap3A_229, %swap3A_230, %swap3A_231, %swap3A_232], %swap3A_235 {strides = array<i32>} : memref<200x8x1x8x128xf32, #tpu.memory_space<vmem>>, vector<2x8x1x8x128xf32>,
    %get3A_236 = arith.constant 16 : index
    %get3A_237 = arith.constant 0 : index
    %get3A_238 = arith.constant 0 : index
    %get3A_239 = vector.load %arg2[%get3A_236, %get3A_237, %get3A_238] : memref<100x128x128xf32, #tpu.memory_space<vmem>>, vector<1x128x128xf32>
    %get3A_240 = vector.shape_cast %get3A_239 : vector<1x128x128xf32> to vector<128x128xf32>
    %transpose3A_241 = tpu.transpose %get3A_240, [1, 0] : vector<128x128xf32> -> vector<128x128xf32>
    %reshape3A_242 = vector.shape_cast %transpose3A_241 : vector<128x128xf32> to vector<2x8x8x128xf32>
    %swap3A_243 = arith.constant 32 : index
    %swap3A_244 = arith.constant 0 : index
    %swap3A_245 = arith.constant 0 : index
    %swap3A_246 = arith.constant 0 : index
    %swap3A_247 = arith.constant 0 : index
    %swap3A_248 = vector.load %arg3[%swap3A_243, %swap3A_244, %swap3A_245, %swap3A_246, %swap3A_247] : memref<200x8x1x8x128xf32, #tpu.memory_space<vmem>>, vector<2x8x1x8x128xf32>
    %swap3A_249 = vector.shape_cast %swap3A_248 : vector<2x8x1x8x128xf32> to vector<2x8x8x128xf32>
    %swap3A_250 = vector.shape_cast %reshape3A_242 : vector<2x8x8x128xf32> to vector<2x8x1x8x128xf32>
    tpu.vector_store %arg3[%swap3A_243, %swap3A_244, %swap3A_245, %swap3A_246, %swap3A_247], %swap3A_250 {strides = array<i32>} : memref<200x8x1x8x128xf32, #tpu.memory_space<vmem>>, vector<2x8x1x8x128xf32>,
    %get3A_251 = arith.constant 17 : index
    %get3A_252 = arith.constant 0 : index
    %get3A_253 = arith.constant 0 : index
    %get3A_254 = vector.load %arg2[%get3A_251, %get3A_252, %get3A_253] : memref<100x128x128xf32, #tpu.memory_space<vmem>>, vector<1x128x128xf32>
    %get3A_255 = vector.shape_cast %get3A_254 : vector<1x128x128xf32> to vector<128x128xf32>
    %transpose3A_256 = tpu.transpose %get3A_255, [1, 0] : vector<128x128xf32> -> vector<128x128xf32>
    %reshape3A_257 = vector.shape_cast %transpose3A_256 : vector<128x128xf32> to vector<2x8x8x128xf32>
    %swap3A_258 = arith.constant 34 : index
    %swap3A_259 = arith.constant 0 : index
    %swap3A_260 = arith.constant 0 : index
    %swap3A_261 = arith.constant 0 : index
    %swap3A_262 = arith.constant 0 : index
    %swap3A_263 = vector.load %arg3[%swap3A_258, %swap3A_259, %swap3A_260, %swap3A_261, %swap3A_262] : memref<200x8x1x8x128xf32, #tpu.memory_space<vmem>>, vector<2x8x1x8x128xf32>
    %swap3A_264 = vector.shape_cast %swap3A_263 : vector<2x8x1x8x128xf32> to vector<2x8x8x128xf32>
    %swap3A_265 = vector.shape_cast %reshape3A_257 : vector<2x8x8x128xf32> to vector<2x8x1x8x128xf32>
    tpu.vector_store %arg3[%swap3A_258, %swap3A_259, %swap3A_260, %swap3A_261, %swap3A_262], %swap3A_265 {strides = array<i32>} : memref<200x8x1x8x128xf32, #tpu.memory_space<vmem>>, vector<2x8x1x8x128xf32>,
    %get3A_266 = arith.constant 18 : index
    %get3A_267 = arith.constant 0 : index
    %get3A_268 = arith.constant 0 : index
    %get3A_269 = vector.load %arg2[%get3A_266, %get3A_267, %get3A_268] : memref<100x128x128xf32, #tpu.memory_space<vmem>>, vector<1x128x128xf32>
    %get3A_270 = vector.shape_cast %get3A_269 : vector<1x128x128xf32> to vector<128x128xf32>
    %transpose3A_271 = tpu.transpose %get3A_270, [1, 0] : vector<128x128xf32> -> vector<128x128xf32>
    %reshape3A_272 = vector.shape_cast %transpose3A_271 : vector<128x128xf32> to vector<2x8x8x128xf32>
    %swap3A_273 = arith.constant 36 : index
    %swap3A_274 = arith.constant 0 : index
    %swap3A_275 = arith.constant 0 : index
    %swap3A_276 = arith.constant 0 : index
    %swap3A_277 = arith.constant 0 : index
    %swap3A_278 = vector.load %arg3[%swap3A_273, %swap3A_274, %swap3A_275, %swap3A_276, %swap3A_277] : memref<200x8x1x8x128xf32, #tpu.memory_space<vmem>>, vector<2x8x1x8x128xf32>
    %swap3A_279 = vector.shape_cast %swap3A_278 : vector<2x8x1x8x128xf32> to vector<2x8x8x128xf32>
    %swap3A_280 = vector.shape_cast %reshape3A_272 : vector<2x8x8x128xf32> to vector<2x8x1x8x128xf32>
    tpu.vector_store %arg3[%swap3A_273, %swap3A_274, %swap3A_275, %swap3A_276, %swap3A_277], %swap3A_280 {strides = array<i32>} : memref<200x8x1x8x128xf32, #tpu.memory_space<vmem>>, vector<2x8x1x8x128xf32>,
    %get3A_281 = arith.constant 19 : index
    %get3A_282 = arith.constant 0 : index
    %get3A_283 = arith.constant 0 : index
    %get3A_284 = vector.load %arg2[%get3A_281, %get3A_282, %get3A_283] : memref<100x128x128xf32, #tpu.memory_space<vmem>>, vector<1x128x128xf32>
    %get3A_285 = vector.shape_cast %get3A_284 : vector<1x128x128xf32> to vector<128x128xf32>
    %transpose3A_286 = tpu.transpose %get3A_285, [1, 0] : vector<128x128xf32> -> vector<128x128xf32>
    %reshape3A_287 = vector.shape_cast %transpose3A_286 : vector<128x128xf32> to vector<2x8x8x128xf32>
    %swap3A_288 = arith.constant 38 : index
    %swap3A_289 = arith.constant 0 : index
    %swap3A_290 = arith.constant 0 : index
    %swap3A_291 = arith.constant 0 : index
    %swap3A_292 = arith.constant 0 : index
    %swap3A_293 = vector.load %arg3[%swap3A_288, %swap3A_289, %swap3A_290, %swap3A_291, %swap3A_292] : memref<200x8x1x8x128xf32, #tpu.memory_space<vmem>>, vector<2x8x1x8x128xf32>
    %swap3A_294 = vector.shape_cast %swap3A_293 : vector<2x8x1x8x128xf32> to vector<2x8x8x128xf32>
    %swap3A_295 = vector.shape_cast %reshape3A_287 : vector<2x8x8x128xf32> to vector<2x8x1x8x128xf32>
    tpu.vector_store %arg3[%swap3A_288, %swap3A_289, %swap3A_290, %swap3A_291, %swap3A_292], %swap3A_295 {strides = array<i32>} : memref<200x8x1x8x128xf32, #tpu.memory_space<vmem>>, vector<2x8x1x8x128xf32>,
    %get3A_296 = arith.constant 20 : index
    %get3A_297 = arith.constant 0 : index
    %get3A_298 = arith.constant 0 : index
    %get3A_299 = vector.load %arg2[%get3A_296, %get3A_297, %get3A_298] : memref<100x128x128xf32, #tpu.memory_space<vmem>>, vector<1x128x128xf32>
    %get3A_300 = vector.shape_cast %get3A_299 : vector<1x128x128xf32> to vector<128x128xf32>
    %transpose3A_301 = tpu.transpose %get3A_300, [1, 0] : vector<128x128xf32> -> vector<128x128xf32>
    %reshape3A_302 = vector.shape_cast %transpose3A_301 : vector<128x128xf32> to vector<2x8x8x128xf32>
    %swap3A_303 = arith.constant 40 : index
    %swap3A_304 = arith.constant 0 : index
    %swap3A_305 = arith.constant 0 : index
    %swap3A_306 = arith.constant 0 : index
    %swap3A_307 = arith.constant 0 : index
    %swap3A_308 = vector.load %arg3[%swap3A_303, %swap3A_304, %swap3A_305, %swap3A_306, %swap3A_307] : memref<200x8x1x8x128xf32, #tpu.memory_space<vmem>>, vector<2x8x1x8x128xf32>
    %swap3A_309 = vector.shape_cast %swap3A_308 : vector<2x8x1x8x128xf32> to vector<2x8x8x128xf32>
    %swap3A_310 = vector.shape_cast %reshape3A_302 : vector<2x8x8x128xf32> to vector<2x8x1x8x128xf32>
    tpu.vector_store %arg3[%swap3A_303, %swap3A_304, %swap3A_305, %swap3A_306, %swap3A_307], %swap3A_310 {strides = array<i32>} : memref<200x8x1x8x128xf32, #tpu.memory_space<vmem>>, vector<2x8x1x8x128xf32>,
    %get3A_311 = arith.constant 21 : index
    %get3A_312 = arith.constant 0 : index
    %get3A_313 = arith.constant 0 : index
    %get3A_314 = vector.load %arg2[%get3A_311, %get3A_312, %get3A_313] : memref<100x128x128xf32, #tpu.memory_space<vmem>>, vector<1x128x128xf32>
    %get3A_315 = vector.shape_cast %get3A_314 : vector<1x128x128xf32> to vector<128x128xf32>
    %transpose3A_316 = tpu.transpose %get3A_315, [1, 0] : vector<128x128xf32> -> vector<128x128xf32>
    %reshape3A_317 = vector.shape_cast %transpose3A_316 : vector<128x128xf32> to vector<2x8x8x128xf32>
    %swap3A_318 = arith.constant 42 : index
    %swap3A_319 = arith.constant 0 : index
    %swap3A_320 = arith.constant 0 : index
    %swap3A_321 = arith.constant 0 : index
    %swap3A_322 = arith.constant 0 : index
    %swap3A_323 = vector.load %arg3[%swap3A_318, %swap3A_319, %swap3A_320, %swap3A_321, %swap3A_322] : memref<200x8x1x8x128xf32, #tpu.memory_space<vmem>>, vector<2x8x1x8x128xf32>
    %swap3A_324 = vector.shape_cast %swap3A_323 : vector<2x8x1x8x128xf32> to vector<2x8x8x128xf32>
    %swap3A_325 = vector.shape_cast %reshape3A_317 : vector<2x8x8x128xf32> to vector<2x8x1x8x128xf32>
    tpu.vector_store %arg3[%swap3A_318, %swap3A_319, %swap3A_320, %swap3A_321, %swap3A_322], %swap3A_325 {strides = array<i32>} : memref<200x8x1x8x128xf32, #tpu.memory_space<vmem>>, vector<2x8x1x8x128xf32>,
    %get3A_326 = arith.constant 22 : index
    %get3A_327 = arith.constant 0 : index
    %get3A_328 = arith.constant 0 : index
    %get3A_329 = vector.load %arg2[%get3A_326, %get3A_327, %get3A_328] : memref<100x128x128xf32, #tpu.memory_space<vmem>>, vector<1x128x128xf32>
    %get3A_330 = vector.shape_cast %get3A_329 : vector<1x128x128xf32> to vector<128x128xf32>
    %transpose3A_331 = tpu.transpose %get3A_330, [1, 0] : vector<128x128xf32> -> vector<128x128xf32>
    %reshape3A_332 = vector.shape_cast %transpose3A_331 : vector<128x128xf32> to vector<2x8x8x128xf32>
    %swap3A_333 = arith.constant 44 : index
    %swap3A_334 = arith.constant 0 : index
    %swap3A_335 = arith.constant 0 : index
    %swap3A_336 = arith.constant 0 : index
    %swap3A_337 = arith.constant 0 : index
    %swap3A_338 = vector.load %arg3[%swap3A_333, %swap3A_334, %swap3A_335, %swap3A_336, %swap3A_337] : memref<200x8x1x8x128xf32, #tpu.memory_space<vmem>>, vector<2x8x1x8x128xf32>
    %swap3A_339 = vector.shape_cast %swap3A_338 : vector<2x8x1x8x128xf32> to vector<2x8x8x128xf32>
    %swap3A_340 = vector.shape_cast %reshape3A_332 : vector<2x8x8x128xf32> to vector<2x8x1x8x128xf32>
    tpu.vector_store %arg3[%swap3A_333, %swap3A_334, %swap3A_335, %swap3A_336, %swap3A_337], %swap3A_340 {strides = array<i32>} : memref<200x8x1x8x128xf32, #tpu.memory_space<vmem>>, vector<2x8x1x8x128xf32>,
    %get3A_341 = arith.constant 23 : index
    %get3A_342 = arith.constant 0 : index
    %get3A_343 = arith.constant 0 : index
    %get3A_344 = vector.load %arg2[%get3A_341, %get3A_342, %get3A_343] : memref<100x128x128xf32, #tpu.memory_space<vmem>>, vector<1x128x128xf32>
    %get3A_345 = vector.shape_cast %get3A_344 : vector<1x128x128xf32> to vector<128x128xf32>
    %transpose3A_346 = tpu.transpose %get3A_345, [1, 0] : vector<128x128xf32> -> vector<128x128xf32>
    %reshape3A_347 = vector.shape_cast %transpose3A_346 : vector<128x128xf32> to vector<2x8x8x128xf32>
    %swap3A_348 = arith.constant 46 : index
    %swap3A_349 = arith.constant 0 : index
    %swap3A_350 = arith.constant 0 : index
    %swap3A_351 = arith.constant 0 : index
    %swap3A_352 = arith.constant 0 : index
    %swap3A_353 = vector.load %arg3[%swap3A_348, %swap3A_349, %swap3A_350, %swap3A_351, %swap3A_352] : memref<200x8x1x8x128xf32, #tpu.memory_space<vmem>>, vector<2x8x1x8x128xf32>
    %swap3A_354 = vector.shape_cast %swap3A_353 : vector<2x8x1x8x128xf32> to vector<2x8x8x128xf32>
    %swap3A_355 = vector.shape_cast %reshape3A_347 : vector<2x8x8x128xf32> to vector<2x8x1x8x128xf32>
    tpu.vector_store %arg3[%swap3A_348, %swap3A_349, %swap3A_350, %swap3A_351, %swap3A_352], %swap3A_355 {strides = array<i32>} : memref<200x8x1x8x128xf32, #tpu.memory_space<vmem>>, vector<2x8x1x8x128xf32>,
    %get3A_356 = arith.constant 24 : index
    %get3A_357 = arith.constant 0 : index
    %get3A_358 = arith.constant 0 : index
    %get3A_359 = vector.load %arg2[%get3A_356, %get3A_357, %get3A_358] : memref<100x128x128xf32, #tpu.memory_space<vmem>>, vector<1x128x128xf32>
    %get3A_360 = vector.shape_cast %get3A_359 : vector<1x128x128xf32> to vector<128x128xf32>
    %transpose3A_361 = tpu.transpose %get3A_360, [1, 0] : vector<128x128xf32> -> vector<128x128xf32>
    %reshape3A_362 = vector.shape_cast %transpose3A_361 : vector<128x128xf32> to vector<2x8x8x128xf32>
    %swap3A_363 = arith.constant 48 : index
    %swap3A_364 = arith.constant 0 : index
    %swap3A_365 = arith.constant 0 : index
    %swap3A_366 = arith.constant 0 : index
    %swap3A_367 = arith.constant 0 : index
    %swap3A_368 = vector.load %arg3[%swap3A_363, %swap3A_364, %swap3A_365, %swap3A_366, %swap3A_367] : memref<200x8x1x8x128xf32, #tpu.memory_space<vmem>>, vector<2x8x1x8x128xf32>
    %swap3A_369 = vector.shape_cast %swap3A_368 : vector<2x8x1x8x128xf32> to vector<2x8x8x128xf32>
    %swap3A_370 = vector.shape_cast %reshape3A_362 : vector<2x8x8x128xf32> to vector<2x8x1x8x128xf32>
    tpu.vector_store %arg3[%swap3A_363, %swap3A_364, %swap3A_365, %swap3A_366, %swap3A_367], %swap3A_370 {strides = array<i32>} : memref<200x8x1x8x128xf32, #tpu.memory_space<vmem>>, vector<2x8x1x8x128xf32>,
    %get3A_371 = arith.constant 25 : index
    %get3A_372 = arith.constant 0 : index
    %get3A_373 = arith.constant 0 : index
    %get3A_374 = vector.load %arg2[%get3A_371, %get3A_372, %get3A_373] : memref<100x128x128xf32, #tpu.memory_space<vmem>>, vector<1x128x128xf32>
    %get3A_375 = vector.shape_cast %get3A_374 : vector<1x128x128xf32> to vector<128x128xf32>
    %transpose3A_376 = tpu.transpose %get3A_375, [1, 0] : vector<128x128xf32> -> vector<128x128xf32>
    %reshape3A_377 = vector.shape_cast %transpose3A_376 : vector<128x128xf32> to vector<2x8x8x128xf32>
    %swap3A_378 = arith.constant 50 : index
    %swap3A_379 = arith.constant 0 : index
    %swap3A_380 = arith.constant 0 : index
    %swap3A_381 = arith.constant 0 : index
    %swap3A_382 = arith.constant 0 : index
    %swap3A_383 = vector.load %arg3[%swap3A_378, %swap3A_379, %swap3A_380, %swap3A_381, %swap3A_382] : memref<200x8x1x8x128xf32, #tpu.memory_space<vmem>>, vector<2x8x1x8x128xf32>
    %swap3A_384 = vector.shape_cast %swap3A_383 : vector<2x8x1x8x128xf32> to vector<2x8x8x128xf32>
    %swap3A_385 = vector.shape_cast %reshape3A_377 : vector<2x8x8x128xf32> to vector<2x8x1x8x128xf32>
    tpu.vector_store %arg3[%swap3A_378, %swap3A_379, %swap3A_380, %swap3A_381, %swap3A_382], %swap3A_385 {strides = array<i32>} : memref<200x8x1x8x128xf32, #tpu.memory_space<vmem>>, vector<2x8x1x8x128xf32>,
    %get3A_386 = arith.constant 26 : index
    %get3A_387 = arith.constant 0 : index
    %get3A_388 = arith.constant 0 : index
    %get3A_389 = vector.load %arg2[%get3A_386, %get3A_387, %get3A_388] : memref<100x128x128xf32, #tpu.memory_space<vmem>>, vector<1x128x128xf32>
    %get3A_390 = vector.shape_cast %get3A_389 : vector<1x128x128xf32> to vector<128x128xf32>
    %transpose3A_391 = tpu.transpose %get3A_390, [1, 0] : vector<128x128xf32> -> vector<128x128xf32>
    %reshape3A_392 = vector.shape_cast %transpose3A_391 : vector<128x128xf32> to vector<2x8x8x128xf32>
    %swap3A_393 = arith.constant 52 : index
    %swap3A_394 = arith.constant 0 : index
    %swap3A_395 = arith.constant 0 : index
    %swap3A_396 = arith.constant 0 : index
    %swap3A_397 = arith.constant 0 : index
    %swap3A_398 = vector.load %arg3[%swap3A_393, %swap3A_394, %swap3A_395, %swap3A_396, %swap3A_397] : memref<200x8x1x8x128xf32, #tpu.memory_space<vmem>>, vector<2x8x1x8x128xf32>
    %swap3A_399 = vector.shape_cast %swap3A_398 : vector<2x8x1x8x128xf32> to vector<2x8x8x128xf32>
    %swap3A_400 = vector.shape_cast %reshape3A_392 : vector<2x8x8x128xf32> to vector<2x8x1x8x128xf32>
    tpu.vector_store %arg3[%swap3A_393, %swap3A_394, %swap3A_395, %swap3A_396, %swap3A_397], %swap3A_400 {strides = array<i32>} : memref<200x8x1x8x128xf32, #tpu.memory_space<vmem>>, vector<2x8x1x8x128xf32>,
    %get3A_401 = arith.constant 27 : index
    %get3A_402 = arith.constant 0 : index
    %get3A_403 = arith.constant 0 : index
    %get3A_404 = vector.load %arg2[%get3A_401, %get3A_402, %get3A_403] : memref<100x128x128xf32, #tpu.memory_space<vmem>>, vector<1x128x128xf32>
    %get3A_405 = vector.shape_cast %get3A_404 : vector<1x128x128xf32> to vector<128x128xf32>
    %transpose3A_406 = tpu.transpose %get3A_405, [1, 0] : vector<128x128xf32> -> vector<128x128xf32>
    %reshape3A_407 = vector.shape_cast %transpose3A_406 : vector<128x128xf32> to vector<2x8x8x128xf32>
    %swap3A_408 = arith.constant 54 : index
    %swap3A_409 = arith.constant 0 : index
    %swap3A_410 = arith.constant 0 : index
    %swap3A_411 = arith.constant 0 : index
    %swap3A_412 = arith.constant 0 : index
    %swap3A_413 = vector.load %arg3[%swap3A_408, %swap3A_409, %swap3A_410, %swap3A_411, %swap3A_412] : memref<200x8x1x8x128xf32, #tpu.memory_space<vmem>>, vector<2x8x1x8x128xf32>
    %swap3A_414 = vector.shape_cast %swap3A_413 : vector<2x8x1x8x128xf32> to vector<2x8x8x128xf32>
    %swap3A_415 = vector.shape_cast %reshape3A_407 : vector<2x8x8x128xf32> to vector<2x8x1x8x128xf32>
    tpu.vector_store %arg3[%swap3A_408, %swap3A_409, %swap3A_410, %swap3A_411, %swap3A_412], %swap3A_415 {strides = array<i32>} : memref<200x8x1x8x128xf32, #tpu.memory_space<vmem>>, vector<2x8x1x8x128xf32>,
    %get3A_416 = arith.constant 28 : index
    %get3A_417 = arith.constant 0 : index
    %get3A_418 = arith.constant 0 : index
    %get3A_419 = vector.load %arg2[%get3A_416, %get3A_417, %get3A_418] : memref<100x128x128xf32, #tpu.memory_space<vmem>>, vector<1x128x128xf32>
    %get3A_420 = vector.shape_cast %get3A_419 : vector<1x128x128xf32> to vector<128x128xf32>
    %transpose3A_421 = tpu.transpose %get3A_420, [1, 0] : vector<128x128xf32> -> vector<128x128xf32>
    %reshape3A_422 = vector.shape_cast %transpose3A_421 : vector<128x128xf32> to vector<2x8x8x128xf32>
    %swap3A_423 = arith.constant 56 : index
    %swap3A_424 = arith.constant 0 : index
    %swap3A_425 = arith.constant 0 : index
    %swap3A_426 = arith.constant 0 : index
    %swap3A_427 = arith.constant 0 : index
    %swap3A_428 = vector.load %arg3[%swap3A_423, %swap3A_424, %swap3A_425, %swap3A_426, %swap3A_427] : memref<200x8x1x8x128xf32, #tpu.memory_space<vmem>>, vector<2x8x1x8x128xf32>
    %swap3A_429 = vector.shape_cast %swap3A_428 : vector<2x8x1x8x128xf32> to vector<2x8x8x128xf32>
    %swap3A_430 = vector.shape_cast %reshape3A_422 : vector<2x8x8x128xf32> to vector<2x8x1x8x128xf32>
    tpu.vector_store %arg3[%swap3A_423, %swap3A_424, %swap3A_425, %swap3A_426, %swap3A_427], %swap3A_430 {strides = array<i32>} : memref<200x8x1x8x128xf32, #tpu.memory_space<vmem>>, vector<2x8x1x8x128xf32>,
    %get3A_431 = arith.constant 29 : index
    %get3A_432 = arith.constant 0 : index
    %get3A_433 = arith.constant 0 : index
    %get3A_434 = vector.load %arg2[%get3A_431, %get3A_432, %get3A_433] : memref<100x128x128xf32, #tpu.memory_space<vmem>>, vector<1x128x128xf32>
    %get3A_435 = vector.shape_cast %get3A_434 : vector<1x128x128xf32> to vector<128x128xf32>
    %transpose3A_436 = tpu.transpose %get3A_435, [1, 0] : vector<128x128xf32> -> vector<128x128xf32>
    %reshape3A_437 = vector.shape_cast %transpose3A_436 : vector<128x128xf32> to vector<2x8x8x128xf32>
    %swap3A_438 = arith.constant 58 : index
    %swap3A_439 = arith.constant 0 : index
    %swap3A_440 = arith.constant 0 : index
    %swap3A_441 = arith.constant 0 : index
    %swap3A_442 = arith.constant 0 : index
    %swap3A_443 = vector.load %arg3[%swap3A_438, %swap3A_439, %swap3A_440, %swap3A_441, %swap3A_442] : memref<200x8x1x8x128xf32, #tpu.memory_space<vmem>>, vector<2x8x1x8x128xf32>
    %swap3A_444 = vector.shape_cast %swap3A_443 : vector<2x8x1x8x128xf32> to vector<2x8x8x128xf32>
    %swap3A_445 = vector.shape_cast %reshape3A_437 : vector<2x8x8x128xf32> to vector<2x8x1x8x128xf32>
    tpu.vector_store %arg3[%swap3A_438, %swap3A_439, %swap3A_440, %swap3A_441, %swap3A_442], %swap3A_445 {strides = array<i32>} : memref<200x8x1x8x128xf32, #tpu.memory_space<vmem>>, vector<2x8x1x8x128xf32>,
    %get3A_446 = arith.constant 30 : index
    %get3A_447 = arith.constant 0 : index
    %get3A_448 = arith.constant 0 : index
    %get3A_449 = vector.load %arg2[%get3A_446, %get3A_447, %get3A_448] : memref<100x128x128xf32, #tpu.memory_space<vmem>>, vector<1x128x128xf32>
    %get3A_450 = vector.shape_cast %get3A_449 : vector<1x128x128xf32> to vector<128x128xf32>
    %transpose3A_451 = tpu.transpose %get3A_450, [1, 0] : vector<128x128xf32> -> vector<128x128xf32>
    %reshape3A_452 = vector.shape_cast %transpose3A_451 : vector<128x128xf32> to vector<2x8x8x128xf32>
    %swap3A_453 = arith.constant 60 : index
    %swap3A_454 = arith.constant 0 : index
    %swap3A_455 = arith.constant 0 : index
    %swap3A_456 = arith.constant 0 : index
    %swap3A_457 = arith.constant 0 : index
    %swap3A_458 = vector.load %arg3[%swap3A_453, %swap3A_454, %swap3A_455, %swap3A_456, %swap3A_457] : memref<200x8x1x8x128xf32, #tpu.memory_space<vmem>>, vector<2x8x1x8x128xf32>
    %swap3A_459 = vector.shape_cast %swap3A_458 : vector<2x8x1x8x128xf32> to vector<2x8x8x128xf32>
    %swap3A_460 = vector.shape_cast %reshape3A_452 : vector<2x8x8x128xf32> to vector<2x8x1x8x128xf32>
    tpu.vector_store %arg3[%swap3A_453, %swap3A_454, %swap3A_455, %swap3A_456, %swap3A_457], %swap3A_460 {strides = array<i32>} : memref<200x8x1x8x128xf32, #tpu.memory_space<vmem>>, vector<2x8x1x8x128xf32>,
    %get3A_461 = arith.constant 31 : index
    %get3A_462 = arith.constant 0 : index
    %get3A_463 = arith.constant 0 : index
    %get3A_464 = vector.load %arg2[%get3A_461, %get3A_462, %get3A_463] : memref<100x128x128xf32, #tpu.memory_space<vmem>>, vector<1x128x128xf32>
    %get3A_465 = vector.shape_cast %get3A_464 : vector<1x128x128xf32> to vector<128x128xf32>
    %transpose3A_466 = tpu.transpose %get3A_465, [1, 0] : vector<128x128xf32> -> vector<128x128xf32>
    %reshape3A_467 = vector.shape_cast %transpose3A_466 : vector<128x128xf32> to vector<2x8x8x128xf32>
    %swap3A_468 = arith.constant 62 : index
    %swap3A_469 = arith.constant 0 : index
    %swap3A_470 = arith.constant 0 : index
    %swap3A_471 = arith.constant 0 : index
    %swap3A_472 = arith.constant 0 : index
    %swap3A_473 = vector.load %arg3[%swap3A_468, %swap3A_469, %swap3A_470, %swap3A_471, %swap3A_472] : memref<200x8x1x8x128xf32, #tpu.memory_space<vmem>>, vector<2x8x1x8x128xf32>
    %swap3A_474 = vector.shape_cast %swap3A_473 : vector<2x8x1x8x128xf32> to vector<2x8x8x128xf32>
    %swap3A_475 = vector.shape_cast %reshape3A_467 : vector<2x8x8x128xf32> to vector<2x8x1x8x128xf32>
    tpu.vector_store %arg3[%swap3A_468, %swap3A_469, %swap3A_470, %swap3A_471, %swap3A_472], %swap3A_475 {strides = array<i32>} : memref<200x8x1x8x128xf32, #tpu.memory_space<vmem>>, vector<2x8x1x8x128xf32>,
    %get3A_476 = arith.constant 32 : index
    %get3A_477 = arith.constant 0 : index
    %get3A_478 = arith.constant 0 : index
    %get3A_479 = vector.load %arg2[%get3A_476, %get3A_477, %get3A_478] : memref<100x128x128xf32, #tpu.memory_space<vmem>>, vector<1x128x128xf32>
    %get3A_480 = vector.shape_cast %get3A_479 : vector<1x128x128xf32> to vector<128x128xf32>
    %transpose3A_481 = tpu.transpose %get3A_480, [1, 0] : vector<128x128xf32> -> vector<128x128xf32>
    %reshape3A_482 = vector.shape_cast %transpose3A_481 : vector<128x128xf32> to vector<2x8x8x128xf32>
    %swap3A_483 = arith.constant 64 : index
    %swap3A_484 = arith.constant 0 : index
    %swap3A_485 = arith.constant 0 : index
    %swap3A_486 = arith.constant 0 : index
    %swap3A_487 = arith.constant 0 : index
    %swap3A_488 = vector.load %arg3[%swap3A_483, %swap3A_484, %swap3A_485, %swap3A_486, %swap3A_487] : memref<200x8x1x8x128xf32, #tpu.memory_space<vmem>>, vector<2x8x1x8x128xf32>
    %swap3A_489 = vector.shape_cast %swap3A_488 : vector<2x8x1x8x128xf32> to vector<2x8x8x128xf32>
    %swap3A_490 = vector.shape_cast %reshape3A_482 : vector<2x8x8x128xf32> to vector<2x8x1x8x128xf32>
    tpu.vector_store %arg3[%swap3A_483, %swap3A_484, %swap3A_485, %swap3A_486, %swap3A_487], %swap3A_490 {strides = array<i32>} : memref<200x8x1x8x128xf32, #tpu.memory_space<vmem>>, vector<2x8x1x8x128xf32>,
    %get3A_491 = arith.constant 33 : index
    %get3A_492 = arith.constant 0 : index
    %get3A_493 = arith.constant 0 : index
    %get3A_494 = vector.load %arg2[%get3A_491, %get3A_492, %get3A_493] : memref<100x128x128xf32, #tpu.memory_space<vmem>>, vector<1x128x128xf32>
    %get3A_495 = vector.shape_cast %get3A_494 : vector<1x128x128xf32> to vector<128x128xf32>
    %transpose3A_496 = tpu.transpose %get3A_495, [1, 0] : vector<128x128xf32> -> vector<128x128xf32>
    %reshape3A_497 = vector.shape_cast %transpose3A_496 : vector<128x128xf32> to vector<2x8x8x128xf32>
    %swap3A_498 = arith.constant 66 : index
    %swap3A_499 = arith.constant 0 : index
    %swap3A_500 = arith.constant 0 : index
    %swap3A_501 = arith.constant 0 : index
    %swap3A_502 = arith.constant 0 : index
    %swap3A_503 = vector.load %arg3[%swap3A_498, %swap3A_499, %swap3A_500, %swap3A_501, %swap3A_502] : memref<200x8x1x8x128xf32, #tpu.memory_space<vmem>>, vector<2x8x1x8x128xf32>
    %swap3A_504 = vector.shape_cast %swap3A_503 : vector<2x8x1x8x128xf32> to vector<2x8x8x128xf32>
    %swap3A_505 = vector.shape_cast %reshape3A_497 : vector<2x8x8x128xf32> to vector<2x8x1x8x128xf32>
    tpu.vector_store %arg3[%swap3A_498, %swap3A_499, %swap3A_500, %swap3A_501, %swap3A_502], %swap3A_505 {strides = array<i32>} : memref<200x8x1x8x128xf32, #tpu.memory_space<vmem>>, vector<2x8x1x8x128xf32>,
    %get3A_506 = arith.constant 34 : index
    %get3A_507 = arith.constant 0 : index
    %get3A_508 = arith.constant 0 : index
    %get3A_509 = vector.load %arg2[%get3A_506, %get3A_507, %get3A_508] : memref<100x128x128xf32, #tpu.memory_space<vmem>>, vector<1x128x128xf32>
    %get3A_510 = vector.shape_cast %get3A_509 : vector<1x128x128xf32> to vector<128x128xf32>
    %transpose3A_511 = tpu.transpose %get3A_510, [1, 0] : vector<128x128xf32> -> vector<128x128xf32>
    %reshape3A_512 = vector.shape_cast %transpose3A_511 : vector<128x128xf32> to vector<2x8x8x128xf32>
    %swap3A_513 = arith.constant 68 : index
    %swap3A_514 = arith.constant 0 : index
    %swap3A_515 = arith.constant 0 : index
    %swap3A_516 = arith.constant 0 : index
    %swap3A_517 = arith.constant 0 : index
    %swap3A_518 = vector.load %arg3[%swap3A_513, %swap3A_514, %swap3A_515, %swap3A_516, %swap3A_517] : memref<200x8x1x8x128xf32, #tpu.memory_space<vmem>>, vector<2x8x1x8x128xf32>
    %swap3A_519 = vector.shape_cast %swap3A_518 : vector<2x8x1x8x128xf32> to vector<2x8x8x128xf32>
    %swap3A_520 = vector.shape_cast %reshape3A_512 : vector<2x8x8x128xf32> to vector<2x8x1x8x128xf32>
    tpu.vector_store %arg3[%swap3A_513, %swap3A_514, %swap3A_515, %swap3A_516, %swap3A_517], %swap3A_520 {strides = array<i32>} : memref<200x8x1x8x128xf32, #tpu.memory_space<vmem>>, vector<2x8x1x8x128xf32>,
    %get3A_521 = arith.constant 35 : index
    %get3A_522 = arith.constant 0 : index
    %get3A_523 = arith.constant 0 : index
    %get3A_524 = vector.load %arg2[%get3A_521, %get3A_522, %get3A_523] : memref<100x128x128xf32, #tpu.memory_space<vmem>>, vector<1x128x128xf32>
    %get3A_525 = vector.shape_cast %get3A_524 : vector<1x128x128xf32> to vector<128x128xf32>
    %transpose3A_526 = tpu.transpose %get3A_525, [1, 0] : vector<128x128xf32> -> vector<128x128xf32>
    %reshape3A_527 = vector.shape_cast %transpose3A_526 : vector<128x128xf32> to vector<2x8x8x128xf32>
    %swap3A_528 = arith.constant 70 : index
    %swap3A_529 = arith.constant 0 : index
    %swap3A_530 = arith.constant 0 : index
    %swap3A_531 = arith.constant 0 : index
    %swap3A_532 = arith.constant 0 : index
    %swap3A_533 = vector.load %arg3[%swap3A_528, %swap3A_529, %swap3A_530, %swap3A_531, %swap3A_532] : memref<200x8x1x8x128xf32, #tpu.memory_space<vmem>>, vector<2x8x1x8x128xf32>
    %swap3A_534 = vector.shape_cast %swap3A_533 : vector<2x8x1x8x128xf32> to vector<2x8x8x128xf32>
    %swap3A_535 = vector.shape_cast %reshape3A_527 : vector<2x8x8x128xf32> to vector<2x8x1x8x128xf32>
    tpu.vector_store %arg3[%swap3A_528, %swap3A_529, %swap3A_530, %swap3A_531, %swap3A_532], %swap3A_535 {strides = array<i32>} : memref<200x8x1x8x128xf32, #tpu.memory_space<vmem>>, vector<2x8x1x8x128xf32>,
    %get3A_536 = arith.constant 36 : index
    %get3A_537 = arith.constant 0 : index
    %get3A_538 = arith.constant 0 : index
    %get3A_539 = vector.load %arg2[%get3A_536, %get3A_537, %get3A_538] : memref<100x128x128xf32, #tpu.memory_space<vmem>>, vector<1x128x128xf32>
    %get3A_540 = vector.shape_cast %get3A_539 : vector<1x128x128xf32> to vector<128x128xf32>
    %transpose3A_541 = tpu.transpose %get3A_540, [1, 0] : vector<128x128xf32> -> vector<128x128xf32>
    %reshape3A_542 = vector.shape_cast %transpose3A_541 : vector<128x128xf32> to vector<2x8x8x128xf32>
    %swap3A_543 = arith.constant 72 : index
    %swap3A_544 = arith.constant 0 : index
    %swap3A_545 = arith.constant 0 : index
    %swap3A_546 = arith.constant 0 : index
    %swap3A_547 = arith.constant 0 : index
    %swap3A_548 = vector.load %arg3[%swap3A_543, %swap3A_544, %swap3A_545, %swap3A_546, %swap3A_547] : memref<200x8x1x8x128xf32, #tpu.memory_space<vmem>>, vector<2x8x1x8x128xf32>
    %swap3A_549 = vector.shape_cast %swap3A_548 : vector<2x8x1x8x128xf32> to vector<2x8x8x128xf32>
    %swap3A_550 = vector.shape_cast %reshape3A_542 : vector<2x8x8x128xf32> to vector<2x8x1x8x128xf32>
    tpu.vector_store %arg3[%swap3A_543, %swap3A_544, %swap3A_545, %swap3A_546, %swap3A_547], %swap3A_550 {strides = array<i32>} : memref<200x8x1x8x128xf32, #tpu.memory_space<vmem>>, vector<2x8x1x8x128xf32>,
    %get3A_551 = arith.constant 37 : index
    %get3A_552 = arith.constant 0 : index
    %get3A_553 = arith.constant 0 : index
    %get3A_554 = vector.load %arg2[%get3A_551, %get3A_552, %get3A_553] : memref<100x128x128xf32, #tpu.memory_space<vmem>>, vector<1x128x128xf32>
    %get3A_555 = vector.shape_cast %get3A_554 : vector<1x128x128xf32> to vector<128x128xf32>
    %transpose3A_556 = tpu.transpose %get3A_555, [1, 0] : vector<128x128xf32> -> vector<128x128xf32>
    %reshape3A_557 = vector.shape_cast %transpose3A_556 : vector<128x128xf32> to vector<2x8x8x128xf32>
    %swap3A_558 = arith.constant 74 : index
    %swap3A_559 = arith.constant 0 : index
    %swap3A_560 = arith.constant 0 : index
    %swap3A_561 = arith.constant 0 : index
    %swap3A_562 = arith.constant 0 : index
    %swap3A_563 = vector.load %arg3[%swap3A_558, %swap3A_559, %swap3A_560, %swap3A_561, %swap3A_562] : memref<200x8x1x8x128xf32, #tpu.memory_space<vmem>>, vector<2x8x1x8x128xf32>
    %swap3A_564 = vector.shape_cast %swap3A_563 : vector<2x8x1x8x128xf32> to vector<2x8x8x128xf32>
    %swap3A_565 = vector.shape_cast %reshape3A_557 : vector<2x8x8x128xf32> to vector<2x8x1x8x128xf32>
    tpu.vector_store %arg3[%swap3A_558, %swap3A_559, %swap3A_560, %swap3A_561, %swap3A_562], %swap3A_565 {strides = array<i32>} : memref<200x8x1x8x128xf32, #tpu.memory_space<vmem>>, vector<2x8x1x8x128xf32>,
    %get3A_566 = arith.constant 38 : index
    %get3A_567 = arith.constant 0 : index
    %get3A_568 = arith.constant 0 : index
    %get3A_569 = vector.load %arg2[%get3A_566, %get3A_567, %get3A_568] : memref<100x128x128xf32, #tpu.memory_space<vmem>>, vector<1x128x128xf32>
    %get3A_570 = vector.shape_cast %get3A_569 : vector<1x128x128xf32> to vector<128x128xf32>
    %transpose3A_571 = tpu.transpose %get3A_570, [1, 0] : vector<128x128xf32> -> vector<128x128xf32>
    %reshape3A_572 = vector.shape_cast %transpose3A_571 : vector<128x128xf32> to vector<2x8x8x128xf32>
    %swap3A_573 = arith.constant 76 : index
    %swap3A_574 = arith.constant 0 : index
    %swap3A_575 = arith.constant 0 : index
    %swap3A_576 = arith.constant 0 : index
    %swap3A_577 = arith.constant 0 : index
    %swap3A_578 = vector.load %arg3[%swap3A_573, %swap3A_574, %swap3A_575, %swap3A_576, %swap3A_577] : memref<200x8x1x8x128xf32, #tpu.memory_space<vmem>>, vector<2x8x1x8x128xf32>
    %swap3A_579 = vector.shape_cast %swap3A_578 : vector<2x8x1x8x128xf32> to vector<2x8x8x128xf32>
    %swap3A_580 = vector.shape_cast %reshape3A_572 : vector<2x8x8x128xf32> to vector<2x8x1x8x128xf32>
    tpu.vector_store %arg3[%swap3A_573, %swap3A_574, %swap3A_575, %swap3A_576, %swap3A_577], %swap3A_580 {strides = array<i32>} : memref<200x8x1x8x128xf32, #tpu.memory_space<vmem>>, vector<2x8x1x8x128xf32>,
    %get3A_581 = arith.constant 39 : index
    %get3A_582 = arith.constant 0 : index
    %get3A_583 = arith.constant 0 : index
    %get3A_584 = vector.load %arg2[%get3A_581, %get3A_582, %get3A_583] : memref<100x128x128xf32, #tpu.memory_space<vmem>>, vector<1x128x128xf32>
    %get3A_585 = vector.shape_cast %get3A_584 : vector<1x128x128xf32> to vector<128x128xf32>
    %transpose3A_586 = tpu.transpose %get3A_585, [1, 0] : vector<128x128xf32> -> vector<128x128xf32>
    %reshape3A_587 = vector.shape_cast %transpose3A_586 : vector<128x128xf32> to vector<2x8x8x128xf32>
    %swap3A_588 = arith.constant 78 : index
    %swap3A_589 = arith.constant 0 : index
    %swap3A_590 = arith.constant 0 : index
    %swap3A_591 = arith.constant 0 : index
    %swap3A_592 = arith.constant 0 : index
    %swap3A_593 = vector.load %arg3[%swap3A_588, %swap3A_589, %swap3A_590, %swap3A_591, %swap3A_592] : memref<200x8x1x8x128xf32, #tpu.memory_space<vmem>>, vector<2x8x1x8x128xf32>
    %swap3A_594 = vector.shape_cast %swap3A_593 : vector<2x8x1x8x128xf32> to vector<2x8x8x128xf32>
    %swap3A_595 = vector.shape_cast %reshape3A_587 : vector<2x8x8x128xf32> to vector<2x8x1x8x128xf32>
    tpu.vector_store %arg3[%swap3A_588, %swap3A_589, %swap3A_590, %swap3A_591, %swap3A_592], %swap3A_595 {strides = array<i32>} : memref<200x8x1x8x128xf32, #tpu.memory_space<vmem>>, vector<2x8x1x8x128xf32>,
    %get3A_596 = arith.constant 40 : index
    %get3A_597 = arith.constant 0 : index
    %get3A_598 = arith.constant 0 : index
    %get3A_599 = vector.load %arg2[%get3A_596, %get3A_597, %get3A_598] : memref<100x128x128xf32, #tpu.memory_space<vmem>>, vector<1x128x128xf32>
    %get3A_600 = vector.shape_cast %get3A_599 : vector<1x128x128xf32> to vector<128x128xf32>
    %transpose3A_601 = tpu.transpose %get3A_600, [1, 0] : vector<128x128xf32> -> vector<128x128xf32>
    %reshape3A_602 = vector.shape_cast %transpose3A_601 : vector<128x128xf32> to vector<2x8x8x128xf32>
    %swap3A_603 = arith.constant 80 : index
    %swap3A_604 = arith.constant 0 : index
    %swap3A_605 = arith.constant 0 : index
    %swap3A_606 = arith.constant 0 : index
    %swap3A_607 = arith.constant 0 : index
    %swap3A_608 = vector.load %arg3[%swap3A_603, %swap3A_604, %swap3A_605, %swap3A_606, %swap3A_607] : memref<200x8x1x8x128xf32, #tpu.memory_space<vmem>>, vector<2x8x1x8x128xf32>
    %swap3A_609 = vector.shape_cast %swap3A_608 : vector<2x8x1x8x128xf32> to vector<2x8x8x128xf32>
    %swap3A_610 = vector.shape_cast %reshape3A_602 : vector<2x8x8x128xf32> to vector<2x8x1x8x128xf32>
    tpu.vector_store %arg3[%swap3A_603, %swap3A_604, %swap3A_605, %swap3A_606, %swap3A_607], %swap3A_610 {strides = array<i32>} : memref<200x8x1x8x128xf32, #tpu.memory_space<vmem>>, vector<2x8x1x8x128xf32>,
    %get3A_611 = arith.constant 41 : index
    %get3A_612 = arith.constant 0 : index
    %get3A_613 = arith.constant 0 : index
    %get3A_614 = vector.load %arg2[%get3A_611, %get3A_612, %get3A_613] : memref<100x128x128xf32, #tpu.memory_space<vmem>>, vector<1x128x128xf32>
    %get3A_615 = vector.shape_cast %get3A_614 : vector<1x128x128xf32> to vector<128x128xf32>
    %transpose3A_616 = tpu.transpose %get3A_615, [1, 0] : vector<128x128xf32> -> vector<128x128xf32>
    %reshape3A_617 = vector.shape_cast %transpose3A_616 : vector<128x128xf32> to vector<2x8x8x128xf32>
    %swap3A_618 = arith.constant 82 : index
    %swap3A_619 = arith.constant 0 : index
    %swap3A_620 = arith.constant 0 : index
    %swap3A_621 = arith.constant 0 : index
    %swap3A_622 = arith.constant 0 : index
    %swap3A_623 = vector.load %arg3[%swap3A_618, %swap3A_619, %swap3A_620, %swap3A_621, %swap3A_622] : memref<200x8x1x8x128xf32, #tpu.memory_space<vmem>>, vector<2x8x1x8x128xf32>
    %swap3A_624 = vector.shape_cast %swap3A_623 : vector<2x8x1x8x128xf32> to vector<2x8x8x128xf32>
    %swap3A_625 = vector.shape_cast %reshape3A_617 : vector<2x8x8x128xf32> to vector<2x8x1x8x128xf32>
    tpu.vector_store %arg3[%swap3A_618, %swap3A_619, %swap3A_620, %swap3A_621, %swap3A_622], %swap3A_625 {strides = array<i32>} : memref<200x8x1x8x128xf32, #tpu.memory_space<vmem>>, vector<2x8x1x8x128xf32>,
    %get3A_626 = arith.constant 42 : index
    %get3A_627 = arith.constant 0 : index
    %get3A_628 = arith.constant 0 : index
    %get3A_629 = vector.load %arg2[%get3A_626, %get3A_627, %get3A_628] : memref<100x128x128xf32, #tpu.memory_space<vmem>>, vector<1x128x128xf32>
    %get3A_630 = vector.shape_cast %get3A_629 : vector<1x128x128xf32> to vector<128x128xf32>
    %transpose3A_631 = tpu.transpose %get3A_630, [1, 0] : vector<128x128xf32> -> vector<128x128xf32>
    %reshape3A_632 = vector.shape_cast %transpose3A_631 : vector<128x128xf32> to vector<2x8x8x128xf32>
    %swap3A_633 = arith.constant 84 : index
    %swap3A_634 = arith.constant 0 : index
    %swap3A_635 = arith.constant 0 : index
    %swap3A_636 = arith.constant 0 : index
    %swap3A_637 = arith.constant 0 : index
    %swap3A_638 = vector.load %arg3[%swap3A_633, %swap3A_634, %swap3A_635, %swap3A_636, %swap3A_637] : memref<200x8x1x8x128xf32, #tpu.memory_space<vmem>>, vector<2x8x1x8x128xf32>
    %swap3A_639 = vector.shape_cast %swap3A_638 : vector<2x8x1x8x128xf32> to vector<2x8x8x128xf32>
    %swap3A_640 = vector.shape_cast %reshape3A_632 : vector<2x8x8x128xf32> to vector<2x8x1x8x128xf32>
    tpu.vector_store %arg3[%swap3A_633, %swap3A_634, %swap3A_635, %swap3A_636, %swap3A_637], %swap3A_640 {strides = array<i32>} : memref<200x8x1x8x128xf32, #tpu.memory_space<vmem>>, vector<2x8x1x8x128xf32>,
    %get3A_641 = arith.constant 43 : index
    %get3A_642 = arith.constant 0 : index
    %get3A_643 = arith.constant 0 : index
    %get3A_644 = vector.load %arg2[%get3A_641, %get3A_642, %get3A_643] : memref<100x128x128xf32, #tpu.memory_space<vmem>>, vector<1x128x128xf32>
    %get3A_645 = vector.shape_cast %get3A_644 : vector<1x128x128xf32> to vector<128x128xf32>
    %transpose3A_646 = tpu.transpose %get3A_645, [1, 0] : vector<128x128xf32> -> vector<128x128xf32>
    %reshape3A_647 = vector.shape_cast %transpose3A_646 : vector<128x128xf32> to vector<2x8x8x128xf32>
    %swap3A_648 = arith.constant 86 : index
    %swap3A_649 = arith.constant 0 : index
    %swap3A_650 = arith.constant 0 : index
    %swap3A_651 = arith.constant 0 : index
    %swap3A_652 = arith.constant 0 : index
    %swap3A_653 = vector.load %arg3[%swap3A_648, %swap3A_649, %swap3A_650, %swap3A_651, %swap3A_652] : memref<200x8x1x8x128xf32, #tpu.memory_space<vmem>>, vector<2x8x1x8x128xf32>
    %swap3A_654 = vector.shape_cast %swap3A_653 : vector<2x8x1x8x128xf32> to vector<2x8x8x128xf32>
    %swap3A_655 = vector.shape_cast %reshape3A_647 : vector<2x8x8x128xf32> to vector<2x8x1x8x128xf32>
    tpu.vector_store %arg3[%swap3A_648, %swap3A_649, %swap3A_650, %swap3A_651, %swap3A_652], %swap3A_655 {strides = array<i32>} : memref<200x8x1x8x128xf32, #tpu.memory_space<vmem>>, vector<2x8x1x8x128xf32>,
    %get3A_656 = arith.constant 44 : index
    %get3A_657 = arith.constant 0 : index
    %get3A_658 = arith.constant 0 : index
    %get3A_659 = vector.load %arg2[%get3A_656, %get3A_657, %get3A_658] : memref<100x128x128xf32, #tpu.memory_space<vmem>>, vector<1x128x128xf32>
    %get3A_660 = vector.shape_cast %get3A_659 : vector<1x128x128xf32> to vector<128x128xf32>
    %transpose3A_661 = tpu.transpose %get3A_660, [1, 0] : vector<128x128xf32> -> vector<128x128xf32>
    %reshape3A_662 = vector.shape_cast %transpose3A_661 : vector<128x128xf32> to vector<2x8x8x128xf32>
    %swap3A_663 = arith.constant 88 : index
    %swap3A_664 = arith.constant 0 : index
    %swap3A_665 = arith.constant 0 : index
    %swap3A_666 = arith.constant 0 : index
    %swap3A_667 = arith.constant 0 : index
    %swap3A_668 = vector.load %arg3[%swap3A_663, %swap3A_664, %swap3A_665, %swap3A_666, %swap3A_667] : memref<200x8x1x8x128xf32, #tpu.memory_space<vmem>>, vector<2x8x1x8x128xf32>
    %swap3A_669 = vector.shape_cast %swap3A_668 : vector<2x8x1x8x128xf32> to vector<2x8x8x128xf32>
    %swap3A_670 = vector.shape_cast %reshape3A_662 : vector<2x8x8x128xf32> to vector<2x8x1x8x128xf32>
    tpu.vector_store %arg3[%swap3A_663, %swap3A_664, %swap3A_665, %swap3A_666, %swap3A_667], %swap3A_670 {strides = array<i32>} : memref<200x8x1x8x128xf32, #tpu.memory_space<vmem>>, vector<2x8x1x8x128xf32>,
    %get3A_671 = arith.constant 45 : index
    %get3A_672 = arith.constant 0 : index
    %get3A_673 = arith.constant 0 : index
    %get3A_674 = vector.load %arg2[%get3A_671, %get3A_672, %get3A_673] : memref<100x128x128xf32, #tpu.memory_space<vmem>>, vector<1x128x128xf32>
    %get3A_675 = vector.shape_cast %get3A_674 : vector<1x128x128xf32> to vector<128x128xf32>
    %transpose3A_676 = tpu.transpose %get3A_675, [1, 0] : vector<128x128xf32> -> vector<128x128xf32>
    %reshape3A_677 = vector.shape_cast %transpose3A_676 : vector<128x128xf32> to vector<2x8x8x128xf32>
    %swap3A_678 = arith.constant 90 : index
    %swap3A_679 = arith.constant 0 : index
    %swap3A_680 = arith.constant 0 : index
    %swap3A_681 = arith.constant 0 : index
    %swap3A_682 = arith.constant 0 : index
    %swap3A_683 = vector.load %arg3[%swap3A_678, %swap3A_679, %swap3A_680, %swap3A_681, %swap3A_682] : memref<200x8x1x8x128xf32, #tpu.memory_space<vmem>>, vector<2x8x1x8x128xf32>
    %swap3A_684 = vector.shape_cast %swap3A_683 : vector<2x8x1x8x128xf32> to vector<2x8x8x128xf32>
    %swap3A_685 = vector.shape_cast %reshape3A_677 : vector<2x8x8x128xf32> to vector<2x8x1x8x128xf32>
    tpu.vector_store %arg3[%swap3A_678, %swap3A_679, %swap3A_680, %swap3A_681, %swap3A_682], %swap3A_685 {strides = array<i32>} : memref<200x8x1x8x128xf32, #tpu.memory_space<vmem>>, vector<2x8x1x8x128xf32>,
    %get3A_686 = arith.constant 46 : index
    %get3A_687 = arith.constant 0 : index
    %get3A_688 = arith.constant 0 : index
    %get3A_689 = vector.load %arg2[%get3A_686, %get3A_687, %get3A_688] : memref<100x128x128xf32, #tpu.memory_space<vmem>>, vector<1x128x128xf32>
    %get3A_690 = vector.shape_cast %get3A_689 : vector<1x128x128xf32> to vector<128x128xf32>
    %transpose3A_691 = tpu.transpose %get3A_690, [1, 0] : vector<128x128xf32> -> vector<128x128xf32>
    %reshape3A_692 = vector.shape_cast %transpose3A_691 : vector<128x128xf32> to vector<2x8x8x128xf32>
    %swap3A_693 = arith.constant 92 : index
    %swap3A_694 = arith.constant 0 : index
    %swap3A_695 = arith.constant 0 : index
    %swap3A_696 = arith.constant 0 : index
    %swap3A_697 = arith.constant 0 : index
    %swap3A_698 = vector.load %arg3[%swap3A_693, %swap3A_694, %swap3A_695, %swap3A_696, %swap3A_697] : memref<200x8x1x8x128xf32, #tpu.memory_space<vmem>>, vector<2x8x1x8x128xf32>
    %swap3A_699 = vector.shape_cast %swap3A_698 : vector<2x8x1x8x128xf32> to vector<2x8x8x128xf32>
    %swap3A_700 = vector.shape_cast %reshape3A_692 : vector<2x8x8x128xf32> to vector<2x8x1x8x128xf32>
    tpu.vector_store %arg3[%swap3A_693, %swap3A_694, %swap3A_695, %swap3A_696, %swap3A_697], %swap3A_700 {strides = array<i32>} : memref<200x8x1x8x128xf32, #tpu.memory_space<vmem>>, vector<2x8x1x8x128xf32>,
    %get3A_701 = arith.constant 47 : index
    %get3A_702 = arith.constant 0 : index
    %get3A_703 = arith.constant 0 : index
    %get3A_704 = vector.load %arg2[%get3A_701, %get3A_702, %get3A_703] : memref<100x128x128xf32, #tpu.memory_space<vmem>>, vector<1x128x128xf32>
    %get3A_705 = vector.shape_cast %get3A_704 : vector<1x128x128xf32> to vector<128x128xf32>
    %transpose3A_706 = tpu.transpose %get3A_705, [1, 0] : vector<128x128xf32> -> vector<128x128xf32>
    %reshape3A_707 = vector.shape_cast %transpose3A_706 : vector<128x128xf32> to vector<2x8x8x128xf32>
    %swap3A_708 = arith.constant 94 : index
    %swap3A_709 = arith.constant 0 : index
    %swap3A_710 = arith.constant 0 : index
    %swap3A_711 = arith.constant 0 : index
    %swap3A_712 = arith.constant 0 : index
    %swap3A_713 = vector.load %arg3[%swap3A_708, %swap3A_709, %swap3A_710, %swap3A_711, %swap3A_712] : memref<200x8x1x8x128xf32, #tpu.memory_space<vmem>>, vector<2x8x1x8x128xf32>
    %swap3A_714 = vector.shape_cast %swap3A_713 : vector<2x8x1x8x128xf32> to vector<2x8x8x128xf32>
    %swap3A_715 = vector.shape_cast %reshape3A_707 : vector<2x8x8x128xf32> to vector<2x8x1x8x128xf32>
    tpu.vector_store %arg3[%swap3A_708, %swap3A_709, %swap3A_710, %swap3A_711, %swap3A_712], %swap3A_715 {strides = array<i32>} : memref<200x8x1x8x128xf32, #tpu.memory_space<vmem>>, vector<2x8x1x8x128xf32>,
    %get3A_716 = arith.constant 48 : index
    %get3A_717 = arith.constant 0 : index
    %get3A_718 = arith.constant 0 : index
    %get3A_719 = vector.load %arg2[%get3A_716, %get3A_717, %get3A_718] : memref<100x128x128xf32, #tpu.memory_space<vmem>>, vector<1x128x128xf32>
    %get3A_720 = vector.shape_cast %get3A_719 : vector<1x128x128xf32> to vector<128x128xf32>
    %transpose3A_721 = tpu.transpose %get3A_720, [1, 0] : vector<128x128xf32> -> vector<128x128xf32>
    %reshape3A_722 = vector.shape_cast %transpose3A_721 : vector<128x128xf32> to vector<2x8x8x128xf32>
    %swap3A_723 = arith.constant 96 : index
    %swap3A_724 = arith.constant 0 : index
    %swap3A_725 = arith.constant 0 : index
    %swap3A_726 = arith.constant 0 : index
    %swap3A_727 = arith.constant 0 : index
    %swap3A_728 = vector.load %arg3[%swap3A_723, %swap3A_724, %swap3A_725, %swap3A_726, %swap3A_727] : memref<200x8x1x8x128xf32, #tpu.memory_space<vmem>>, vector<2x8x1x8x128xf32>
    %swap3A_729 = vector.shape_cast %swap3A_728 : vector<2x8x1x8x128xf32> to vector<2x8x8x128xf32>
    %swap3A_730 = vector.shape_cast %reshape3A_722 : vector<2x8x8x128xf32> to vector<2x8x1x8x128xf32>
    tpu.vector_store %arg3[%swap3A_723, %swap3A_724, %swap3A_725, %swap3A_726, %swap3A_727], %swap3A_730 {strides = array<i32>} : memref<200x8x1x8x128xf32, #tpu.memory_space<vmem>>, vector<2x8x1x8x128xf32>,
    %get3A_731 = arith.constant 49 : index
    %get3A_732 = arith.constant 0 : index
    %get3A_733 = arith.constant 0 : index
    %get3A_734 = vector.load %arg2[%get3A_731, %get3A_732, %get3A_733] : memref<100x128x128xf32, #tpu.memory_space<vmem>>, vector<1x128x128xf32>
    %get3A_735 = vector.shape_cast %get3A_734 : vector<1x128x128xf32> to vector<128x128xf32>
    %transpose3A_736 = tpu.transpose %get3A_735, [1, 0] : vector<128x128xf32> -> vector<128x128xf32>
    %reshape3A_737 = vector.shape_cast %transpose3A_736 : vector<128x128xf32> to vector<2x8x8x128xf32>
    %swap3A_738 = arith.constant 98 : index
    %swap3A_739 = arith.constant 0 : index
    %swap3A_740 = arith.constant 0 : index
    %swap3A_741 = arith.constant 0 : index
    %swap3A_742 = arith.constant 0 : index
    %swap3A_743 = vector.load %arg3[%swap3A_738, %swap3A_739, %swap3A_740, %swap3A_741, %swap3A_742] : memref<200x8x1x8x128xf32, #tpu.memory_space<vmem>>, vector<2x8x1x8x128xf32>
    %swap3A_744 = vector.shape_cast %swap3A_743 : vector<2x8x1x8x128xf32> to vector<2x8x8x128xf32>
    %swap3A_745 = vector.shape_cast %reshape3A_737 : vector<2x8x8x128xf32> to vector<2x8x1x8x128xf32>
    tpu.vector_store %arg3[%swap3A_738, %swap3A_739, %swap3A_740, %swap3A_741, %swap3A_742], %swap3A_745 {strides = array<i32>} : memref<200x8x1x8x128xf32, #tpu.memory_space<vmem>>, vector<2x8x1x8x128xf32>,
    %get3A_746 = arith.constant 50 : index
    %get3A_747 = arith.constant 0 : index
    %get3A_748 = arith.constant 0 : index
    %get3A_749 = vector.load %arg2[%get3A_746, %get3A_747, %get3A_748] : memref<100x128x128xf32, #tpu.memory_space<vmem>>, vector<1x128x128xf32>
    %get3A_750 = vector.shape_cast %get3A_749 : vector<1x128x128xf32> to vector<128x128xf32>
    %transpose3A_751 = tpu.transpose %get3A_750, [1, 0] : vector<128x128xf32> -> vector<128x128xf32>
    %reshape3A_752 = vector.shape_cast %transpose3A_751 : vector<128x128xf32> to vector<2x8x8x128xf32>
    %swap3A_753 = arith.constant 100 : index
    %swap3A_754 = arith.constant 0 : index
    %swap3A_755 = arith.constant 0 : index
    %swap3A_756 = arith.constant 0 : index
    %swap3A_757 = arith.constant 0 : index
    %swap3A_758 = vector.load %arg3[%swap3A_753, %swap3A_754, %swap3A_755, %swap3A_756, %swap3A_757] : memref<200x8x1x8x128xf32, #tpu.memory_space<vmem>>, vector<2x8x1x8x128xf32>
    %swap3A_759 = vector.shape_cast %swap3A_758 : vector<2x8x1x8x128xf32> to vector<2x8x8x128xf32>
    %swap3A_760 = vector.shape_cast %reshape3A_752 : vector<2x8x8x128xf32> to vector<2x8x1x8x128xf32>
    tpu.vector_store %arg3[%swap3A_753, %swap3A_754, %swap3A_755, %swap3A_756, %swap3A_757], %swap3A_760 {strides = array<i32>} : memref<200x8x1x8x128xf32, #tpu.memory_space<vmem>>, vector<2x8x1x8x128xf32>,
    %get3A_761 = arith.constant 51 : index
    %get3A_762 = arith.constant 0 : index
    %get3A_763 = arith.constant 0 : index
    %get3A_764 = vector.load %arg2[%get3A_761, %get3A_762, %get3A_763] : memref<100x128x128xf32, #tpu.memory_space<vmem>>, vector<1x128x128xf32>
    %get3A_765 = vector.shape_cast %get3A_764 : vector<1x128x128xf32> to vector<128x128xf32>
    %transpose3A_766 = tpu.transpose %get3A_765, [1, 0] : vector<128x128xf32> -> vector<128x128xf32>
    %reshape3A_767 = vector.shape_cast %transpose3A_766 : vector<128x128xf32> to vector<2x8x8x128xf32>
    %swap3A_768 = arith.constant 102 : index
    %swap3A_769 = arith.constant 0 : index
    %swap3A_770 = arith.constant 0 : index
    %swap3A_771 = arith.constant 0 : index
    %swap3A_772 = arith.constant 0 : index
    %swap3A_773 = vector.load %arg3[%swap3A_768, %swap3A_769, %swap3A_770, %swap3A_771, %swap3A_772] : memref<200x8x1x8x128xf32, #tpu.memory_space<vmem>>, vector<2x8x1x8x128xf32>
    %swap3A_774 = vector.shape_cast %swap3A_773 : vector<2x8x1x8x128xf32> to vector<2x8x8x128xf32>
    %swap3A_775 = vector.shape_cast %reshape3A_767 : vector<2x8x8x128xf32> to vector<2x8x1x8x128xf32>
    tpu.vector_store %arg3[%swap3A_768, %swap3A_769, %swap3A_770, %swap3A_771, %swap3A_772], %swap3A_775 {strides = array<i32>} : memref<200x8x1x8x128xf32, #tpu.memory_space<vmem>>, vector<2x8x1x8x128xf32>,
    %get3A_776 = arith.constant 52 : index
    %get3A_777 = arith.constant 0 : index
    %get3A_778 = arith.constant 0 : index
    %get3A_779 = vector.load %arg2[%get3A_776, %get3A_777, %get3A_778] : memref<100x128x128xf32, #tpu.memory_space<vmem>>, vector<1x128x128xf32>
    %get3A_780 = vector.shape_cast %get3A_779 : vector<1x128x128xf32> to vector<128x128xf32>
    %transpose3A_781 = tpu.transpose %get3A_780, [1, 0] : vector<128x128xf32> -> vector<128x128xf32>
    %reshape3A_782 = vector.shape_cast %transpose3A_781 : vector<128x128xf32> to vector<2x8x8x128xf32>
    %swap3A_783 = arith.constant 104 : index
    %swap3A_784 = arith.constant 0 : index
    %swap3A_785 = arith.constant 0 : index
    %swap3A_786 = arith.constant 0 : index
    %swap3A_787 = arith.constant 0 : index
    %swap3A_788 = vector.load %arg3[%swap3A_783, %swap3A_784, %swap3A_785, %swap3A_786, %swap3A_787] : memref<200x8x1x8x128xf32, #tpu.memory_space<vmem>>, vector<2x8x1x8x128xf32>
    %swap3A_789 = vector.shape_cast %swap3A_788 : vector<2x8x1x8x128xf32> to vector<2x8x8x128xf32>
    %swap3A_790 = vector.shape_cast %reshape3A_782 : vector<2x8x8x128xf32> to vector<2x8x1x8x128xf32>
    tpu.vector_store %arg3[%swap3A_783, %swap3A_784, %swap3A_785, %swap3A_786, %swap3A_787], %swap3A_790 {strides = array<i32>} : memref<200x8x1x8x128xf32, #tpu.memory_space<vmem>>, vector<2x8x1x8x128xf32>,
    %get3A_791 = arith.constant 53 : index
    %get3A_792 = arith.constant 0 : index
    %get3A_793 = arith.constant 0 : index
    %get3A_794 = vector.load %arg2[%get3A_791, %get3A_792, %get3A_793] : memref<100x128x128xf32, #tpu.memory_space<vmem>>, vector<1x128x128xf32>
    %get3A_795 = vector.shape_cast %get3A_794 : vector<1x128x128xf32> to vector<128x128xf32>
    %transpose3A_796 = tpu.transpose %get3A_795, [1, 0] : vector<128x128xf32> -> vector<128x128xf32>
    %reshape3A_797 = vector.shape_cast %transpose3A_796 : vector<128x128xf32> to vector<2x8x8x128xf32>
    %swap3A_798 = arith.constant 106 : index
    %swap3A_799 = arith.constant 0 : index
    %swap3A_800 = arith.constant 0 : index
    %swap3A_801 = arith.constant 0 : index
    %swap3A_802 = arith.constant 0 : index
    %swap3A_803 = vector.load %arg3[%swap3A_798, %swap3A_799, %swap3A_800, %swap3A_801, %swap3A_802] : memref<200x8x1x8x128xf32, #tpu.memory_space<vmem>>, vector<2x8x1x8x128xf32>
    %swap3A_804 = vector.shape_cast %swap3A_803 : vector<2x8x1x8x128xf32> to vector<2x8x8x128xf32>
    %swap3A_805 = vector.shape_cast %reshape3A_797 : vector<2x8x8x128xf32> to vector<2x8x1x8x128xf32>
    tpu.vector_store %arg3[%swap3A_798, %swap3A_799, %swap3A_800, %swap3A_801, %swap3A_802], %swap3A_805 {strides = array<i32>} : memref<200x8x1x8x128xf32, #tpu.memory_space<vmem>>, vector<2x8x1x8x128xf32>,
    %get3A_806 = arith.constant 54 : index
    %get3A_807 = arith.constant 0 : index
    %get3A_808 = arith.constant 0 : index
    %get3A_809 = vector.load %arg2[%get3A_806, %get3A_807, %get3A_808] : memref<100x128x128xf32, #tpu.memory_space<vmem>>, vector<1x128x128xf32>
    %get3A_810 = vector.shape_cast %get3A_809 : vector<1x128x128xf32> to vector<128x128xf32>
    %transpose3A_811 = tpu.transpose %get3A_810, [1, 0] : vector<128x128xf32> -> vector<128x128xf32>
    %reshape3A_812 = vector.shape_cast %transpose3A_811 : vector<128x128xf32> to vector<2x8x8x128xf32>
    %swap3A_813 = arith.constant 108 : index
    %swap3A_814 = arith.constant 0 : index
    %swap3A_815 = arith.constant 0 : index
    %swap3A_816 = arith.constant 0 : index
    %swap3A_817 = arith.constant 0 : index
    %swap3A_818 = vector.load %arg3[%swap3A_813, %swap3A_814, %swap3A_815, %swap3A_816, %swap3A_817] : memref<200x8x1x8x128xf32, #tpu.memory_space<vmem>>, vector<2x8x1x8x128xf32>
    %swap3A_819 = vector.shape_cast %swap3A_818 : vector<2x8x1x8x128xf32> to vector<2x8x8x128xf32>
    %swap3A_820 = vector.shape_cast %reshape3A_812 : vector<2x8x8x128xf32> to vector<2x8x1x8x128xf32>
    tpu.vector_store %arg3[%swap3A_813, %swap3A_814, %swap3A_815, %swap3A_816, %swap3A_817], %swap3A_820 {strides = array<i32>} : memref<200x8x1x8x128xf32, #tpu.memory_space<vmem>>, vector<2x8x1x8x128xf32>,
    %get3A_821 = arith.constant 55 : index
    %get3A_822 = arith.constant 0 : index
    %get3A_823 = arith.constant 0 : index
    %get3A_824 = vector.load %arg2[%get3A_821, %get3A_822, %get3A_823] : memref<100x128x128xf32, #tpu.memory_space<vmem>>, vector<1x128x128xf32>
    %get3A_825 = vector.shape_cast %get3A_824 : vector<1x128x128xf32> to vector<128x128xf32>
    %transpose3A_826 = tpu.transpose %get3A_825, [1, 0] : vector<128x128xf32> -> vector<128x128xf32>
    %reshape3A_827 = vector.shape_cast %transpose3A_826 : vector<128x128xf32> to vector<2x8x8x128xf32>
    %swap3A_828 = arith.constant 110 : index
    %swap3A_829 = arith.constant 0 : index
    %swap3A_830 = arith.constant 0 : index
    %swap3A_831 = arith.constant 0 : index
    %swap3A_832 = arith.constant 0 : index
    %swap3A_833 = vector.load %arg3[%swap3A_828, %swap3A_829, %swap3A_830, %swap3A_831, %swap3A_832] : memref<200x8x1x8x128xf32, #tpu.memory_space<vmem>>, vector<2x8x1x8x128xf32>
    %swap3A_834 = vector.shape_cast %swap3A_833 : vector<2x8x1x8x128xf32> to vector<2x8x8x128xf32>
    %swap3A_835 = vector.shape_cast %reshape3A_827 : vector<2x8x8x128xf32> to vector<2x8x1x8x128xf32>
    tpu.vector_store %arg3[%swap3A_828, %swap3A_829, %swap3A_830, %swap3A_831, %swap3A_832], %swap3A_835 {strides = array<i32>} : memref<200x8x1x8x128xf32, #tpu.memory_space<vmem>>, vector<2x8x1x8x128xf32>,
    %get3A_836 = arith.constant 56 : index
    %get3A_837 = arith.constant 0 : index
    %get3A_838 = arith.constant 0 : index
    %get3A_839 = vector.load %arg2[%get3A_836, %get3A_837, %get3A_838] : memref<100x128x128xf32, #tpu.memory_space<vmem>>, vector<1x128x128xf32>
    %get3A_840 = vector.shape_cast %get3A_839 : vector<1x128x128xf32> to vector<128x128xf32>
    %transpose3A_841 = tpu.transpose %get3A_840, [1, 0] : vector<128x128xf32> -> vector<128x128xf32>
    %reshape3A_842 = vector.shape_cast %transpose3A_841 : vector<128x128xf32> to vector<2x8x8x128xf32>
    %swap3A_843 = arith.constant 112 : index
    %swap3A_844 = arith.constant 0 : index
    %swap3A_845 = arith.constant 0 : index
    %swap3A_846 = arith.constant 0 : index
    %swap3A_847 = arith.constant 0 : index
    %swap3A_848 = vector.load %arg3[%swap3A_843, %swap3A_844, %swap3A_845, %swap3A_846, %swap3A_847] : memref<200x8x1x8x128xf32, #tpu.memory_space<vmem>>, vector<2x8x1x8x128xf32>
    %swap3A_849 = vector.shape_cast %swap3A_848 : vector<2x8x1x8x128xf32> to vector<2x8x8x128xf32>
    %swap3A_850 = vector.shape_cast %reshape3A_842 : vector<2x8x8x128xf32> to vector<2x8x1x8x128xf32>
    tpu.vector_store %arg3[%swap3A_843, %swap3A_844, %swap3A_845, %swap3A_846, %swap3A_847], %swap3A_850 {strides = array<i32>} : memref<200x8x1x8x128xf32, #tpu.memory_space<vmem>>, vector<2x8x1x8x128xf32>,
    %get3A_851 = arith.constant 57 : index
    %get3A_852 = arith.constant 0 : index
    %get3A_853 = arith.constant 0 : index
    %get3A_854 = vector.load %arg2[%get3A_851, %get3A_852, %get3A_853] : memref<100x128x128xf32, #tpu.memory_space<vmem>>, vector<1x128x128xf32>
    %get3A_855 = vector.shape_cast %get3A_854 : vector<1x128x128xf32> to vector<128x128xf32>
    %transpose3A_856 = tpu.transpose %get3A_855, [1, 0] : vector<128x128xf32> -> vector<128x128xf32>
    %reshape3A_857 = vector.shape_cast %transpose3A_856 : vector<128x128xf32> to vector<2x8x8x128xf32>
    %swap3A_858 = arith.constant 114 : index
    %swap3A_859 = arith.constant 0 : index
    %swap3A_860 = arith.constant 0 : index
    %swap3A_861 = arith.constant 0 : index
    %swap3A_862 = arith.constant 0 : index
    %swap3A_863 = vector.load %arg3[%swap3A_858, %swap3A_859, %swap3A_860, %swap3A_861, %swap3A_862] : memref<200x8x1x8x128xf32, #tpu.memory_space<vmem>>, vector<2x8x1x8x128xf32>
    %swap3A_864 = vector.shape_cast %swap3A_863 : vector<2x8x1x8x128xf32> to vector<2x8x8x128xf32>
    %swap3A_865 = vector.shape_cast %reshape3A_857 : vector<2x8x8x128xf32> to vector<2x8x1x8x128xf32>
    tpu.vector_store %arg3[%swap3A_858, %swap3A_859, %swap3A_860, %swap3A_861, %swap3A_862], %swap3A_865 {strides = array<i32>} : memref<200x8x1x8x128xf32, #tpu.memory_space<vmem>>, vector<2x8x1x8x128xf32>,
    %get3A_866 = arith.constant 58 : index
    %get3A_867 = arith.constant 0 : index
    %get3A_868 = arith.constant 0 : index
    %get3A_869 = vector.load %arg2[%get3A_866, %get3A_867, %get3A_868] : memref<100x128x128xf32, #tpu.memory_space<vmem>>, vector<1x128x128xf32>
    %get3A_870 = vector.shape_cast %get3A_869 : vector<1x128x128xf32> to vector<128x128xf32>
    %transpose3A_871 = tpu.transpose %get3A_870, [1, 0] : vector<128x128xf32> -> vector<128x128xf32>
    %reshape3A_872 = vector.shape_cast %transpose3A_871 : vector<128x128xf32> to vector<2x8x8x128xf32>
    %swap3A_873 = arith.constant 116 : index
    %swap3A_874 = arith.constant 0 : index
    %swap3A_875 = arith.constant 0 : index
    %swap3A_876 = arith.constant 0 : index
    %swap3A_877 = arith.constant 0 : index
    %swap3A_878 = vector.load %arg3[%swap3A_873, %swap3A_874, %swap3A_875, %swap3A_876, %swap3A_877] : memref<200x8x1x8x128xf32, #tpu.memory_space<vmem>>, vector<2x8x1x8x128xf32>
    %swap3A_879 = vector.shape_cast %swap3A_878 : vector<2x8x1x8x128xf32> to vector<2x8x8x128xf32>
    %swap3A_880 = vector.shape_cast %reshape3A_872 : vector<2x8x8x128xf32> to vector<2x8x1x8x128xf32>
    tpu.vector_store %arg3[%swap3A_873, %swap3A_874, %swap3A_875, %swap3A_876, %swap3A_877], %swap3A_880 {strides = array<i32>} : memref<200x8x1x8x128xf32, #tpu.memory_space<vmem>>, vector<2x8x1x8x128xf32>,
    %get3A_881 = arith.constant 59 : index
    %get3A_882 = arith.constant 0 : index
    %get3A_883 = arith.constant 0 : index
    %get3A_884 = vector.load %arg2[%get3A_881, %get3A_882, %get3A_883] : memref<100x128x128xf32, #tpu.memory_space<vmem>>, vector<1x128x128xf32>
    %get3A_885 = vector.shape_cast %get3A_884 : vector<1x128x128xf32> to vector<128x128xf32>
    %transpose3A_886 = tpu.transpose %get3A_885, [1, 0] : vector<128x128xf32> -> vector<128x128xf32>
    %reshape3A_887 = vector.shape_cast %transpose3A_886 : vector<128x128xf32> to vector<2x8x8x128xf32>
    %swap3A_888 = arith.constant 118 : index
    %swap3A_889 = arith.constant 0 : index
    %swap3A_890 = arith.constant 0 : index
    %swap3A_891 = arith.constant 0 : index
    %swap3A_892 = arith.constant 0 : index
    %swap3A_893 = vector.load %arg3[%swap3A_888, %swap3A_889, %swap3A_890, %swap3A_891, %swap3A_892] : memref<200x8x1x8x128xf32, #tpu.memory_space<vmem>>, vector<2x8x1x8x128xf32>
    %swap3A_894 = vector.shape_cast %swap3A_893 : vector<2x8x1x8x128xf32> to vector<2x8x8x128xf32>
    %swap3A_895 = vector.shape_cast %reshape3A_887 : vector<2x8x8x128xf32> to vector<2x8x1x8x128xf32>
    tpu.vector_store %arg3[%swap3A_888, %swap3A_889, %swap3A_890, %swap3A_891, %swap3A_892], %swap3A_895 {strides = array<i32>} : memref<200x8x1x8x128xf32, #tpu.memory_space<vmem>>, vector<2x8x1x8x128xf32>,
    %get3A_896 = arith.constant 60 : index
    %get3A_897 = arith.constant 0 : index
    %get3A_898 = arith.constant 0 : index
    %get3A_899 = vector.load %arg2[%get3A_896, %get3A_897, %get3A_898] : memref<100x128x128xf32, #tpu.memory_space<vmem>>, vector<1x128x128xf32>
    %get3A_900 = vector.shape_cast %get3A_899 : vector<1x128x128xf32> to vector<128x128xf32>
    %transpose3A_901 = tpu.transpose %get3A_900, [1, 0] : vector<128x128xf32> -> vector<128x128xf32>
    %reshape3A_902 = vector.shape_cast %transpose3A_901 : vector<128x128xf32> to vector<2x8x8x128xf32>
    %swap3A_903 = arith.constant 120 : index
    %swap3A_904 = arith.constant 0 : index
    %swap3A_905 = arith.constant 0 : index
    %swap3A_906 = arith.constant 0 : index
    %swap3A_907 = arith.constant 0 : index
    %swap3A_908 = vector.load %arg3[%swap3A_903, %swap3A_904, %swap3A_905, %swap3A_906, %swap3A_907] : memref<200x8x1x8x128xf32, #tpu.memory_space<vmem>>, vector<2x8x1x8x128xf32>
    %swap3A_909 = vector.shape_cast %swap3A_908 : vector<2x8x1x8x128xf32> to vector<2x8x8x128xf32>
    %swap3A_910 = vector.shape_cast %reshape3A_902 : vector<2x8x8x128xf32> to vector<2x8x1x8x128xf32>
    tpu.vector_store %arg3[%swap3A_903, %swap3A_904, %swap3A_905, %swap3A_906, %swap3A_907], %swap3A_910 {strides = array<i32>} : memref<200x8x1x8x128xf32, #tpu.memory_space<vmem>>, vector<2x8x1x8x128xf32>,
    %get3A_911 = arith.constant 61 : index
    %get3A_912 = arith.constant 0 : index
    %get3A_913 = arith.constant 0 : index
    %get3A_914 = vector.load %arg2[%get3A_911, %get3A_912, %get3A_913] : memref<100x128x128xf32, #tpu.memory_space<vmem>>, vector<1x128x128xf32>
    %get3A_915 = vector.shape_cast %get3A_914 : vector<1x128x128xf32> to vector<128x128xf32>
    %transpose3A_916 = tpu.transpose %get3A_915, [1, 0] : vector<128x128xf32> -> vector<128x128xf32>
    %reshape3A_917 = vector.shape_cast %transpose3A_916 : vector<128x128xf32> to vector<2x8x8x128xf32>
    %swap3A_918 = arith.constant 122 : index
    %swap3A_919 = arith.constant 0 : index
    %swap3A_920 = arith.constant 0 : index
    %swap3A_921 = arith.constant 0 : index
    %swap3A_922 = arith.constant 0 : index
    %swap3A_923 = vector.load %arg3[%swap3A_918, %swap3A_919, %swap3A_920, %swap3A_921, %swap3A_922] : memref<200x8x1x8x128xf32, #tpu.memory_space<vmem>>, vector<2x8x1x8x128xf32>
    %swap3A_924 = vector.shape_cast %swap3A_923 : vector<2x8x1x8x128xf32> to vector<2x8x8x128xf32>
    %swap3A_925 = vector.shape_cast %reshape3A_917 : vector<2x8x8x128xf32> to vector<2x8x1x8x128xf32>
    tpu.vector_store %arg3[%swap3A_918, %swap3A_919, %swap3A_920, %swap3A_921, %swap3A_922], %swap3A_925 {strides = array<i32>} : memref<200x8x1x8x128xf32, #tpu.memory_space<vmem>>, vector<2x8x1x8x128xf32>,
    %get3A_926 = arith.constant 62 : index
    %get3A_927 = arith.constant 0 : index
    %get3A_928 = arith.constant 0 : index
    %get3A_929 = vector.load %arg2[%get3A_926, %get3A_927, %get3A_928] : memref<100x128x128xf32, #tpu.memory_space<vmem>>, vector<1x128x128xf32>
    %get3A_930 = vector.shape_cast %get3A_929 : vector<1x128x128xf32> to vector<128x128xf32>
    %transpose3A_931 = tpu.transpose %get3A_930, [1, 0] : vector<128x128xf32> -> vector<128x128xf32>
    %reshape3A_932 = vector.shape_cast %transpose3A_931 : vector<128x128xf32> to vector<2x8x8x128xf32>
    %swap3A_933 = arith.constant 124 : index
    %swap3A_934 = arith.constant 0 : index
    %swap3A_935 = arith.constant 0 : index
    %swap3A_936 = arith.constant 0 : index
    %swap3A_937 = arith.constant 0 : index
    %swap3A_938 = vector.load %arg3[%swap3A_933, %swap3A_934, %swap3A_935, %swap3A_936, %swap3A_937] : memref<200x8x1x8x128xf32, #tpu.memory_space<vmem>>, vector<2x8x1x8x128xf32>
    %swap3A_939 = vector.shape_cast %swap3A_938 : vector<2x8x1x8x128xf32> to vector<2x8x8x128xf32>
    %swap3A_940 = vector.shape_cast %reshape3A_932 : vector<2x8x8x128xf32> to vector<2x8x1x8x128xf32>
    tpu.vector_store %arg3[%swap3A_933, %swap3A_934, %swap3A_935, %swap3A_936, %swap3A_937], %swap3A_940 {strides = array<i32>} : memref<200x8x1x8x128xf32, #tpu.memory_space<vmem>>, vector<2x8x1x8x128xf32>,
    %get3A_941 = arith.constant 63 : index
    %get3A_942 = arith.constant 0 : index
    %get3A_943 = arith.constant 0 : index
    %get3A_944 = vector.load %arg2[%get3A_941, %get3A_942, %get3A_943] : memref<100x128x128xf32, #tpu.memory_space<vmem>>, vector<1x128x128xf32>
    %get3A_945 = vector.shape_cast %get3A_944 : vector<1x128x128xf32> to vector<128x128xf32>
    %transpose3A_946 = tpu.transpose %get3A_945, [1, 0] : vector<128x128xf32> -> vector<128x128xf32>
    %reshape3A_947 = vector.shape_cast %transpose3A_946 : vector<128x128xf32> to vector<2x8x8x128xf32>
    %swap3A_948 = arith.constant 126 : index
    %swap3A_949 = arith.constant 0 : index
    %swap3A_950 = arith.constant 0 : index
    %swap3A_951 = arith.constant 0 : index
    %swap3A_952 = arith.constant 0 : index
    %swap3A_953 = vector.load %arg3[%swap3A_948, %swap3A_949, %swap3A_950, %swap3A_951, %swap3A_952] : memref<200x8x1x8x128xf32, #tpu.memory_space<vmem>>, vector<2x8x1x8x128xf32>
    %swap3A_954 = vector.shape_cast %swap3A_953 : vector<2x8x1x8x128xf32> to vector<2x8x8x128xf32>
    %swap3A_955 = vector.shape_cast %reshape3A_947 : vector<2x8x8x128xf32> to vector<2x8x1x8x128xf32>
    tpu.vector_store %arg3[%swap3A_948, %swap3A_949, %swap3A_950, %swap3A_951, %swap3A_952], %swap3A_955 {strides = array<i32>} : memref<200x8x1x8x128xf32, #tpu.memory_space<vmem>>, vector<2x8x1x8x128xf32>,
    %get3A_956 = arith.constant 64 : index
    %get3A_957 = arith.constant 0 : index
    %get3A_958 = arith.constant 0 : index
    %get3A_959 = vector.load %arg2[%get3A_956, %get3A_957, %get3A_958] : memref<100x128x128xf32, #tpu.memory_space<vmem>>, vector<1x128x128xf32>
    %get3A_960 = vector.shape_cast %get3A_959 : vector<1x128x128xf32> to vector<128x128xf32>
    %transpose3A_961 = tpu.transpose %get3A_960, [1, 0] : vector<128x128xf32> -> vector<128x128xf32>
    %reshape3A_962 = vector.shape_cast %transpose3A_961 : vector<128x128xf32> to vector<2x8x8x128xf32>
    %swap3A_963 = arith.constant 128 : index
    %swap3A_964 = arith.constant 0 : index
    %swap3A_965 = arith.constant 0 : index
    %swap3A_966 = arith.constant 0 : index
    %swap3A_967 = arith.constant 0 : index
    %swap3A_968 = vector.load %arg3[%swap3A_963, %swap3A_964, %swap3A_965, %swap3A_966, %swap3A_967] : memref<200x8x1x8x128xf32, #tpu.memory_space<vmem>>, vector<2x8x1x8x128xf32>
    %swap3A_969 = vector.shape_cast %swap3A_968 : vector<2x8x1x8x128xf32> to vector<2x8x8x128xf32>
    %swap3A_970 = vector.shape_cast %reshape3A_962 : vector<2x8x8x128xf32> to vector<2x8x1x8x128xf32>
    tpu.vector_store %arg3[%swap3A_963, %swap3A_964, %swap3A_965, %swap3A_966, %swap3A_967], %swap3A_970 {strides = array<i32>} : memref<200x8x1x8x128xf32, #tpu.memory_space<vmem>>, vector<2x8x1x8x128xf32>,
    %get3A_971 = arith.constant 65 : index
    %get3A_972 = arith.constant 0 : index
    %get3A_973 = arith.constant 0 : index
    %get3A_974 = vector.load %arg2[%get3A_971, %get3A_972, %get3A_973] : memref<100x128x128xf32, #tpu.memory_space<vmem>>, vector<1x128x128xf32>
    %get3A_975 = vector.shape_cast %get3A_974 : vector<1x128x128xf32> to vector<128x128xf32>
    %transpose3A_976 = tpu.transpose %get3A_975, [1, 0] : vector<128x128xf32> -> vector<128x128xf32>
    %reshape3A_977 = vector.shape_cast %transpose3A_976 : vector<128x128xf32> to vector<2x8x8x128xf32>
    %swap3A_978 = arith.constant 130 : index
    %swap3A_979 = arith.constant 0 : index
    %swap3A_980 = arith.constant 0 : index
    %swap3A_981 = arith.constant 0 : index
    %swap3A_982 = arith.constant 0 : index
    %swap3A_983 = vector.load %arg3[%swap3A_978, %swap3A_979, %swap3A_980, %swap3A_981, %swap3A_982] : memref<200x8x1x8x128xf32, #tpu.memory_space<vmem>>, vector<2x8x1x8x128xf32>
    %swap3A_984 = vector.shape_cast %swap3A_983 : vector<2x8x1x8x128xf32> to vector<2x8x8x128xf32>
    %swap3A_985 = vector.shape_cast %reshape3A_977 : vector<2x8x8x128xf32> to vector<2x8x1x8x128xf32>
    tpu.vector_store %arg3[%swap3A_978, %swap3A_979, %swap3A_980, %swap3A_981, %swap3A_982], %swap3A_985 {strides = array<i32>} : memref<200x8x1x8x128xf32, #tpu.memory_space<vmem>>, vector<2x8x1x8x128xf32>,
    %get3A_986 = arith.constant 66 : index
    %get3A_987 = arith.constant 0 : index
    %get3A_988 = arith.constant 0 : index
    %get3A_989 = vector.load %arg2[%get3A_986, %get3A_987, %get3A_988] : memref<100x128x128xf32, #tpu.memory_space<vmem>>, vector<1x128x128xf32>
    %get3A_990 = vector.shape_cast %get3A_989 : vector<1x128x128xf32> to vector<128x128xf32>
    %transpose3A_991 = tpu.transpose %get3A_990, [1, 0] : vector<128x128xf32> -> vector<128x128xf32>
    %reshape3A_992 = vector.shape_cast %transpose3A_991 : vector<128x128xf32> to vector<2x8x8x128xf32>
    %swap3A_993 = arith.constant 132 : index
    %swap3A_994 = arith.constant 0 : index
    %swap3A_995 = arith.constant 0 : index
    %swap3A_996 = arith.constant 0 : index
    %swap3A_997 = arith.constant 0 : index
    %swap3A_998 = vector.load %arg3[%swap3A_993, %swap3A_994, %swap3A_995, %swap3A_996, %swap3A_997] : memref<200x8x1x8x128xf32, #tpu.memory_space<vmem>>, vector<2x8x1x8x128xf32>
    %swap3A_999 = vector.shape_cast %swap3A_998 : vector<2x8x1x8x128xf32> to vector<2x8x8x128xf32>
    %swap3A_1000 = vector.shape_cast %reshape3A_992 : vector<2x8x8x128xf32> to vector<2x8x1x8x128xf32>
    tpu.vector_store %arg3[%swap3A_993, %swap3A_994, %swap3A_995, %swap3A_996, %swap3A_997], %swap3A_1000 {strides = array<i32>} : memref<200x8x1x8x128xf32, #tpu.memory_space<vmem>>, vector<2x8x1x8x128xf32>,
    %get3A_1001 = arith.constant 67 : index
    %get3A_1002 = arith.constant 0 : index
    %get3A_1003 = arith.constant 0 : index
    %get3A_1004 = vector.load %arg2[%get3A_1001, %get3A_1002, %get3A_1003] : memref<100x128x128xf32, #tpu.memory_space<vmem>>, vector<1x128x128xf32>
    %get3A_1005 = vector.shape_cast %get3A_1004 : vector<1x128x128xf32> to vector<128x128xf32>
    %transpose3A_1006 = tpu.transpose %get3A_1005, [1, 0] : vector<128x128xf32> -> vector<128x128xf32>
    %reshape3A_1007 = vector.shape_cast %transpose3A_1006 : vector<128x128xf32> to vector<2x8x8x128xf32>
    %swap3A_1008 = arith.constant 134 : index
    %swap3A_1009 = arith.constant 0 : index
    %swap3A_1010 = arith.constant 0 : index
    %swap3A_1011 = arith.constant 0 : index
    %swap3A_1012 = arith.constant 0 : index
    %swap3A_1013 = vector.load %arg3[%swap3A_1008, %swap3A_1009, %swap3A_1010, %swap3A_1011, %swap3A_1012] : memref<200x8x1x8x128xf32, #tpu.memory_space<vmem>>, vector<2x8x1x8x128xf32>
    %swap3A_1014 = vector.shape_cast %swap3A_1013 : vector<2x8x1x8x128xf32> to vector<2x8x8x128xf32>
    %swap3A_1015 = vector.shape_cast %reshape3A_1007 : vector<2x8x8x128xf32> to vector<2x8x1x8x128xf32>
    tpu.vector_store %arg3[%swap3A_1008, %swap3A_1009, %swap3A_1010, %swap3A_1011, %swap3A_1012], %swap3A_1015 {strides = array<i32>} : memref<200x8x1x8x128xf32, #tpu.memory_space<vmem>>, vector<2x8x1x8x128xf32>,
    %get3A_1016 = arith.constant 68 : index
    %get3A_1017 = arith.constant 0 : index
    %get3A_1018 = arith.constant 0 : index
    %get3A_1019 = vector.load %arg2[%get3A_1016, %get3A_1017, %get3A_1018] : memref<100x128x128xf32, #tpu.memory_space<vmem>>, vector<1x128x128xf32>
    %get3A_1020 = vector.shape_cast %get3A_1019 : vector<1x128x128xf32> to vector<128x128xf32>
    %transpose3A_1021 = tpu.transpose %get3A_1020, [1, 0] : vector<128x128xf32> -> vector<128x128xf32>
    %reshape3A_1022 = vector.shape_cast %transpose3A_1021 : vector<128x128xf32> to vector<2x8x8x128xf32>
    %swap3A_1023 = arith.constant 136 : index
    %swap3A_1024 = arith.constant 0 : index
    %swap3A_1025 = arith.constant 0 : index
    %swap3A_1026 = arith.constant 0 : index
    %swap3A_1027 = arith.constant 0 : index
    %swap3A_1028 = vector.load %arg3[%swap3A_1023, %swap3A_1024, %swap3A_1025, %swap3A_1026, %swap3A_1027] : memref<200x8x1x8x128xf32, #tpu.memory_space<vmem>>, vector<2x8x1x8x128xf32>
    %swap3A_1029 = vector.shape_cast %swap3A_1028 : vector<2x8x1x8x128xf32> to vector<2x8x8x128xf32>
    %swap3A_1030 = vector.shape_cast %reshape3A_1022 : vector<2x8x8x128xf32> to vector<2x8x1x8x128xf32>
    tpu.vector_store %arg3[%swap3A_1023, %swap3A_1024, %swap3A_1025, %swap3A_1026, %swap3A_1027], %swap3A_1030 {strides = array<i32>} : memref<200x8x1x8x128xf32, #tpu.memory_space<vmem>>, vector<2x8x1x8x128xf32>,
    %get3A_1031 = arith.constant 69 : index
    %get3A_1032 = arith.constant 0 : index
    %get3A_1033 = arith.constant 0 : index
    %get3A_1034 = vector.load %arg2[%get3A_1031, %get3A_1032, %get3A_1033] : memref<100x128x128xf32, #tpu.memory_space<vmem>>, vector<1x128x128xf32>
    %get3A_1035 = vector.shape_cast %get3A_1034 : vector<1x128x128xf32> to vector<128x128xf32>
    %transpose3A_1036 = tpu.transpose %get3A_1035, [1, 0] : vector<128x128xf32> -> vector<128x128xf32>
    %reshape3A_1037 = vector.shape_cast %transpose3A_1036 : vector<128x128xf32> to vector<2x8x8x128xf32>
    %swap3A_1038 = arith.constant 138 : index
    %swap3A_1039 = arith.constant 0 : index
    %swap3A_1040 = arith.constant 0 : index
    %swap3A_1041 = arith.constant 0 : index
    %swap3A_1042 = arith.constant 0 : index
    %swap3A_1043 = vector.load %arg3[%swap3A_1038, %swap3A_1039, %swap3A_1040, %swap3A_1041, %swap3A_1042] : memref<200x8x1x8x128xf32, #tpu.memory_space<vmem>>, vector<2x8x1x8x128xf32>
    %swap3A_1044 = vector.shape_cast %swap3A_1043 : vector<2x8x1x8x128xf32> to vector<2x8x8x128xf32>
    %swap3A_1045 = vector.shape_cast %reshape3A_1037 : vector<2x8x8x128xf32> to vector<2x8x1x8x128xf32>
    tpu.vector_store %arg3[%swap3A_1038, %swap3A_1039, %swap3A_1040, %swap3A_1041, %swap3A_1042], %swap3A_1045 {strides = array<i32>} : memref<200x8x1x8x128xf32, #tpu.memory_space<vmem>>, vector<2x8x1x8x128xf32>,
    %get3A_1046 = arith.constant 70 : index
    %get3A_1047 = arith.constant 0 : index
    %get3A_1048 = arith.constant 0 : index
    %get3A_1049 = vector.load %arg2[%get3A_1046, %get3A_1047, %get3A_1048] : memref<100x128x128xf32, #tpu.memory_space<vmem>>, vector<1x128x128xf32>
    %get3A_1050 = vector.shape_cast %get3A_1049 : vector<1x128x128xf32> to vector<128x128xf32>
    %transpose3A_1051 = tpu.transpose %get3A_1050, [1, 0] : vector<128x128xf32> -> vector<128x128xf32>
    %reshape3A_1052 = vector.shape_cast %transpose3A_1051 : vector<128x128xf32> to vector<2x8x8x128xf32>
    %swap3A_1053 = arith.constant 140 : index
    %swap3A_1054 = arith.constant 0 : index
    %swap3A_1055 = arith.constant 0 : index
    %swap3A_1056 = arith.constant 0 : index
    %swap3A_1057 = arith.constant 0 : index
    %swap3A_1058 = vector.load %arg3[%swap3A_1053, %swap3A_1054, %swap3A_1055, %swap3A_1056, %swap3A_1057] : memref<200x8x1x8x128xf32, #tpu.memory_space<vmem>>, vector<2x8x1x8x128xf32>
    %swap3A_1059 = vector.shape_cast %swap3A_1058 : vector<2x8x1x8x128xf32> to vector<2x8x8x128xf32>
    %swap3A_1060 = vector.shape_cast %reshape3A_1052 : vector<2x8x8x128xf32> to vector<2x8x1x8x128xf32>
    tpu.vector_store %arg3[%swap3A_1053, %swap3A_1054, %swap3A_1055, %swap3A_1056, %swap3A_1057], %swap3A_1060 {strides = array<i32>} : memref<200x8x1x8x128xf32, #tpu.memory_space<vmem>>, vector<2x8x1x8x128xf32>,
    %get3A_1061 = arith.constant 71 : index
    %get3A_1062 = arith.constant 0 : index
    %get3A_1063 = arith.constant 0 : index
    %get3A_1064 = vector.load %arg2[%get3A_1061, %get3A_1062, %get3A_1063] : memref<100x128x128xf32, #tpu.memory_space<vmem>>, vector<1x128x128xf32>
    %get3A_1065 = vector.shape_cast %get3A_1064 : vector<1x128x128xf32> to vector<128x128xf32>
    %transpose3A_1066 = tpu.transpose %get3A_1065, [1, 0] : vector<128x128xf32> -> vector<128x128xf32>
    %reshape3A_1067 = vector.shape_cast %transpose3A_1066 : vector<128x128xf32> to vector<2x8x8x128xf32>
    %swap3A_1068 = arith.constant 142 : index
    %swap3A_1069 = arith.constant 0 : index
    %swap3A_1070 = arith.constant 0 : index
    %swap3A_1071 = arith.constant 0 : index
    %swap3A_1072 = arith.constant 0 : index
    %swap3A_1073 = vector.load %arg3[%swap3A_1068, %swap3A_1069, %swap3A_1070, %swap3A_1071, %swap3A_1072] : memref<200x8x1x8x128xf32, #tpu.memory_space<vmem>>, vector<2x8x1x8x128xf32>
    %swap3A_1074 = vector.shape_cast %swap3A_1073 : vector<2x8x1x8x128xf32> to vector<2x8x8x128xf32>
    %swap3A_1075 = vector.shape_cast %reshape3A_1067 : vector<2x8x8x128xf32> to vector<2x8x1x8x128xf32>
    tpu.vector_store %arg3[%swap3A_1068, %swap3A_1069, %swap3A_1070, %swap3A_1071, %swap3A_1072], %swap3A_1075 {strides = array<i32>} : memref<200x8x1x8x128xf32, #tpu.memory_space<vmem>>, vector<2x8x1x8x128xf32>,
    %get3A_1076 = arith.constant 72 : index
    %get3A_1077 = arith.constant 0 : index
    %get3A_1078 = arith.constant 0 : index
    %get3A_1079 = vector.load %arg2[%get3A_1076, %get3A_1077, %get3A_1078] : memref<100x128x128xf32, #tpu.memory_space<vmem>>, vector<1x128x128xf32>
    %get3A_1080 = vector.shape_cast %get3A_1079 : vector<1x128x128xf32> to vector<128x128xf32>
    %transpose3A_1081 = tpu.transpose %get3A_1080, [1, 0] : vector<128x128xf32> -> vector<128x128xf32>
    %reshape3A_1082 = vector.shape_cast %transpose3A_1081 : vector<128x128xf32> to vector<2x8x8x128xf32>
    %swap3A_1083 = arith.constant 144 : index
    %swap3A_1084 = arith.constant 0 : index
    %swap3A_1085 = arith.constant 0 : index
    %swap3A_1086 = arith.constant 0 : index
    %swap3A_1087 = arith.constant 0 : index
    %swap3A_1088 = vector.load %arg3[%swap3A_1083, %swap3A_1084, %swap3A_1085, %swap3A_1086, %swap3A_1087] : memref<200x8x1x8x128xf32, #tpu.memory_space<vmem>>, vector<2x8x1x8x128xf32>
    %swap3A_1089 = vector.shape_cast %swap3A_1088 : vector<2x8x1x8x128xf32> to vector<2x8x8x128xf32>
    %swap3A_1090 = vector.shape_cast %reshape3A_1082 : vector<2x8x8x128xf32> to vector<2x8x1x8x128xf32>
    tpu.vector_store %arg3[%swap3A_1083, %swap3A_1084, %swap3A_1085, %swap3A_1086, %swap3A_1087], %swap3A_1090 {strides = array<i32>} : memref<200x8x1x8x128xf32, #tpu.memory_space<vmem>>, vector<2x8x1x8x128xf32>,
    %get3A_1091 = arith.constant 73 : index
    %get3A_1092 = arith.constant 0 : index
    %get3A_1093 = arith.constant 0 : index
    %get3A_1094 = vector.load %arg2[%get3A_1091, %get3A_1092, %get3A_1093] : memref<100x128x128xf32, #tpu.memory_space<vmem>>, vector<1x128x128xf32>
    %get3A_1095 = vector.shape_cast %get3A_1094 : vector<1x128x128xf32> to vector<128x128xf32>
    %transpose3A_1096 = tpu.transpose %get3A_1095, [1, 0] : vector<128x128xf32> -> vector<128x128xf32>
    %reshape3A_1097 = vector.shape_cast %transpose3A_1096 : vector<128x128xf32> to vector<2x8x8x128xf32>
    %swap3A_1098 = arith.constant 146 : index
    %swap3A_1099 = arith.constant 0 : index
    %swap3A_1100 = arith.constant 0 : index
    %swap3A_1101 = arith.constant 0 : index
    %swap3A_1102 = arith.constant 0 : index
    %swap3A_1103 = vector.load %arg3[%swap3A_1098, %swap3A_1099, %swap3A_1100, %swap3A_1101, %swap3A_1102] : memref<200x8x1x8x128xf32, #tpu.memory_space<vmem>>, vector<2x8x1x8x128xf32>
    %swap3A_1104 = vector.shape_cast %swap3A_1103 : vector<2x8x1x8x128xf32> to vector<2x8x8x128xf32>
    %swap3A_1105 = vector.shape_cast %reshape3A_1097 : vector<2x8x8x128xf32> to vector<2x8x1x8x128xf32>
    tpu.vector_store %arg3[%swap3A_1098, %swap3A_1099, %swap3A_1100, %swap3A_1101, %swap3A_1102], %swap3A_1105 {strides = array<i32>} : memref<200x8x1x8x128xf32, #tpu.memory_space<vmem>>, vector<2x8x1x8x128xf32>,
    %get3A_1106 = arith.constant 74 : index
    %get3A_1107 = arith.constant 0 : index
    %get3A_1108 = arith.constant 0 : index
    %get3A_1109 = vector.load %arg2[%get3A_1106, %get3A_1107, %get3A_1108] : memref<100x128x128xf32, #tpu.memory_space<vmem>>, vector<1x128x128xf32>
    %get3A_1110 = vector.shape_cast %get3A_1109 : vector<1x128x128xf32> to vector<128x128xf32>
    %transpose3A_1111 = tpu.transpose %get3A_1110, [1, 0] : vector<128x128xf32> -> vector<128x128xf32>
    %reshape3A_1112 = vector.shape_cast %transpose3A_1111 : vector<128x128xf32> to vector<2x8x8x128xf32>
    %swap3A_1113 = arith.constant 148 : index
    %swap3A_1114 = arith.constant 0 : index
    %swap3A_1115 = arith.constant 0 : index
    %swap3A_1116 = arith.constant 0 : index
    %swap3A_1117 = arith.constant 0 : index
    %swap3A_1118 = vector.load %arg3[%swap3A_1113, %swap3A_1114, %swap3A_1115, %swap3A_1116, %swap3A_1117] : memref<200x8x1x8x128xf32, #tpu.memory_space<vmem>>, vector<2x8x1x8x128xf32>
    %swap3A_1119 = vector.shape_cast %swap3A_1118 : vector<2x8x1x8x128xf32> to vector<2x8x8x128xf32>
    %swap3A_1120 = vector.shape_cast %reshape3A_1112 : vector<2x8x8x128xf32> to vector<2x8x1x8x128xf32>
    tpu.vector_store %arg3[%swap3A_1113, %swap3A_1114, %swap3A_1115, %swap3A_1116, %swap3A_1117], %swap3A_1120 {strides = array<i32>} : memref<200x8x1x8x128xf32, #tpu.memory_space<vmem>>, vector<2x8x1x8x128xf32>,
    %get3A_1121 = arith.constant 75 : index
    %get3A_1122 = arith.constant 0 : index
    %get3A_1123 = arith.constant 0 : index
    %get3A_1124 = vector.load %arg2[%get3A_1121, %get3A_1122, %get3A_1123] : memref<100x128x128xf32, #tpu.memory_space<vmem>>, vector<1x128x128xf32>
    %get3A_1125 = vector.shape_cast %get3A_1124 : vector<1x128x128xf32> to vector<128x128xf32>
    %transpose3A_1126 = tpu.transpose %get3A_1125, [1, 0] : vector<128x128xf32> -> vector<128x128xf32>
    %reshape3A_1127 = vector.shape_cast %transpose3A_1126 : vector<128x128xf32> to vector<2x8x8x128xf32>
    %swap3A_1128 = arith.constant 150 : index
    %swap3A_1129 = arith.constant 0 : index
    %swap3A_1130 = arith.constant 0 : index
    %swap3A_1131 = arith.constant 0 : index
    %swap3A_1132 = arith.constant 0 : index
    %swap3A_1133 = vector.load %arg3[%swap3A_1128, %swap3A_1129, %swap3A_1130, %swap3A_1131, %swap3A_1132] : memref<200x8x1x8x128xf32, #tpu.memory_space<vmem>>, vector<2x8x1x8x128xf32>
    %swap3A_1134 = vector.shape_cast %swap3A_1133 : vector<2x8x1x8x128xf32> to vector<2x8x8x128xf32>
    %swap3A_1135 = vector.shape_cast %reshape3A_1127 : vector<2x8x8x128xf32> to vector<2x8x1x8x128xf32>
    tpu.vector_store %arg3[%swap3A_1128, %swap3A_1129, %swap3A_1130, %swap3A_1131, %swap3A_1132], %swap3A_1135 {strides = array<i32>} : memref<200x8x1x8x128xf32, #tpu.memory_space<vmem>>, vector<2x8x1x8x128xf32>,
    %get3A_1136 = arith.constant 76 : index
    %get3A_1137 = arith.constant 0 : index
    %get3A_1138 = arith.constant 0 : index
    %get3A_1139 = vector.load %arg2[%get3A_1136, %get3A_1137, %get3A_1138] : memref<100x128x128xf32, #tpu.memory_space<vmem>>, vector<1x128x128xf32>
    %get3A_1140 = vector.shape_cast %get3A_1139 : vector<1x128x128xf32> to vector<128x128xf32>
    %transpose3A_1141 = tpu.transpose %get3A_1140, [1, 0] : vector<128x128xf32> -> vector<128x128xf32>
    %reshape3A_1142 = vector.shape_cast %transpose3A_1141 : vector<128x128xf32> to vector<2x8x8x128xf32>
    %swap3A_1143 = arith.constant 152 : index
    %swap3A_1144 = arith.constant 0 : index
    %swap3A_1145 = arith.constant 0 : index
    %swap3A_1146 = arith.constant 0 : index
    %swap3A_1147 = arith.constant 0 : index
    %swap3A_1148 = vector.load %arg3[%swap3A_1143, %swap3A_1144, %swap3A_1145, %swap3A_1146, %swap3A_1147] : memref<200x8x1x8x128xf32, #tpu.memory_space<vmem>>, vector<2x8x1x8x128xf32>
    %swap3A_1149 = vector.shape_cast %swap3A_1148 : vector<2x8x1x8x128xf32> to vector<2x8x8x128xf32>
    %swap3A_1150 = vector.shape_cast %reshape3A_1142 : vector<2x8x8x128xf32> to vector<2x8x1x8x128xf32>
    tpu.vector_store %arg3[%swap3A_1143, %swap3A_1144, %swap3A_1145, %swap3A_1146, %swap3A_1147], %swap3A_1150 {strides = array<i32>} : memref<200x8x1x8x128xf32, #tpu.memory_space<vmem>>, vector<2x8x1x8x128xf32>,
    %get3A_1151 = arith.constant 77 : index
    %get3A_1152 = arith.constant 0 : index
    %get3A_1153 = arith.constant 0 : index
    %get3A_1154 = vector.load %arg2[%get3A_1151, %get3A_1152, %get3A_1153] : memref<100x128x128xf32, #tpu.memory_space<vmem>>, vector<1x128x128xf32>
    %get3A_1155 = vector.shape_cast %get3A_1154 : vector<1x128x128xf32> to vector<128x128xf32>
    %transpose3A_1156 = tpu.transpose %get3A_1155, [1, 0] : vector<128x128xf32> -> vector<128x128xf32>
    %reshape3A_1157 = vector.shape_cast %transpose3A_1156 : vector<128x128xf32> to vector<2x8x8x128xf32>
    %swap3A_1158 = arith.constant 154 : index
    %swap3A_1159 = arith.constant 0 : index
    %swap3A_1160 = arith.constant 0 : index
    %swap3A_1161 = arith.constant 0 : index
    %swap3A_1162 = arith.constant 0 : index
    %swap3A_1163 = vector.load %arg3[%swap3A_1158, %swap3A_1159, %swap3A_1160, %swap3A_1161, %swap3A_1162] : memref<200x8x1x8x128xf32, #tpu.memory_space<vmem>>, vector<2x8x1x8x128xf32>
    %swap3A_1164 = vector.shape_cast %swap3A_1163 : vector<2x8x1x8x128xf32> to vector<2x8x8x128xf32>
    %swap3A_1165 = vector.shape_cast %reshape3A_1157 : vector<2x8x8x128xf32> to vector<2x8x1x8x128xf32>
    tpu.vector_store %arg3[%swap3A_1158, %swap3A_1159, %swap3A_1160, %swap3A_1161, %swap3A_1162], %swap3A_1165 {strides = array<i32>} : memref<200x8x1x8x128xf32, #tpu.memory_space<vmem>>, vector<2x8x1x8x128xf32>,
    %get3A_1166 = arith.constant 78 : index
    %get3A_1167 = arith.constant 0 : index
    %get3A_1168 = arith.constant 0 : index
    %get3A_1169 = vector.load %arg2[%get3A_1166, %get3A_1167, %get3A_1168] : memref<100x128x128xf32, #tpu.memory_space<vmem>>, vector<1x128x128xf32>
    %get3A_1170 = vector.shape_cast %get3A_1169 : vector<1x128x128xf32> to vector<128x128xf32>
    %transpose3A_1171 = tpu.transpose %get3A_1170, [1, 0] : vector<128x128xf32> -> vector<128x128xf32>
    %reshape3A_1172 = vector.shape_cast %transpose3A_1171 : vector<128x128xf32> to vector<2x8x8x128xf32>
    %swap3A_1173 = arith.constant 156 : index
    %swap3A_1174 = arith.constant 0 : index
    %swap3A_1175 = arith.constant 0 : index
    %swap3A_1176 = arith.constant 0 : index
    %swap3A_1177 = arith.constant 0 : index
    %swap3A_1178 = vector.load %arg3[%swap3A_1173, %swap3A_1174, %swap3A_1175, %swap3A_1176, %swap3A_1177] : memref<200x8x1x8x128xf32, #tpu.memory_space<vmem>>, vector<2x8x1x8x128xf32>
    %swap3A_1179 = vector.shape_cast %swap3A_1178 : vector<2x8x1x8x128xf32> to vector<2x8x8x128xf32>
    %swap3A_1180 = vector.shape_cast %reshape3A_1172 : vector<2x8x8x128xf32> to vector<2x8x1x8x128xf32>
    tpu.vector_store %arg3[%swap3A_1173, %swap3A_1174, %swap3A_1175, %swap3A_1176, %swap3A_1177], %swap3A_1180 {strides = array<i32>} : memref<200x8x1x8x128xf32, #tpu.memory_space<vmem>>, vector<2x8x1x8x128xf32>,
    %get3A_1181 = arith.constant 79 : index
    %get3A_1182 = arith.constant 0 : index
    %get3A_1183 = arith.constant 0 : index
    %get3A_1184 = vector.load %arg2[%get3A_1181, %get3A_1182, %get3A_1183] : memref<100x128x128xf32, #tpu.memory_space<vmem>>, vector<1x128x128xf32>
    %get3A_1185 = vector.shape_cast %get3A_1184 : vector<1x128x128xf32> to vector<128x128xf32>
    %transpose3A_1186 = tpu.transpose %get3A_1185, [1, 0] : vector<128x128xf32> -> vector<128x128xf32>
    %reshape3A_1187 = vector.shape_cast %transpose3A_1186 : vector<128x128xf32> to vector<2x8x8x128xf32>
    %swap3A_1188 = arith.constant 158 : index
    %swap3A_1189 = arith.constant 0 : index
    %swap3A_1190 = arith.constant 0 : index
    %swap3A_1191 = arith.constant 0 : index
    %swap3A_1192 = arith.constant 0 : index
    %swap3A_1193 = vector.load %arg3[%swap3A_1188, %swap3A_1189, %swap3A_1190, %swap3A_1191, %swap3A_1192] : memref<200x8x1x8x128xf32, #tpu.memory_space<vmem>>, vector<2x8x1x8x128xf32>
    %swap3A_1194 = vector.shape_cast %swap3A_1193 : vector<2x8x1x8x128xf32> to vector<2x8x8x128xf32>
    %swap3A_1195 = vector.shape_cast %reshape3A_1187 : vector<2x8x8x128xf32> to vector<2x8x1x8x128xf32>
    tpu.vector_store %arg3[%swap3A_1188, %swap3A_1189, %swap3A_1190, %swap3A_1191, %swap3A_1192], %swap3A_1195 {strides = array<i32>} : memref<200x8x1x8x128xf32, #tpu.memory_space<vmem>>, vector<2x8x1x8x128xf32>,
    %get3A_1196 = arith.constant 80 : index
    %get3A_1197 = arith.constant 0 : index
    %get3A_1198 = arith.constant 0 : index
    %get3A_1199 = vector.load %arg2[%get3A_1196, %get3A_1197, %get3A_1198] : memref<100x128x128xf32, #tpu.memory_space<vmem>>, vector<1x128x128xf32>
    %get3A_1200 = vector.shape_cast %get3A_1199 : vector<1x128x128xf32> to vector<128x128xf32>
    %transpose3A_1201 = tpu.transpose %get3A_1200, [1, 0] : vector<128x128xf32> -> vector<128x128xf32>
    %reshape3A_1202 = vector.shape_cast %transpose3A_1201 : vector<128x128xf32> to vector<2x8x8x128xf32>
    %swap3A_1203 = arith.constant 160 : index
    %swap3A_1204 = arith.constant 0 : index
    %swap3A_1205 = arith.constant 0 : index
    %swap3A_1206 = arith.constant 0 : index
    %swap3A_1207 = arith.constant 0 : index
    %swap3A_1208 = vector.load %arg3[%swap3A_1203, %swap3A_1204, %swap3A_1205, %swap3A_1206, %swap3A_1207] : memref<200x8x1x8x128xf32, #tpu.memory_space<vmem>>, vector<2x8x1x8x128xf32>
    %swap3A_1209 = vector.shape_cast %swap3A_1208 : vector<2x8x1x8x128xf32> to vector<2x8x8x128xf32>
    %swap3A_1210 = vector.shape_cast %reshape3A_1202 : vector<2x8x8x128xf32> to vector<2x8x1x8x128xf32>
    tpu.vector_store %arg3[%swap3A_1203, %swap3A_1204, %swap3A_1205, %swap3A_1206, %swap3A_1207], %swap3A_1210 {strides = array<i32>} : memref<200x8x1x8x128xf32, #tpu.memory_space<vmem>>, vector<2x8x1x8x128xf32>,
    %get3A_1211 = arith.constant 81 : index
    %get3A_1212 = arith.constant 0 : index
    %get3A_1213 = arith.constant 0 : index
    %get3A_1214 = vector.load %arg2[%get3A_1211, %get3A_1212, %get3A_1213] : memref<100x128x128xf32, #tpu.memory_space<vmem>>, vector<1x128x128xf32>
    %get3A_1215 = vector.shape_cast %get3A_1214 : vector<1x128x128xf32> to vector<128x128xf32>
    %transpose3A_1216 = tpu.transpose %get3A_1215, [1, 0] : vector<128x128xf32> -> vector<128x128xf32>
    %reshape3A_1217 = vector.shape_cast %transpose3A_1216 : vector<128x128xf32> to vector<2x8x8x128xf32>
    %swap3A_1218 = arith.constant 162 : index
    %swap3A_1219 = arith.constant 0 : index
    %swap3A_1220 = arith.constant 0 : index
    %swap3A_1221 = arith.constant 0 : index
    %swap3A_1222 = arith.constant 0 : index
    %swap3A_1223 = vector.load %arg3[%swap3A_1218, %swap3A_1219, %swap3A_1220, %swap3A_1221, %swap3A_1222] : memref<200x8x1x8x128xf32, #tpu.memory_space<vmem>>, vector<2x8x1x8x128xf32>
    %swap3A_1224 = vector.shape_cast %swap3A_1223 : vector<2x8x1x8x128xf32> to vector<2x8x8x128xf32>
    %swap3A_1225 = vector.shape_cast %reshape3A_1217 : vector<2x8x8x128xf32> to vector<2x8x1x8x128xf32>
    tpu.vector_store %arg3[%swap3A_1218, %swap3A_1219, %swap3A_1220, %swap3A_1221, %swap3A_1222], %swap3A_1225 {strides = array<i32>} : memref<200x8x1x8x128xf32, #tpu.memory_space<vmem>>, vector<2x8x1x8x128xf32>,
    %get3A_1226 = arith.constant 82 : index
    %get3A_1227 = arith.constant 0 : index
    %get3A_1228 = arith.constant 0 : index
    %get3A_1229 = vector.load %arg2[%get3A_1226, %get3A_1227, %get3A_1228] : memref<100x128x128xf32, #tpu.memory_space<vmem>>, vector<1x128x128xf32>
    %get3A_1230 = vector.shape_cast %get3A_1229 : vector<1x128x128xf32> to vector<128x128xf32>
    %transpose3A_1231 = tpu.transpose %get3A_1230, [1, 0] : vector<128x128xf32> -> vector<128x128xf32>
    %reshape3A_1232 = vector.shape_cast %transpose3A_1231 : vector<128x128xf32> to vector<2x8x8x128xf32>
    %swap3A_1233 = arith.constant 164 : index
    %swap3A_1234 = arith.constant 0 : index
    %swap3A_1235 = arith.constant 0 : index
    %swap3A_1236 = arith.constant 0 : index
    %swap3A_1237 = arith.constant 0 : index
    %swap3A_1238 = vector.load %arg3[%swap3A_1233, %swap3A_1234, %swap3A_1235, %swap3A_1236, %swap3A_1237] : memref<200x8x1x8x128xf32, #tpu.memory_space<vmem>>, vector<2x8x1x8x128xf32>
    %swap3A_1239 = vector.shape_cast %swap3A_1238 : vector<2x8x1x8x128xf32> to vector<2x8x8x128xf32>
    %swap3A_1240 = vector.shape_cast %reshape3A_1232 : vector<2x8x8x128xf32> to vector<2x8x1x8x128xf32>
    tpu.vector_store %arg3[%swap3A_1233, %swap3A_1234, %swap3A_1235, %swap3A_1236, %swap3A_1237], %swap3A_1240 {strides = array<i32>} : memref<200x8x1x8x128xf32, #tpu.memory_space<vmem>>, vector<2x8x1x8x128xf32>,
    %get3A_1241 = arith.constant 83 : index
    %get3A_1242 = arith.constant 0 : index
    %get3A_1243 = arith.constant 0 : index
    %get3A_1244 = vector.load %arg2[%get3A_1241, %get3A_1242, %get3A_1243] : memref<100x128x128xf32, #tpu.memory_space<vmem>>, vector<1x128x128xf32>
    %get3A_1245 = vector.shape_cast %get3A_1244 : vector<1x128x128xf32> to vector<128x128xf32>
    %transpose3A_1246 = tpu.transpose %get3A_1245, [1, 0] : vector<128x128xf32> -> vector<128x128xf32>
    %reshape3A_1247 = vector.shape_cast %transpose3A_1246 : vector<128x128xf32> to vector<2x8x8x128xf32>
    %swap3A_1248 = arith.constant 166 : index
    %swap3A_1249 = arith.constant 0 : index
    %swap3A_1250 = arith.constant 0 : index
    %swap3A_1251 = arith.constant 0 : index
    %swap3A_1252 = arith.constant 0 : index
    %swap3A_1253 = vector.load %arg3[%swap3A_1248, %swap3A_1249, %swap3A_1250, %swap3A_1251, %swap3A_1252] : memref<200x8x1x8x128xf32, #tpu.memory_space<vmem>>, vector<2x8x1x8x128xf32>
    %swap3A_1254 = vector.shape_cast %swap3A_1253 : vector<2x8x1x8x128xf32> to vector<2x8x8x128xf32>
    %swap3A_1255 = vector.shape_cast %reshape3A_1247 : vector<2x8x8x128xf32> to vector<2x8x1x8x128xf32>
    tpu.vector_store %arg3[%swap3A_1248, %swap3A_1249, %swap3A_1250, %swap3A_1251, %swap3A_1252], %swap3A_1255 {strides = array<i32>} : memref<200x8x1x8x128xf32, #tpu.memory_space<vmem>>, vector<2x8x1x8x128xf32>,
    %get3A_1256 = arith.constant 84 : index
    %get3A_1257 = arith.constant 0 : index
    %get3A_1258 = arith.constant 0 : index
    %get3A_1259 = vector.load %arg2[%get3A_1256, %get3A_1257, %get3A_1258] : memref<100x128x128xf32, #tpu.memory_space<vmem>>, vector<1x128x128xf32>
    %get3A_1260 = vector.shape_cast %get3A_1259 : vector<1x128x128xf32> to vector<128x128xf32>
    %transpose3A_1261 = tpu.transpose %get3A_1260, [1, 0] : vector<128x128xf32> -> vector<128x128xf32>
    %reshape3A_1262 = vector.shape_cast %transpose3A_1261 : vector<128x128xf32> to vector<2x8x8x128xf32>
    %swap3A_1263 = arith.constant 168 : index
    %swap3A_1264 = arith.constant 0 : index
    %swap3A_1265 = arith.constant 0 : index
    %swap3A_1266 = arith.constant 0 : index
    %swap3A_1267 = arith.constant 0 : index
    %swap3A_1268 = vector.load %arg3[%swap3A_1263, %swap3A_1264, %swap3A_1265, %swap3A_1266, %swap3A_1267] : memref<200x8x1x8x128xf32, #tpu.memory_space<vmem>>, vector<2x8x1x8x128xf32>
    %swap3A_1269 = vector.shape_cast %swap3A_1268 : vector<2x8x1x8x128xf32> to vector<2x8x8x128xf32>
    %swap3A_1270 = vector.shape_cast %reshape3A_1262 : vector<2x8x8x128xf32> to vector<2x8x1x8x128xf32>
    tpu.vector_store %arg3[%swap3A_1263, %swap3A_1264, %swap3A_1265, %swap3A_1266, %swap3A_1267], %swap3A_1270 {strides = array<i32>} : memref<200x8x1x8x128xf32, #tpu.memory_space<vmem>>, vector<2x8x1x8x128xf32>,
    %get3A_1271 = arith.constant 85 : index
    %get3A_1272 = arith.constant 0 : index
    %get3A_1273 = arith.constant 0 : index
    %get3A_1274 = vector.load %arg2[%get3A_1271, %get3A_1272, %get3A_1273] : memref<100x128x128xf32, #tpu.memory_space<vmem>>, vector<1x128x128xf32>
    %get3A_1275 = vector.shape_cast %get3A_1274 : vector<1x128x128xf32> to vector<128x128xf32>
    %transpose3A_1276 = tpu.transpose %get3A_1275, [1, 0] : vector<128x128xf32> -> vector<128x128xf32>
    %reshape3A_1277 = vector.shape_cast %transpose3A_1276 : vector<128x128xf32> to vector<2x8x8x128xf32>
    %swap3A_1278 = arith.constant 170 : index
    %swap3A_1279 = arith.constant 0 : index
    %swap3A_1280 = arith.constant 0 : index
    %swap3A_1281 = arith.constant 0 : index
    %swap3A_1282 = arith.constant 0 : index
    %swap3A_1283 = vector.load %arg3[%swap3A_1278, %swap3A_1279, %swap3A_1280, %swap3A_1281, %swap3A_1282] : memref<200x8x1x8x128xf32, #tpu.memory_space<vmem>>, vector<2x8x1x8x128xf32>
    %swap3A_1284 = vector.shape_cast %swap3A_1283 : vector<2x8x1x8x128xf32> to vector<2x8x8x128xf32>
    %swap3A_1285 = vector.shape_cast %reshape3A_1277 : vector<2x8x8x128xf32> to vector<2x8x1x8x128xf32>
    tpu.vector_store %arg3[%swap3A_1278, %swap3A_1279, %swap3A_1280, %swap3A_1281, %swap3A_1282], %swap3A_1285 {strides = array<i32>} : memref<200x8x1x8x128xf32, #tpu.memory_space<vmem>>, vector<2x8x1x8x128xf32>,
    %get3A_1286 = arith.constant 86 : index
    %get3A_1287 = arith.constant 0 : index
    %get3A_1288 = arith.constant 0 : index
    %get3A_1289 = vector.load %arg2[%get3A_1286, %get3A_1287, %get3A_1288] : memref<100x128x128xf32, #tpu.memory_space<vmem>>, vector<1x128x128xf32>
    %get3A_1290 = vector.shape_cast %get3A_1289 : vector<1x128x128xf32> to vector<128x128xf32>
    %transpose3A_1291 = tpu.transpose %get3A_1290, [1, 0] : vector<128x128xf32> -> vector<128x128xf32>
    %reshape3A_1292 = vector.shape_cast %transpose3A_1291 : vector<128x128xf32> to vector<2x8x8x128xf32>
    %swap3A_1293 = arith.constant 172 : index
    %swap3A_1294 = arith.constant 0 : index
    %swap3A_1295 = arith.constant 0 : index
    %swap3A_1296 = arith.constant 0 : index
    %swap3A_1297 = arith.constant 0 : index
    %swap3A_1298 = vector.load %arg3[%swap3A_1293, %swap3A_1294, %swap3A_1295, %swap3A_1296, %swap3A_1297] : memref<200x8x1x8x128xf32, #tpu.memory_space<vmem>>, vector<2x8x1x8x128xf32>
    %swap3A_1299 = vector.shape_cast %swap3A_1298 : vector<2x8x1x8x128xf32> to vector<2x8x8x128xf32>
    %swap3A_1300 = vector.shape_cast %reshape3A_1292 : vector<2x8x8x128xf32> to vector<2x8x1x8x128xf32>
    tpu.vector_store %arg3[%swap3A_1293, %swap3A_1294, %swap3A_1295, %swap3A_1296, %swap3A_1297], %swap3A_1300 {strides = array<i32>} : memref<200x8x1x8x128xf32, #tpu.memory_space<vmem>>, vector<2x8x1x8x128xf32>,
    %get3A_1301 = arith.constant 87 : index
    %get3A_1302 = arith.constant 0 : index
    %get3A_1303 = arith.constant 0 : index
    %get3A_1304 = vector.load %arg2[%get3A_1301, %get3A_1302, %get3A_1303] : memref<100x128x128xf32, #tpu.memory_space<vmem>>, vector<1x128x128xf32>
    %get3A_1305 = vector.shape_cast %get3A_1304 : vector<1x128x128xf32> to vector<128x128xf32>
    %transpose3A_1306 = tpu.transpose %get3A_1305, [1, 0] : vector<128x128xf32> -> vector<128x128xf32>
    %reshape3A_1307 = vector.shape_cast %transpose3A_1306 : vector<128x128xf32> to vector<2x8x8x128xf32>
    %swap3A_1308 = arith.constant 174 : index
    %swap3A_1309 = arith.constant 0 : index
    %swap3A_1310 = arith.constant 0 : index
    %swap3A_1311 = arith.constant 0 : index
    %swap3A_1312 = arith.constant 0 : index
    %swap3A_1313 = vector.load %arg3[%swap3A_1308, %swap3A_1309, %swap3A_1310, %swap3A_1311, %swap3A_1312] : memref<200x8x1x8x128xf32, #tpu.memory_space<vmem>>, vector<2x8x1x8x128xf32>
    %swap3A_1314 = vector.shape_cast %swap3A_1313 : vector<2x8x1x8x128xf32> to vector<2x8x8x128xf32>
    %swap3A_1315 = vector.shape_cast %reshape3A_1307 : vector<2x8x8x128xf32> to vector<2x8x1x8x128xf32>
    tpu.vector_store %arg3[%swap3A_1308, %swap3A_1309, %swap3A_1310, %swap3A_1311, %swap3A_1312], %swap3A_1315 {strides = array<i32>} : memref<200x8x1x8x128xf32, #tpu.memory_space<vmem>>, vector<2x8x1x8x128xf32>,
    %get3A_1316 = arith.constant 88 : index
    %get3A_1317 = arith.constant 0 : index
    %get3A_1318 = arith.constant 0 : index
    %get3A_1319 = vector.load %arg2[%get3A_1316, %get3A_1317, %get3A_1318] : memref<100x128x128xf32, #tpu.memory_space<vmem>>, vector<1x128x128xf32>
    %get3A_1320 = vector.shape_cast %get3A_1319 : vector<1x128x128xf32> to vector<128x128xf32>
    %transpose3A_1321 = tpu.transpose %get3A_1320, [1, 0] : vector<128x128xf32> -> vector<128x128xf32>
    %reshape3A_1322 = vector.shape_cast %transpose3A_1321 : vector<128x128xf32> to vector<2x8x8x128xf32>
    %swap3A_1323 = arith.constant 176 : index
    %swap3A_1324 = arith.constant 0 : index
    %swap3A_1325 = arith.constant 0 : index
    %swap3A_1326 = arith.constant 0 : index
    %swap3A_1327 = arith.constant 0 : index
    %swap3A_1328 = vector.load %arg3[%swap3A_1323, %swap3A_1324, %swap3A_1325, %swap3A_1326, %swap3A_1327] : memref<200x8x1x8x128xf32, #tpu.memory_space<vmem>>, vector<2x8x1x8x128xf32>
    %swap3A_1329 = vector.shape_cast %swap3A_1328 : vector<2x8x1x8x128xf32> to vector<2x8x8x128xf32>
    %swap3A_1330 = vector.shape_cast %reshape3A_1322 : vector<2x8x8x128xf32> to vector<2x8x1x8x128xf32>
    tpu.vector_store %arg3[%swap3A_1323, %swap3A_1324, %swap3A_1325, %swap3A_1326, %swap3A_1327], %swap3A_1330 {strides = array<i32>} : memref<200x8x1x8x128xf32, #tpu.memory_space<vmem>>, vector<2x8x1x8x128xf32>,
    %get3A_1331 = arith.constant 89 : index
    %get3A_1332 = arith.constant 0 : index
    %get3A_1333 = arith.constant 0 : index
    %get3A_1334 = vector.load %arg2[%get3A_1331, %get3A_1332, %get3A_1333] : memref<100x128x128xf32, #tpu.memory_space<vmem>>, vector<1x128x128xf32>
    %get3A_1335 = vector.shape_cast %get3A_1334 : vector<1x128x128xf32> to vector<128x128xf32>
    %transpose3A_1336 = tpu.transpose %get3A_1335, [1, 0] : vector<128x128xf32> -> vector<128x128xf32>
    %reshape3A_1337 = vector.shape_cast %transpose3A_1336 : vector<128x128xf32> to vector<2x8x8x128xf32>
    %swap3A_1338 = arith.constant 178 : index
    %swap3A_1339 = arith.constant 0 : index
    %swap3A_1340 = arith.constant 0 : index
    %swap3A_1341 = arith.constant 0 : index
    %swap3A_1342 = arith.constant 0 : index
    %swap3A_1343 = vector.load %arg3[%swap3A_1338, %swap3A_1339, %swap3A_1340, %swap3A_1341, %swap3A_1342] : memref<200x8x1x8x128xf32, #tpu.memory_space<vmem>>, vector<2x8x1x8x128xf32>
    %swap3A_1344 = vector.shape_cast %swap3A_1343 : vector<2x8x1x8x128xf32> to vector<2x8x8x128xf32>
    %swap3A_1345 = vector.shape_cast %reshape3A_1337 : vector<2x8x8x128xf32> to vector<2x8x1x8x128xf32>
    tpu.vector_store %arg3[%swap3A_1338, %swap3A_1339, %swap3A_1340, %swap3A_1341, %swap3A_1342], %swap3A_1345 {strides = array<i32>} : memref<200x8x1x8x128xf32, #tpu.memory_space<vmem>>, vector<2x8x1x8x128xf32>,
    %get3A_1346 = arith.constant 90 : index
    %get3A_1347 = arith.constant 0 : index
    %get3A_1348 = arith.constant 0 : index
    %get3A_1349 = vector.load %arg2[%get3A_1346, %get3A_1347, %get3A_1348] : memref<100x128x128xf32, #tpu.memory_space<vmem>>, vector<1x128x128xf32>
    %get3A_1350 = vector.shape_cast %get3A_1349 : vector<1x128x128xf32> to vector<128x128xf32>
    %transpose3A_1351 = tpu.transpose %get3A_1350, [1, 0] : vector<128x128xf32> -> vector<128x128xf32>
    %reshape3A_1352 = vector.shape_cast %transpose3A_1351 : vector<128x128xf32> to vector<2x8x8x128xf32>
    %swap3A_1353 = arith.constant 180 : index
    %swap3A_1354 = arith.constant 0 : index
    %swap3A_1355 = arith.constant 0 : index
    %swap3A_1356 = arith.constant 0 : index
    %swap3A_1357 = arith.constant 0 : index
    %swap3A_1358 = vector.load %arg3[%swap3A_1353, %swap3A_1354, %swap3A_1355, %swap3A_1356, %swap3A_1357] : memref<200x8x1x8x128xf32, #tpu.memory_space<vmem>>, vector<2x8x1x8x128xf32>
    %swap3A_1359 = vector.shape_cast %swap3A_1358 : vector<2x8x1x8x128xf32> to vector<2x8x8x128xf32>
    %swap3A_1360 = vector.shape_cast %reshape3A_1352 : vector<2x8x8x128xf32> to vector<2x8x1x8x128xf32>
    tpu.vector_store %arg3[%swap3A_1353, %swap3A_1354, %swap3A_1355, %swap3A_1356, %swap3A_1357], %swap3A_1360 {strides = array<i32>} : memref<200x8x1x8x128xf32, #tpu.memory_space<vmem>>, vector<2x8x1x8x128xf32>,
    %get3A_1361 = arith.constant 91 : index
    %get3A_1362 = arith.constant 0 : index
    %get3A_1363 = arith.constant 0 : index
    %get3A_1364 = vector.load %arg2[%get3A_1361, %get3A_1362, %get3A_1363] : memref<100x128x128xf32, #tpu.memory_space<vmem>>, vector<1x128x128xf32>
    %get3A_1365 = vector.shape_cast %get3A_1364 : vector<1x128x128xf32> to vector<128x128xf32>
    %transpose3A_1366 = tpu.transpose %get3A_1365, [1, 0] : vector<128x128xf32> -> vector<128x128xf32>
    %reshape3A_1367 = vector.shape_cast %transpose3A_1366 : vector<128x128xf32> to vector<2x8x8x128xf32>
    %swap3A_1368 = arith.constant 182 : index
    %swap3A_1369 = arith.constant 0 : index
    %swap3A_1370 = arith.constant 0 : index
    %swap3A_1371 = arith.constant 0 : index
    %swap3A_1372 = arith.constant 0 : index
    %swap3A_1373 = vector.load %arg3[%swap3A_1368, %swap3A_1369, %swap3A_1370, %swap3A_1371, %swap3A_1372] : memref<200x8x1x8x128xf32, #tpu.memory_space<vmem>>, vector<2x8x1x8x128xf32>
    %swap3A_1374 = vector.shape_cast %swap3A_1373 : vector<2x8x1x8x128xf32> to vector<2x8x8x128xf32>
    %swap3A_1375 = vector.shape_cast %reshape3A_1367 : vector<2x8x8x128xf32> to vector<2x8x1x8x128xf32>
    tpu.vector_store %arg3[%swap3A_1368, %swap3A_1369, %swap3A_1370, %swap3A_1371, %swap3A_1372], %swap3A_1375 {strides = array<i32>} : memref<200x8x1x8x128xf32, #tpu.memory_space<vmem>>, vector<2x8x1x8x128xf32>,
    %get3A_1376 = arith.constant 92 : index
    %get3A_1377 = arith.constant 0 : index
    %get3A_1378 = arith.constant 0 : index
    %get3A_1379 = vector.load %arg2[%get3A_1376, %get3A_1377, %get3A_1378] : memref<100x128x128xf32, #tpu.memory_space<vmem>>, vector<1x128x128xf32>
    %get3A_1380 = vector.shape_cast %get3A_1379 : vector<1x128x128xf32> to vector<128x128xf32>
    %transpose3A_1381 = tpu.transpose %get3A_1380, [1, 0] : vector<128x128xf32> -> vector<128x128xf32>
    %reshape3A_1382 = vector.shape_cast %transpose3A_1381 : vector<128x128xf32> to vector<2x8x8x128xf32>
    %swap3A_1383 = arith.constant 184 : index
    %swap3A_1384 = arith.constant 0 : index
    %swap3A_1385 = arith.constant 0 : index
    %swap3A_1386 = arith.constant 0 : index
    %swap3A_1387 = arith.constant 0 : index
    %swap3A_1388 = vector.load %arg3[%swap3A_1383, %swap3A_1384, %swap3A_1385, %swap3A_1386, %swap3A_1387] : memref<200x8x1x8x128xf32, #tpu.memory_space<vmem>>, vector<2x8x1x8x128xf32>
    %swap3A_1389 = vector.shape_cast %swap3A_1388 : vector<2x8x1x8x128xf32> to vector<2x8x8x128xf32>
    %swap3A_1390 = vector.shape_cast %reshape3A_1382 : vector<2x8x8x128xf32> to vector<2x8x1x8x128xf32>
    tpu.vector_store %arg3[%swap3A_1383, %swap3A_1384, %swap3A_1385, %swap3A_1386, %swap3A_1387], %swap3A_1390 {strides = array<i32>} : memref<200x8x1x8x128xf32, #tpu.memory_space<vmem>>, vector<2x8x1x8x128xf32>,
    %get3A_1391 = arith.constant 93 : index
    %get3A_1392 = arith.constant 0 : index
    %get3A_1393 = arith.constant 0 : index
    %get3A_1394 = vector.load %arg2[%get3A_1391, %get3A_1392, %get3A_1393] : memref<100x128x128xf32, #tpu.memory_space<vmem>>, vector<1x128x128xf32>
    %get3A_1395 = vector.shape_cast %get3A_1394 : vector<1x128x128xf32> to vector<128x128xf32>
    %transpose3A_1396 = tpu.transpose %get3A_1395, [1, 0] : vector<128x128xf32> -> vector<128x128xf32>
    %reshape3A_1397 = vector.shape_cast %transpose3A_1396 : vector<128x128xf32> to vector<2x8x8x128xf32>
    %swap3A_1398 = arith.constant 186 : index
    %swap3A_1399 = arith.constant 0 : index
    %swap3A_1400 = arith.constant 0 : index
    %swap3A_1401 = arith.constant 0 : index
    %swap3A_1402 = arith.constant 0 : index
    %swap3A_1403 = vector.load %arg3[%swap3A_1398, %swap3A_1399, %swap3A_1400, %swap3A_1401, %swap3A_1402] : memref<200x8x1x8x128xf32, #tpu.memory_space<vmem>>, vector<2x8x1x8x128xf32>
    %swap3A_1404 = vector.shape_cast %swap3A_1403 : vector<2x8x1x8x128xf32> to vector<2x8x8x128xf32>
    %swap3A_1405 = vector.shape_cast %reshape3A_1397 : vector<2x8x8x128xf32> to vector<2x8x1x8x128xf32>
    tpu.vector_store %arg3[%swap3A_1398, %swap3A_1399, %swap3A_1400, %swap3A_1401, %swap3A_1402], %swap3A_1405 {strides = array<i32>} : memref<200x8x1x8x128xf32, #tpu.memory_space<vmem>>, vector<2x8x1x8x128xf32>,
    %get3A_1406 = arith.constant 94 : index
    %get3A_1407 = arith.constant 0 : index
    %get3A_1408 = arith.constant 0 : index
    %get3A_1409 = vector.load %arg2[%get3A_1406, %get3A_1407, %get3A_1408] : memref<100x128x128xf32, #tpu.memory_space<vmem>>, vector<1x128x128xf32>
    %get3A_1410 = vector.shape_cast %get3A_1409 : vector<1x128x128xf32> to vector<128x128xf32>
    %transpose3A_1411 = tpu.transpose %get3A_1410, [1, 0] : vector<128x128xf32> -> vector<128x128xf32>
    %reshape3A_1412 = vector.shape_cast %transpose3A_1411 : vector<128x128xf32> to vector<2x8x8x128xf32>
    %swap3A_1413 = arith.constant 188 : index
    %swap3A_1414 = arith.constant 0 : index
    %swap3A_1415 = arith.constant 0 : index
    %swap3A_1416 = arith.constant 0 : index
    %swap3A_1417 = arith.constant 0 : index
    %swap3A_1418 = vector.load %arg3[%swap3A_1413, %swap3A_1414, %swap3A_1415, %swap3A_1416, %swap3A_1417] : memref<200x8x1x8x128xf32, #tpu.memory_space<vmem>>, vector<2x8x1x8x128xf32>
    %swap3A_1419 = vector.shape_cast %swap3A_1418 : vector<2x8x1x8x128xf32> to vector<2x8x8x128xf32>
    %swap3A_1420 = vector.shape_cast %reshape3A_1412 : vector<2x8x8x128xf32> to vector<2x8x1x8x128xf32>
    tpu.vector_store %arg3[%swap3A_1413, %swap3A_1414, %swap3A_1415, %swap3A_1416, %swap3A_1417], %swap3A_1420 {strides = array<i32>} : memref<200x8x1x8x128xf32, #tpu.memory_space<vmem>>, vector<2x8x1x8x128xf32>,
    %get3A_1421 = arith.constant 95 : index
    %get3A_1422 = arith.constant 0 : index
    %get3A_1423 = arith.constant 0 : index
    %get3A_1424 = vector.load %arg2[%get3A_1421, %get3A_1422, %get3A_1423] : memref<100x128x128xf32, #tpu.memory_space<vmem>>, vector<1x128x128xf32>
    %get3A_1425 = vector.shape_cast %get3A_1424 : vector<1x128x128xf32> to vector<128x128xf32>
    %transpose3A_1426 = tpu.transpose %get3A_1425, [1, 0] : vector<128x128xf32> -> vector<128x128xf32>
    %reshape3A_1427 = vector.shape_cast %transpose3A_1426 : vector<128x128xf32> to vector<2x8x8x128xf32>
    %swap3A_1428 = arith.constant 190 : index
    %swap3A_1429 = arith.constant 0 : index
    %swap3A_1430 = arith.constant 0 : index
    %swap3A_1431 = arith.constant 0 : index
    %swap3A_1432 = arith.constant 0 : index
    %swap3A_1433 = vector.load %arg3[%swap3A_1428, %swap3A_1429, %swap3A_1430, %swap3A_1431, %swap3A_1432] : memref<200x8x1x8x128xf32, #tpu.memory_space<vmem>>, vector<2x8x1x8x128xf32>
    %swap3A_1434 = vector.shape_cast %swap3A_1433 : vector<2x8x1x8x128xf32> to vector<2x8x8x128xf32>
    %swap3A_1435 = vector.shape_cast %reshape3A_1427 : vector<2x8x8x128xf32> to vector<2x8x1x8x128xf32>
    tpu.vector_store %arg3[%swap3A_1428, %swap3A_1429, %swap3A_1430, %swap3A_1431, %swap3A_1432], %swap3A_1435 {strides = array<i32>} : memref<200x8x1x8x128xf32, #tpu.memory_space<vmem>>, vector<2x8x1x8x128xf32>,
    %get3A_1436 = arith.constant 96 : index
    %get3A_1437 = arith.constant 0 : index
    %get3A_1438 = arith.constant 0 : index
    %get3A_1439 = vector.load %arg2[%get3A_1436, %get3A_1437, %get3A_1438] : memref<100x128x128xf32, #tpu.memory_space<vmem>>, vector<1x128x128xf32>
    %get3A_1440 = vector.shape_cast %get3A_1439 : vector<1x128x128xf32> to vector<128x128xf32>
    %transpose3A_1441 = tpu.transpose %get3A_1440, [1, 0] : vector<128x128xf32> -> vector<128x128xf32>
    %reshape3A_1442 = vector.shape_cast %transpose3A_1441 : vector<128x128xf32> to vector<2x8x8x128xf32>
    %swap3A_1443 = arith.constant 192 : index
    %swap3A_1444 = arith.constant 0 : index
    %swap3A_1445 = arith.constant 0 : index
    %swap3A_1446 = arith.constant 0 : index
    %swap3A_1447 = arith.constant 0 : index
    %swap3A_1448 = vector.load %arg3[%swap3A_1443, %swap3A_1444, %swap3A_1445, %swap3A_1446, %swap3A_1447] : memref<200x8x1x8x128xf32, #tpu.memory_space<vmem>>, vector<2x8x1x8x128xf32>
    %swap3A_1449 = vector.shape_cast %swap3A_1448 : vector<2x8x1x8x128xf32> to vector<2x8x8x128xf32>
    %swap3A_1450 = vector.shape_cast %reshape3A_1442 : vector<2x8x8x128xf32> to vector<2x8x1x8x128xf32>
    tpu.vector_store %arg3[%swap3A_1443, %swap3A_1444, %swap3A_1445, %swap3A_1446, %swap3A_1447], %swap3A_1450 {strides = array<i32>} : memref<200x8x1x8x128xf32, #tpu.memory_space<vmem>>, vector<2x8x1x8x128xf32>,
    %get3A_1451 = arith.constant 97 : index
    %get3A_1452 = arith.constant 0 : index
    %get3A_1453 = arith.constant 0 : index
    %get3A_1454 = vector.load %arg2[%get3A_1451, %get3A_1452, %get3A_1453] : memref<100x128x128xf32, #tpu.memory_space<vmem>>, vector<1x128x128xf32>
    %get3A_1455 = vector.shape_cast %get3A_1454 : vector<1x128x128xf32> to vector<128x128xf32>
    %transpose3A_1456 = tpu.transpose %get3A_1455, [1, 0] : vector<128x128xf32> -> vector<128x128xf32>
    %reshape3A_1457 = vector.shape_cast %transpose3A_1456 : vector<128x128xf32> to vector<2x8x8x128xf32>
    %swap3A_1458 = arith.constant 194 : index
    %swap3A_1459 = arith.constant 0 : index
    %swap3A_1460 = arith.constant 0 : index
    %swap3A_1461 = arith.constant 0 : index
    %swap3A_1462 = arith.constant 0 : index
    %swap3A_1463 = vector.load %arg3[%swap3A_1458, %swap3A_1459, %swap3A_1460, %swap3A_1461, %swap3A_1462] : memref<200x8x1x8x128xf32, #tpu.memory_space<vmem>>, vector<2x8x1x8x128xf32>
    %swap3A_1464 = vector.shape_cast %swap3A_1463 : vector<2x8x1x8x128xf32> to vector<2x8x8x128xf32>
    %swap3A_1465 = vector.shape_cast %reshape3A_1457 : vector<2x8x8x128xf32> to vector<2x8x1x8x128xf32>
    tpu.vector_store %arg3[%swap3A_1458, %swap3A_1459, %swap3A_1460, %swap3A_1461, %swap3A_1462], %swap3A_1465 {strides = array<i32>} : memref<200x8x1x8x128xf32, #tpu.memory_space<vmem>>, vector<2x8x1x8x128xf32>,
    %get3A_1466 = arith.constant 98 : index
    %get3A_1467 = arith.constant 0 : index
    %get3A_1468 = arith.constant 0 : index
    %get3A_1469 = vector.load %arg2[%get3A_1466, %get3A_1467, %get3A_1468] : memref<100x128x128xf32, #tpu.memory_space<vmem>>, vector<1x128x128xf32>
    %get3A_1470 = vector.shape_cast %get3A_1469 : vector<1x128x128xf32> to vector<128x128xf32>
    %transpose3A_1471 = tpu.transpose %get3A_1470, [1, 0] : vector<128x128xf32> -> vector<128x128xf32>
    %reshape3A_1472 = vector.shape_cast %transpose3A_1471 : vector<128x128xf32> to vector<2x8x8x128xf32>
    %swap3A_1473 = arith.constant 196 : index
    %swap3A_1474 = arith.constant 0 : index
    %swap3A_1475 = arith.constant 0 : index
    %swap3A_1476 = arith.constant 0 : index
    %swap3A_1477 = arith.constant 0 : index
    %swap3A_1478 = vector.load %arg3[%swap3A_1473, %swap3A_1474, %swap3A_1475, %swap3A_1476, %swap3A_1477] : memref<200x8x1x8x128xf32, #tpu.memory_space<vmem>>, vector<2x8x1x8x128xf32>
    %swap3A_1479 = vector.shape_cast %swap3A_1478 : vector<2x8x1x8x128xf32> to vector<2x8x8x128xf32>
    %swap3A_1480 = vector.shape_cast %reshape3A_1472 : vector<2x8x8x128xf32> to vector<2x8x1x8x128xf32>
    tpu.vector_store %arg3[%swap3A_1473, %swap3A_1474, %swap3A_1475, %swap3A_1476, %swap3A_1477], %swap3A_1480 {strides = array<i32>} : memref<200x8x1x8x128xf32, #tpu.memory_space<vmem>>, vector<2x8x1x8x128xf32>,
    %get3A_1481 = arith.constant 99 : index
    %get3A_1482 = arith.constant 0 : index
    %get3A_1483 = arith.constant 0 : index
    %get3A_1484 = vector.load %arg2[%get3A_1481, %get3A_1482, %get3A_1483] : memref<100x128x128xf32, #tpu.memory_space<vmem>>, vector<1x128x128xf32>
    %get3A_1485 = vector.shape_cast %get3A_1484 : vector<1x128x128xf32> to vector<128x128xf32>
    %transpose3A_1486 = tpu.transpose %get3A_1485, [1, 0] : vector<128x128xf32> -> vector<128x128xf32>
    %reshape3A_1487 = vector.shape_cast %transpose3A_1486 : vector<128x128xf32> to vector<2x8x8x128xf32>
    %swap3A_1488 = arith.constant 198 : index
    %swap3A_1489 = arith.constant 0 : index
    %swap3A_1490 = arith.constant 0 : index
    %swap3A_1491 = arith.constant 0 : index
    %swap3A_1492 = arith.constant 0 : index
    %swap3A_1493 = vector.load %arg3[%swap3A_1488, %swap3A_1489, %swap3A_1490, %swap3A_1491, %swap3A_1492] : memref<200x8x1x8x128xf32, #tpu.memory_space<vmem>>, vector<2x8x1x8x128xf32>
    %swap3A_1494 = vector.shape_cast %swap3A_1493 : vector<2x8x1x8x128xf32> to vector<2x8x8x128xf32>
    %swap3A_1495 = vector.shape_cast %reshape3A_1487 : vector<2x8x8x128xf32> to vector<2x8x1x8x128xf32>
    tpu.vector_store %arg3[%swap3A_1488, %swap3A_1489, %swap3A_1490, %swap3A_1491, %swap3A_1492], %swap3A_1495 {strides = array<i32>} : memref<200x8x1x8x128xf32, #tpu.memory_space<vmem>>, vector<2x8x1x8x128xf32>,
    return
  }
  func.func @transform_0(%arg0: i32, %arg1: i32) -> (i32, i32, i32) {
    %c0_i32 = arith.constant 0 : i32
    %c0_i32_0 = arith.constant 0 : i32
    return %arg0, %arg1, %c0_i32 : i32, i32, i32
  }
  func.func @transform_1(%arg0: i32, %arg1: i32) -> (i32, i32, i32, i32, i32) {
    %c0_i32 = arith.constant 0 : i32
    %c0_i32_0 = arith.constant 0 : i32
    %c0_i32_1 = arith.constant 0 : i32
    %c0_i32_2 = arith.constant 0 : i32
    return %arg0, %c0_i32, %arg1, %c0_i32_0, %c0_i32_1 : i32, i32, i32, i32, i32
  }
}

</mosaic_0001>

<sc_bundles>
// kernel: kernel.4.cloned.1.call-start
scs
__scs_entry_jumppad:
0x0: {  	(pc) =	sbr.rel $0x88, $3  }
0x1: {  	(tag) =	ssettag $0x0;
	lr =	simm.s32 $0x1  }
0x2: {  	[smem:$0x3F9F] =	sst lr;
	_ =	strace $0xD0000000  }
0x3: {  	_ = 	snop  }
0x4: {  	_ = 	snop  }
0x5: {  	_ = 	snop  }
0x6: {  	_ = 	snop  }
0x7: {  	_ = 	snop  }
__scs_overlays_trampoline_lowered:
0x8: {  	[smem:$0x3FAE] =	sst s0  }
0x9: {  	[smem:$0x3FAF] =	sst s1  }
0xa: {  	[smem:$0x3FB0] =	sst s2  }
0xb: {  	[smem:$0x3FB1] =	sst s3  }
0xc: {  	[smem:$0x3FB2] =	sst s4  }
0xd: {  	[smem:$0x3FB3] =	sst s5  }
0xe: {  	[smem:$0x3FB4] =	sst s6  }
0xf: {  	[smem:$0x3FB5] =	sst s7  }
0x10: {  	[smem:$0x3FB6] =	sst s8  }
0x11: {  	[smem:$0x3FB7] =	sst s9;
	s0 =	simm.s32 @!p0 $0x0  }
0x12: {  	s1 =	sld [smem:$0x3F9D];
	s0 =	simm.s32 @p0 $0x1  }
0x13: {  	[smem:$0x3FB8] =	sst s0;
	s0 =	simm.s32 @!p1 $0x0  }
0x14: {  	s2 =	sld [smem:$0x3F9C];
	s0 =	simm.s32 @p1 $0x1  }
0x15: {  	[smem:$0x3FB9] =	sst s0;
	s0 =	simm.s32 @!p2 $0x0  }
0x16: {  	s3 =	sld [smem:$0x3FDB];
	s0 =	simm.s32 @p2 $0x1  }
0x17: {  	s4 =	simm.s32 $0x1BF5;
	[smem:$0x3FBB] =	sst s0  }
0x18: {  	s0 =	sld [smem:$0x3F9E];
	_ =	swait.ge [sflag:s4], $0x0  }
0x19: {  	s7 =	sld [smem:$0x3F9F]  }
0x1a: {  	s8 =	sadd.s32 $0xFFFFE003, lr  }
0x1b: {  	s9 =	sadd.s32 $0xFFFFFEF7, lr;
	s5 =	simm.s32 $0xFFFFFFFF;
	p2 =	slt.u32 s8, $0xFFFFF086  }
0x1c: {  	p1 =	slt.u32 s9, $0xF7A;
	s5 =	simm.s32 @!p2 $0x0  }
0x1d: {  	s5 =	simm.s32 @p1 $0x1;
	p0 =	seq.s32 s7, s2  }
0x1e: {  	s7 =	smul.u32 @!p0 $0xF7A, s2;
	p2 =	seq.s32 @!p0 s5, $0x0  }
0x1f: {  	s9 =	smul.u32 $0xF7A, s1;
	s8 =	simm.s32 @!p0 $0x1BF5;
	p2 =	por !p2, p0  }
0x20: {  	[sflag:s8] =	ssyncset.s32 @!p0 $0xFFFFF086;
	s6 =	sadd.s32 @!p0 s3, s7;
	s7 =	simm.s32 @!p0 $0x108  }
0x21: {  	s3 =	sadd.s32 s3, s9;
	s6 =	sadd.s32 @!p0 $0x88, s6;
	s7 =	simm.s32 @p2 $0x1082  }
0x22: {  	[simem:s7], [sflag:s8] =	dma.local @!p0 [hbm:s6], $0xF7A  }
0x23: {  	s9 =	sor.u32 $0xD0000000, s2;
	s6 =	simm.s32 $0x108;
	_ =	swait.ge @!p0 [sflag:s8], $0x0  }
0x24: {  	s3 =	sadd.s32 $0x88, s3;
	s6 =	simm.s32 @!p1 $0x1082;
	[sflag:s4] =	ssyncset.s32 $0xFFFFF086  }
0x25: {  	[simem:s6], [sflag:s4] =	dma.local [hbm:s3], $0xF7A  }
0x26: {  	[smem:$0x3F9F] =	sst s1;
	(tag) =	ssettag s2;
	_ =	strace s9  }
0x27: {  	s1 =	sld [smem:$0x3FAF]  }
0x28: {  	s2 =	sld [smem:$0x3FB0]  }
0x29: {  	s4 =	sld [smem:$0x3FB2]  }
0x2a: {  	p0 =	seq.s32 s5, $0x0;
	s5 =	sld [smem:$0x3FB3]  }
0x2b: {  	s6 =	sld [smem:$0x3FB4]  }
0x2c: {  	s7 =	sld [smem:$0x3FB5]  }
0x2d: {  	s3 =	simm.s32 $0x108;
	s8 =	sld [smem:$0x3FB6]  }
0x2e: {  	s3 =	simm.s32 @!p0 $0x1082;
	s9 =	sld [smem:$0x3FB7]  }
0x2f: {  	lr =	sadd.s32 s0, s3;
	s0 =	sld [smem:$0x3FAE]  }
0x30: {  	s3 =	sld [smem:$0x3FB1]  }
0x31: {  	[smem:$0x3FBA] =	sst s10  }
0x32: {  	s10 =	sld [smem:$0x3FB8];
	_ =	sdelay $0x3  }
0x33: {  	p0 =	seq.s32 s10, $0x1;
	s10 =	sld [smem:$0x3FBA];
	_ =	sdelay $0x3  }
0x34: {  	[smem:$0x3FBA] =	sst s10  }
0x35: {  	s10 =	sld [smem:$0x3FB9];
	_ =	sdelay $0x3  }
0x36: {  	p1 =	seq.s32 s10, $0x1;
	s10 =	sld [smem:$0x3FBA];
	_ =	sdelay $0x3  }
0x37: {  	[smem:$0x3FBA] =	sst s10  }
0x38: {  	s10 =	sld [smem:$0x3FBB]  }
0x39: {  	_ = 	snop;
	(pc) =	sbr.ind lr, $3  }
0x3a: {  	_ = 	snop  }
0x3b: {  	_ = 	snop  }
0x3c: {  	p2 =	seq.s32 s10, $0x1;
	s10 =	sld [smem:$0x3FBA]  }
0x3d: {  	_ =	shalt  }
0x3e: {  	_ =	shalt  }
0x3f: {  	_ =	shalt  }
0x40: {  	_ =	shalt  }
0x41: {  	_ =	shalt  }
0x42: {  	_ =	shalt  }
0x43: {  	_ =	shalt  }
0x44: {  	_ =	shalt  }
0x45: {  	_ =	shalt  }
0x46: {  	_ =	shalt  }
0x47: {  	_ =	shalt  }
0x48: {  	_ =	shalt  }
0x49: {  	_ =	shalt  }
0x4a: {  	_ =	shalt  }
0x4b: {  	_ =	shalt  }
0x4c: {  	_ =	shalt  }
0x4d: {  	_ =	shalt  }
0x4e: {  	_ =	shalt  }
0x4f: {  	_ =	shalt  }
0x50: {  	_ =	shalt  }
0x51: {  	_ =	shalt  }
0x52: {  	_ =	shalt  }
0x53: {  	_ =	shalt  }
0x54: {  	_ =	shalt  }
0x55: {  	_ =	shalt  }
0x56: {  	_ =	shalt  }
0x57: {  	_ =	shalt  }
0x58: {  	_ =	shalt  }
0x59: {  	_ =	shalt  }
0x5a: {  	_ =	shalt  }
0x5b: {  	_ =	shalt  }
0x5c: {  	_ =	shalt  }
0x5d: {  	_ =	shalt  }
0x5e: {  	_ =	shalt  }
0x5f: {  	_ =	shalt  }
0x60: {  	_ =	shalt  }
0x61: {  	_ =	shalt  }
0x62: {  	_ =	shalt  }
0x63: {  	_ =	shalt  }
0x64: {  	_ =	shalt  }
0x65: {  	_ =	shalt  }
0x66: {  	_ =	shalt  }
0x67: {  	_ =	shalt  }
0x68: {  	_ =	shalt  }
0x69: {  	_ =	shalt  }
0x6a: {  	_ =	shalt  }
0x6b: {  	_ =	shalt  }
0x6c: {  	_ =	shalt  }
0x6d: {  	_ =	shalt  }
0x6e: {  	_ =	shalt  }
0x6f: {  	_ =	shalt  }
0x70: {  	_ =	shalt  }
0x71: {  	_ =	shalt  }
0x72: {  	_ =	shalt  }
0x73: {  	_ =	shalt  }
0x74: {  	_ =	shalt  }
0x75: {  	_ =	shalt  }
0x76: {  	_ =	shalt  }
0x77: {  	_ =	shalt  }
0x78: {  	_ =	shalt  }
0x79: {  	_ =	shalt  }
0x7a: {  	_ =	shalt  }
0x7b: {  	_ =	shalt  }
0x7c: {  	_ =	shalt  }
0x7d: {  	_ =	shalt  }
0x7e: {  	_ =	shalt  }
0x7f: {  	_ =	shalt  }
0x80: {  	_ =	shalt  }
0x81: {  	_ =	shalt  }
0x82: {  	_ =	shalt  }
0x83: {  	_ =	shalt  }
0x84: {  	_ =	shalt  }
0x85: {  	_ =	shalt  }
0x86: {  	_ =	shalt  }
0x87: {  	_ =	shalt  }
.Lfunc_end0:
.L_simem_size_0:
called_computation_lowered:
.L_overlay_start_0:
0x88: {  	s2 =	sld [smem:$0x3FD9]  }
0x89: {  	s3 =	sld [smem:$0x3FFE];
	_ =	sdelay $0x1  }
0x8a: {  	s1 =	srdreg.scid  }
0x8b: {  	s0 =	sand.u32 $0x1, s1  }
0x8c: {  	s16 =	sshll.u32 s0, $0xA;
	s2 =	sadd.s32 s3, s2  }
0x8d: {  	s2 =	sadd.s32 s2, s16  }
0x8e: {  	[smem:$0x3FC6] =	sst s2  }
0x8f: {  	_ = 	snop  }
0x90: {  	(tm) =	ssettm $0x1  }
0x91: {  	s17 =	sld [smem:$0x3FFB];
	_ =	sdelay $0x3  }
0x92: {  	_ =	strace s17  }
0x93: {  	s2 =	sld [smem:$0x3FFC];
	_ =	sdelay $0x3  }
0x94: {  	_ =	strace s2  }
0x95: {  	s2 =	sld [smem:$0x3FFD];
	_ =	sdelay $0x3  }
0x96: {  	_ =	strace s2  }
0x97: {  	_ =	strace $0x8FFFFFFF  }
0x98: {  	s18 =	sld [smem:$0x3FDB];
	_ =	sdelay $0x1  }
0x99: {  	s19 =	simm.s32 $_scs_section_size  }
0x9a: {  	s4 =	simm.s32 $_size__tile_overlayer_lowered;
	s5 =	simm.s32 $_tile_overlayer_lowered  }
0x9b: {  	s22 =	simm.s32 $0x1BFF;
	s21 =	sshll.u32 s5, $0x1;
	s2 =	sadd.s32 s19, s18  }
0x9c: {  	s6 =	simm.s32 $0x0;
	s20 =	sshll.u32 s4, $0x1;
	s4 =	sadd.s32 s21, s2  }
0x9d: {  	[timem:s6], [sflag:s22] =	dma.local [hbm:s4], s20  }
0x9e: {  	_ =	swait.ge [sflag:s22], s20  }
0x9f: {  	s3 =	ssub.s32 $0x0, s20;
	[sflag:s22] =	ssyncset.done $0x0  }
0xa0: {  	[sflag:s22] =	ssyncadd.s32 s3;
	_ =	sdelay $0x1  }
0xa1: {  	s23 =	simm.s32 $0x1B8B  }
0xa2: {  	_ =	swait.ge [sflag:s23], $0x1  }
0xa3: {  	[sflag:s23] =	ssyncset.done $0x0  }
0xa4: {  	s25 =	simm.s32 $0x1B8E;
	s24 =	sld [smem:$0x3FFE];
	[sflag:s23] =	ssyncadd.s32 $0xFFFFFFFF  }
0xa5: {  	s26 =	simm.s32 $execute0_lowered;
	[smem:$0x3FD2] =	sst s25  }
0xa6: {  	s4 =	sshll.u32 s26, $0x1;
	_ =	strace $0x80000046;
	[dreg:$0x1] =	wrdreg $0xFFFFFFFF  }
0xa7: {  	s28 =	simm.s32 $_size_execute0_lowered;
	s2 =	sadd.s32 s2, s4;
	[dreg:$0x0] =	wrdreg $0x0  }
0xa8: {  	s4 =	sshll.u32 s28, $0x1;
	[dreg:$0x2] =	wrdreg s2  }
0xa9: {  	[dreg:$0x3] =	wrdreg s4  }
0xaa: {  	[dreg:$0x4] =	wrdreg $0xC0  }
0xab: {  	_ =	task [dreg:s6], $0x5FFFF  }
0xac: {  	[dreg:$0x1] =	wrdreg $0xFFFFFFFF  }
0xad: {  	[dreg:$0x0] =	wrdreg $0x60  }
0xae: {  	[dreg:$0x2] =	wrdreg s24  }
0xaf: {  	[dreg:$0x3] =	wrdreg $0x9  }
0xb0: {  	_ =	task.clear_ibuf [dreg:s6], $0x4FFFF;
	_ =	strace $0x90000046  }
0xb1: {  	s29 =	simm.s32 $0x9;
	_ =	strace $0x80000048  }
0xb2: {  	_ =	swait.ge [sflag:s29], $0x1  }
0xb3: {  	[sflag:s29] =	ssyncadd.s32 $0xFFFFFFFF  }
0xb4: {  	_ =	strace $0x90000048  }
0xb5: {  	_ =	sfence  }
0xb6: {  	s30 =	sld [smem:$0x0];
	_ =	sdelay $0x2  }
0xb7: {  	s31 =	sshll.u32 s1, $0xD;
	s1 =	sshrl.u32 s1, $0x2  }
0xb8: {  	s3 =	sand.u32 $0x4000, s31;
	s1 =	sadd.s32 s1, s30  }
0xb9: {  	s0 =	sor.u32 s3, s0;
	s1 =	sshll.u32 s1, $0x11  }
0xba: {  	s0 =	sor.u32 s1, s0  }
0xbb: {  	s0 =	sadd.s32 $0x8F2B, s0  }
0xbc: {  	[sflag:s0] =	ssyncadd.remote.s32 $0x1  }
0xbd: {  	_ =	sfence.sel $0xFFFF  }
0xbe: {  	[dreg:$0x0] =	wrdreg $0xFFFFFFFF;
	(pc) =	sbr.abs _section_cstart, $3  }
0xbf: {  	[dreg:$0x1] =	wrdreg $0xFFFFFFFF  }
0xc0: {  	_ =	task.clear_ibuf [dreg:s6], $0x2FFFF;
	_ =	strace $0x9FFFFFFF  }
0xc1: {  	(tm) =	ssettm $0x7FFFFFFF  }
tec
execute0_lowered:
.L_overlay_start_1:
0x0: {  	(tag) =	ssettag $0x1  }
0x1: {  	s0 =	srdreg.scid;
	s4 =	stileid.u32  }
0x2: {  	s1 =	rddreg [dreg:$0x0];
	s5 =	simm.s32 $0x0;
	s8 =	simm.s32 $0x80  }
0x3: {  	s21 =	simm.s32 $0x12400;
	s22 =	simm.s32 $0x1;
	s23 =	simm.s32 $0x40  }
0x4: {  	s28 =	simm.s32 $0x6;
	s29 =	simm.s32 $0x7;
	s30 =	simm.s32 $0x8  }
0x5: {  	s20 =	simm.s32 $0x6400;
	s0 =	sand.u32 $0x1, s0;
	s2 =	sshll.u32 s4, $0x8  }
0x6: {  	[smem:$0x7FF] =	sst s5;
	s4 =	sshll.u32 s4, $0xF;
	s3 =	sshll.u32 s0, $0x7  }
0x7: {  	_ =	strace $0x80000047;
	s24 =	ssub.s32 $0x2, s0;
	s0 =	sshll.u32 s0, $0xE  }
0x8: {  	s2 =	sor.u32 s3, s2;
	s3 =	sadd.s32 $0x19400, s1;
	s6 =	sshrl.u32 s24, $0x1  }
0x9: {  	s0 =	sor.u32 s0, s4;
	s2 =	sshrl.u32 s2, $0x3;
	s25 =	ssub.s32 s24, s6  }
0xa: {  	s26 =	sor.u32 $0x180000, s0;
	s2 =	sadd.s32 s2, s1;
	s1 =	sadd.s32 $0xDCA00, s1  }
0xb: {  	s7 =	sshrl.u32 s0, $0x3;
	s31 =	sshrl.u32 s26, $0x3;
	[dreg:$0x3] =	wrdreg s1  }
0xc: {  	s24 =	simm.s32 $0x14400;
	s2 =	sadd.s32 $0x400, s2;
	[dreg:$0x2] =	wrdreg s31  }
0xd: {  	s26 =	simm.s32 $0x4;
	s1 =	smax.u32 s25, $0x1;
	[dreg:$0x4] =	wrdreg s2  }
0xe: {  	s25 =	simm.s32 $0x2;
	[dreg:$0x5] =	wrdreg s1;
	s2 =	simm.s32 $0x0  }
.LBB2_1:
0xf: {  	[dreg:$0x6] =	wrdreg s2;
	s0 =	simm.s32 $0x0  }
0x10: {  	s1 =	rddreg [dreg:$0x4];
	s18 =	simm.s32 $0x1000;
	s19 =	simm.s32 $0x11  }
0x11: {  	[tilespmem:s0], [sflag:$0x11] =	stream.strided.gather [hbm4b:s1+s8], $0x6400, s18, s8, $0x38;
	[tilespmem:$0x16400] =	vst v63  }
0x12: {  	_ =	swait.ge [sflag:s19], $0x6400  }
0x13: {  	[sflag:s19] =	ssyncset.done $0x0  }
0x14: {  	s31 =	simm.s32 $0x6400;
	[sflag:s19] =	ssyncadd.s32 $0xFFFF9C00  }
0x15: {  	[tilespmem:s31], [sflag:$0x1] =	stream.indirect.gather [hbm4b:s3+s8], $0x40, s0, s8, $0xb8;
	[tilespmem:$0x16400] =	vst v63  }
0x16: {  	s6 =	simm.s32 $0x8400  }
0x17: {  	[tilespmem:s6], [sflag:$0x2] =	stream.indirect.gather [hbm4b:s3+s8], $0x40, s8, s8, $0xb8;
	[tilespmem:$0x16400] =	vst v63  }
0x18: {  	s4 =	simm.s32 $0x100;
	s5 =	simm.s32 $0xA400  }
0x19: {  	[tilespmem:s5], [sflag:$0x3] =	stream.indirect.gather [hbm4b:s3+s8], $0x40, s4, s8, $0xb8;
	[tilespmem:$0x16400] =	vst v63  }
0x1a: {  	s9 =	simm.s32 $0x180;
	s11 =	simm.s32 $0xC400  }
0x1b: {  	[tilespmem:s11], [sflag:$0x4] =	stream.indirect.gather [hbm4b:s3+s8], $0x40, s9, s8, $0xb8;
	[tilespmem:$0x16400] =	vst v63  }
0x1c: {  	s10 =	simm.s32 $0x200;
	s12 =	simm.s32 $0xE400;
	p0 =	por $0x1, $0x1  }
0x1d: {  	[tilespmem:s12], [sflag:$0x5] =	stream.indirect.gather [hbm4b:s3+s8], $0x40, s10, s8, $0xb8;
	[tilespmem:$0x16400] =	vst v63  }
0x1e: {  	s13 =	simm.s32 $0x280;
	s0 =	simm.s32 @!p0 $0xF;
	s12 =	simm.s32 $0x10400  }
0x1f: {  	[tilespmem:s12], [sflag:$0x6] =	stream.indirect.gather [hbm4b:s3+s8], $0x40, s13, s8, $0xb8;
	[tilespmem:$0x16400] =	vst v63  }
0x20: {  	_ =	swait.ge @!p0 [sflag:s0], $0x2000  }
0x21: {  	[sflag:s0] =	ssyncset.done @!p0 $0x0  }
0x22: {  	s14 =	simm.s32 $0x300;
	[sflag:s0] =	ssyncadd.s32 @!p0 $0xFFFFE000  }
0x23: {  	[tilespmem:s21], [sflag:$0x7] =	stream.indirect.gather [hbm4b:s3+s8], $0x40, s14, s8, $0xb8;
	[tilespmem:$0x16400] =	vst v63  }
0x24: {  	_ =	swait.ge [sflag:s22], $0x2000  }
0x25: {  	[sflag:s22] =	ssyncset.done $0x0;
	s4 =	rddreg [dreg:$0x3]  }
0x26: {  	s0 =	simm.s32 @!p0 $0x10;
	s15 =	sadd.s32 s4, s7;
	[sflag:s22] =	ssyncadd.s32 $0xFFFFE000  }
0x27: {  	[hbm4b:s15+s23] =	stream.strided.scatter [tilespmem:s31], [sflag:$0x9], $0x2000, s8, s23, $0x38;
	[tilespmem:$0x16400] =	vst v63  }
0x28: {  	_ =	swait.ge @!p0 [sflag:s0], $0x2000  }
0x29: {  	[sflag:s0] =	ssyncset.done @!p0 $0x0  }
0x2a: {  	s16 =	simm.s32 $0x380;
	[sflag:s0] =	ssyncadd.s32 @!p0 $0xFFFFE000  }
0x2b: {  	[tilespmem:s24], [sflag:$0x8] =	stream.indirect.gather [hbm4b:s3+s8], $0x40, s16, s8, $0xb8;
	[tilespmem:$0x16400] =	vst v63  }
0x2c: {  	_ =	swait.ge [sflag:s25], $0x2000  }
0x2d: {  	p0 =	por $0x0, $0x0;
	[sflag:s25] =	ssyncset.done $0x0  }
0x2e: {  	s17 =	sadd.s32 $0x8, s15;
	s2 =	simm.s32 @p0 $0x3;
	[sflag:s25] =	ssyncadd.s32 $0xFFFFE000  }
0x2f: {  	[hbm4b:s17+s23] =	stream.strided.scatter [tilespmem:s6], [sflag:$0xA], $0x2000, s8, s23, $0x38;
	[tilespmem:$0x16400] =	vst v63  }
0x30: {  	s5 =	sadd.s32 @p0 s4, s7;
	s9 =	simm.s32 @p0 $0x40;
	_ =	swait.ge @p0 [sflag:s2], $0x2000  }
0x31: {  	s10 =	simm.s32 @p0 $0x80;
	s13 =	simm.s32 @!p0 $0x9;
	[sflag:s2] =	ssyncset.done @p0 $0x0  }
0x32: {  	s0 =	sadd.s32 @p0 $0x10000, s5;
	s6 =	simm.s32 @p0 $0xA400;
	[sflag:s2] =	ssyncadd.s32 @p0 $0xFFFFE000  }
0x33: {  	[hbm4b:s0+s9] =	stream.strided.scatter @p0 [tilespmem:s6], [sflag:$0xB], $0x2000, s10, s9, $0x38;
	[tilespmem:$0x16400] =	vst v63  }
0x34: {  	_ =	swait.ge @!p0 [sflag:s13], $0x2000  }
0x35: {  	s2 =	simm.s32 @!p0 $0x80;
	s0 =	simm.s32 @!p0 $0x400;
	[sflag:s13] =	ssyncset.done @!p0 $0x0  }
0x36: {  	s6 =	simm.s32 @!p0 $0x6400;
	[sflag:s13] =	ssyncadd.s32 @!p0 $0xFFFFE000;
	s13 =	simm.s32 @!p0 $0x3  }
0x37: {  	[tilespmem:s6], [sflag:$0x1] =	stream.indirect.gather @!p0 [hbm4b:s3+s2], $0x40, s0, s2, $0xb8;
	[tilespmem:$0x16400] =	vst v63  }
0x38: {  	s19 =	simm.s32 @!p0 $0x40;
	_ =	swait.ge @!p0 [sflag:s13], $0x2000  }
0x39: {  	s31 =	simm.s32 @!p0 $0xA400;
	s0 =	sadd.s32 @!p0 s4, s7;
	[sflag:s13] =	ssyncset.done @!p0 $0x0  }
0x3a: {  	s6 =	sadd.s32 @!p0 $0x10000, s0;
	[sflag:s13] =	ssyncadd.s32 @!p0 $0xFFFFE000;
	s13 =	simm.s32 @!p0 $0xA  }
0x3b: {  	[hbm4b:s6+s19] =	stream.strided.scatter @!p0 [tilespmem:s31], [sflag:$0xB], $0x2000, s2, s19, $0x38;
	[tilespmem:$0x16400] =	vst v63  }
0x3c: {  	_ =	swait.ge @!p0 [sflag:s13], $0x2000  }
0x3d: {  	[sflag:s13] =	ssyncset.done @!p0 $0x0  }
0x3e: {  	s6 =	simm.s32 @!p0 $0x480;
	[sflag:s13] =	ssyncadd.s32 @!p0 $0xFFFFE000;
	s13 =	simm.s32 @!p0 $0x8400  }
0x3f: {  	[tilespmem:s13], [sflag:$0x2] =	stream.indirect.gather @!p0 [hbm4b:s3+s2], $0x40, s6, s2, $0xb8;
	[tilespmem:$0x16400] =	vst v63  }
0x40: {  	_ =	swait.ge [sflag:s26], $0x2000  }
0x41: {  	[sflag:s26] =	ssyncset.done $0x0  }
0x42: {  	s18 =	sadd.s32 $0x10008, s15;
	s6 =	simm.s32 @p0 $0x5;
	[sflag:s26] =	ssyncadd.s32 $0xFFFFE000  }
0x43: {  	[hbm4b:s18+s23] =	stream.strided.scatter [tilespmem:s11], [sflag:$0xC], $0x2000, s8, s23, $0x38;
	[tilespmem:$0x16400] =	vst v63  }
0x44: {  	_ =	swait.ge @p0 [sflag:s6], $0x2000  }
0x45: {  	[sflag:s6] =	ssyncset.done @p0 $0x0  }
0x46: {  	s5 =	sadd.s32 @p0 $0x20000, s5;
	[sflag:s6] =	ssyncadd.s32 @p0 $0xFFFFE000;
	s6 =	simm.s32 @p0 $0xE400  }
0x47: {  	[hbm4b:s5+s9] =	stream.strided.scatter @p0 [tilespmem:s6], [sflag:$0xD], $0x2000, s10, s9, $0x38;
	[tilespmem:$0x16400] =	vst v63  }
0x48: {  	s5 =	simm.s32 @!p0 $0xB  }
0x49: {  	_ =	swait.ge @!p0 [sflag:s5], $0x2000  }
0x4a: {  	[sflag:s5] =	ssyncset.done @!p0 $0x0  }
0x4b: {  	[sflag:s5] =	ssyncadd.s32 @!p0 $0xFFFFE000;
	s5 =	simm.s32 @!p0 $0x500  }
0x4c: {  	[tilespmem:s31], [sflag:$0x3] =	stream.indirect.gather @!p0 [hbm4b:s3+s2], $0x40, s5, s2, $0xb8;
	[tilespmem:$0x16400] =	vst v63  }
0x4d: {  	s5 =	simm.s32 @!p0 $0x5  }
0x4e: {  	_ =	swait.ge @!p0 [sflag:s5], $0x2000  }
0x4f: {  	[sflag:s5] =	ssyncset.done @!p0 $0x0  }
0x50: {  	s0 =	sadd.s32 @!p0 $0x20000, s0;
	[sflag:s5] =	ssyncadd.s32 @!p0 $0xFFFFE000;
	s5 =	simm.s32 @!p0 $0xE400  }
0x51: {  	[hbm4b:s0+s19] =	stream.strided.scatter @!p0 [tilespmem:s5], [sflag:$0xD], $0x2000, s2, s19, $0x38;
	[tilespmem:$0x16400] =	vst v63  }
0x52: {  	s0 =	simm.s32 @!p0 $0xC  }
0x53: {  	_ =	swait.ge @!p0 [sflag:s0], $0x2000  }
0x54: {  	[sflag:s0] =	ssyncset.done @!p0 $0x0  }
0x55: {  	s6 =	simm.s32 @!p0 $0x580;
	[sflag:s0] =	ssyncadd.s32 @!p0 $0xFFFFE000;
	s0 =	simm.s32 @!p0 $0xC400  }
0x56: {  	[tilespmem:s0], [sflag:$0x4] =	stream.indirect.gather @!p0 [hbm4b:s3+s2], $0x40, s6, s2, $0xb8;
	[tilespmem:$0x16400] =	vst v63  }
0x57: {  	_ =	swait.ge [sflag:s28], $0x2000  }
0x58: {  	[sflag:s28] =	ssyncset.done $0x0  }
0x59: {  	s1 =	simm.s32 @!p0 $0xD;
	s19 =	sadd.s32 $0x20008, s15;
	[sflag:s28] =	ssyncadd.s32 $0xFFFFE000  }
0x5a: {  	[hbm4b:s19+s23] =	stream.strided.scatter [tilespmem:s12], [sflag:$0xE], $0x2000, s8, s23, $0x38;
	[tilespmem:$0x16400] =	vst v63  }
0x5b: {  	_ =	swait.ge @!p0 [sflag:s1], $0x2000  }
0x5c: {  	[sflag:s1] =	ssyncset.done @!p0 $0x0  }
0x5d: {  	s0 =	simm.s32 @!p0 $0x600;
	[sflag:s1] =	ssyncadd.s32 @!p0 $0xFFFFE000  }
0x5e: {  	[tilespmem:s5], [sflag:$0x5] =	stream.indirect.gather @!p0 [hbm4b:s3+s2], $0x40, s0, s2, $0xb8;
	[tilespmem:$0x16400] =	vst v63  }
0x5f: {  	_ =	swait.ge [sflag:s29], $0x2000  }
0x60: {  	s31 =	rddreg [dreg:$0x2];
	[sflag:s29] =	ssyncset.done $0x0  }
0x61: {  	s1 =	simm.s32 @!p0 $0xE;
	[sflag:s29] =	ssyncadd.s32 $0xFFFFE000;
	s0 =	sadd.s32 s4, s31  }
0x62: {  	[hbm4b:s0+s23] =	stream.strided.scatter [tilespmem:s21], [sflag:$0xF], $0x2000, s8, s23, $0x38;
	[tilespmem:$0x16400] =	vst v63  }
0x63: {  	p1 =	por $0x0, $0x0;
	_ =	swait.ge @!p0 [sflag:s1], $0x2000  }
0x64: {  	s19 =	sadd.s32 $0x40000, s4;
	s5 =	simm.s32 @!p0 $0x680;
	[sflag:s1] =	ssyncset.done @!p0 $0x0  }
0x65: {  	s0 =	sadd.s32 $0x8, s0;
	[sflag:s1] =	ssyncadd.s32 @!p0 $0xFFFFE000;
	s1 =	simm.s32 @!p0 $0x10400  }
0x66: {  	[tilespmem:s1], [sflag:$0x6] =	stream.indirect.gather @!p0 [hbm4b:s3+s2], $0x40, s5, s2, $0xb8;
	[tilespmem:$0x16400] =	vst v63  }
0x67: {  	s5 =	simm.s32 $0x1000;
	s2 =	simm.s32 $0x2000;
	_ =	swait.ge [sflag:s30], $0x2000  }
.LBB2_2:
0x68: {  	[sflag:s30] =	ssyncset.done $0x0  }
0x69: {  	s1 =	simm.s32 @!p1 $0xF;
	[sflag:s30] =	ssyncadd.s32 $0xFFFFE000  }
0x6a: {  	[hbm4b:s0+s23] =	stream.strided.scatter [tilespmem:s24], [sflag:$0x10], $0x2000, s8, s23, $0x38;
	[tilespmem:$0x16400] =	vst v63  }
0x6b: {  	_ =	swait.ge @!p1 [sflag:s1], $0x2000  }
0x6c: {  	s15 =	sshra.s32 s5, $0x2;
	[sflag:s1] =	ssyncset.done @!p1 $0x0  }
0x6d: {  	s6 =	sadd.s32 $0x300, s15;
	[sflag:s1] =	ssyncadd.s32 @!p1 $0xFFFFE000  }
0x6e: {  	[tilespmem:s21], [sflag:$0x7] =	stream.indirect.gather [hbm4b:s3+s8], $0x40, s6, s8, $0xb8;
	[tilespmem:$0x16400] =	vst v63  }
0x6f: {  	_ =	swait.ge [sflag:s22], $0x2000  }
0x70: {  	[sflag:s22] =	ssyncset.done $0x0  }
0x71: {  	s1 =	simm.s32 @!p1 $0x10;
	s6 =	sadd.s32 s19, s7;
	[sflag:s22] =	ssyncadd.s32 $0xFFFFE000  }
0x72: {  	[hbm4b:s6+s23] =	stream.strided.scatter [tilespmem:s20], [sflag:$0x9], $0x2000, s8, s23, $0x38;
	[tilespmem:$0x16400] =	vst v63  }
0x73: {  	_ =	swait.ge @!p1 [sflag:s1], $0x2000  }
0x74: {  	[sflag:s1] =	ssyncset.done @!p1 $0x0  }
0x75: {  	s0 =	sadd.s32 $0x380, s15;
	[sflag:s1] =	ssyncadd.s32 @!p1 $0xFFFFE000  }
0x76: {  	[tilespmem:s24], [sflag:$0x8] =	stream.indirect.gather [hbm4b:s3+s8], $0x40, s0, s8, $0xb8;
	[tilespmem:$0x16400] =	vst v63  }
0x77: {  	_ =	swait.ge [sflag:s25], $0x2000  }
0x78: {  	s4 =	simm.s32 $0x8400;
	p1 =	seq.s32 s5, $0x18000;
	[sflag:s25] =	ssyncset.done $0x0  }
0x79: {  	s16 =	sadd.s32 $0x8, s6;
	s1 =	simm.s32 @p1 $0x3;
	[sflag:s25] =	ssyncadd.s32 $0xFFFFE000  }
0x7a: {  	[hbm4b:s16+s23] =	stream.strided.scatter [tilespmem:s4], [sflag:$0xA], $0x2000, s8, s23, $0x38;
	[tilespmem:$0x16400] =	vst v63  }
0x7b: {  	s14 =	sadd.s32 @p1 s19, s7;
	s10 =	simm.s32 @p1 $0xA400;
	_ =	swait.ge @p1 [sflag:s1], $0x2000  }
0x7c: {  	s9 =	simm.s32 @p1 $0x40;
	s13 =	simm.s32 @p1 $0x80;
	[sflag:s1] =	ssyncset.done @p1 $0x0  }
0x7d: {  	s0 =	sadd.s32 @p1 $0x10000, s14;
	[sflag:s1] =	ssyncadd.s32 @p1 $0xFFFFE000;
	s1 =	simm.s32 @!p1 $0x9  }
0x7e: {  	[hbm4b:s0+s9] =	stream.strided.scatter @p1 [tilespmem:s10], [sflag:$0xB], $0x2000, s13, s9, $0x38;
	[tilespmem:$0x16400] =	vst v63  }
0x7f: {  	s5 =	sshra.s32 @!p1 s5, $0x2;
	_ =	swait.ge @!p1 [sflag:s1], $0x2000  }
0x80: {  	s17 =	simm.s32 @!p1 $0x6400;
	s0 =	sadd.s32 @!p1 $0x400, s5;
	[sflag:s1] =	ssyncset.done @!p1 $0x0  }
0x81: {  	s10 =	simm.s32 @!p1 $0x80;
	[sflag:s1] =	ssyncadd.s32 @!p1 $0xFFFFE000;
	s1 =	simm.s32 @!p1 $0x3  }
0x82: {  	[tilespmem:s17], [sflag:$0x1] =	stream.indirect.gather @!p1 [hbm4b:s3+s10], $0x40, s0, s10, $0xb8;
	[tilespmem:$0x16400] =	vst v63  }
0x83: {  	s15 =	sadd.s32 @!p1 s19, s7;
	_ =	swait.ge @!p1 [sflag:s1], $0x2000  }
0x84: {  	s18 =	simm.s32 @!p1 $0x40;
	s11 =	simm.s32 @!p1 $0xA400;
	[sflag:s1] =	ssyncset.done @!p1 $0x0  }
0x85: {  	s4 =	sadd.s32 @!p1 $0x10000, s15;
	[sflag:s1] =	ssyncadd.s32 @!p1 $0xFFFFE000;
	s1 =	simm.s32 @!p1 $0xA  }
0x86: {  	[hbm4b:s4+s18] =	stream.strided.scatter @!p1 [tilespmem:s11], [sflag:$0xB], $0x2000, s10, s18, $0x38;
	[tilespmem:$0x16400] =	vst v63  }
0x87: {  	s31 =	smov.u32 s2;
	s12 =	sadd.s32 @!p1 $0x500, s5;
	_ =	swait.ge @!p1 [sflag:s1], $0x2000  }
0x88: {  	s16 =	simm.s32 @!p1 $0x8400;
	s17 =	sadd.s32 @!p1 $0x480, s5;
	[sflag:s1] =	ssyncset.done @!p1 $0x0  }
0x89: {  	s0 =	sadd.s32 @!p1 $0x600, s5;
	s4 =	sadd.s32 @!p1 $0x20000, s15;
	[sflag:s1] =	ssyncadd.s32 @!p1 $0xFFFFE000  }
0x8a: {  	[tilespmem:s16], [sflag:$0x2] =	stream.indirect.gather @!p1 [hbm4b:s3+s10], $0x40, s17, s10, $0xb8;
	[tilespmem:$0x16400] =	vst v63  }
0x8b: {  	s15 =	sadd.s32 @!p1 $0x580, s5;
	s1 =	sadd.s32 @!p1 $0x680, s5;
	_ =	swait.ge [sflag:s26], $0x2000  }
0x8c: {  	s5 =	smov.u32 s31;
	s31 =	simm.s32 $0xC400;
	[sflag:s26] =	ssyncset.done $0x0  }
0x8d: {  	s16 =	sadd.s32 $0x10008, s6;
	s17 =	simm.s32 @p1 $0x5;
	[sflag:s26] =	ssyncadd.s32 $0xFFFFE000  }
0x8e: {  	[hbm4b:s16+s23] =	stream.strided.scatter [tilespmem:s31], [sflag:$0xC], $0x2000, s8, s23, $0x38;
	[tilespmem:$0x16400] =	vst v63  }
0x8f: {  	_ =	swait.ge @p1 [sflag:s17], $0x2000  }
0x90: {  	s14 =	sadd.s32 @p1 $0x20000, s14;
	[sflag:s17] =	ssyncset.done @p1 $0x0  }
0x91: {  	s16 =	simm.s32 @p1 $0xE400;
	[sflag:s17] =	ssyncadd.s32 @p1 $0xFFFFE000;
	s17 =	simm.s32 @!p1 $0xB  }
0x92: {  	[hbm4b:s14+s9] =	stream.strided.scatter @p1 [tilespmem:s16], [sflag:$0xD], $0x2000, s13, s9, $0x38;
	[tilespmem:$0x16400] =	vst v63  }
0x93: {  	_ =	swait.ge @!p1 [sflag:s17], $0x2000  }
0x94: {  	[sflag:s17] =	ssyncset.done @!p1 $0x0  }
0x95: {  	s9 =	simm.s32 @!p1 $0x5;
	[sflag:s17] =	ssyncadd.s32 @!p1 $0xFFFFE000  }
0x96: {  	[tilespmem:s11], [sflag:$0x3] =	stream.indirect.gather @!p1 [hbm4b:s3+s10], $0x40, s12, s10, $0xb8;
	[tilespmem:$0x16400] =	vst v63  }
0x97: {  	_ =	swait.ge @!p1 [sflag:s9], $0x2000  }
0x98: {  	[sflag:s9] =	ssyncset.done @!p1 $0x0  }
0x99: {  	s11 =	simm.s32 @!p1 $0xE400;
	[sflag:s9] =	ssyncadd.s32 @!p1 $0xFFFFE000;
	s9 =	simm.s32 @!p1 $0xC  }
0x9a: {  	[hbm4b:s4+s18] =	stream.strided.scatter @!p1 [tilespmem:s11], [sflag:$0xD], $0x2000, s10, s18, $0x38;
	[tilespmem:$0x16400] =	vst v63  }
0x9b: {  	_ =	swait.ge @!p1 [sflag:s9], $0x2000  }
0x9c: {  	[sflag:s9] =	ssyncset.done @!p1 $0x0  }
0x9d: {  	s4 =	simm.s32 @!p1 $0xC400;
	[sflag:s9] =	ssyncadd.s32 @!p1 $0xFFFFE000  }
0x9e: {  	[tilespmem:s4], [sflag:$0x4] =	stream.indirect.gather @!p1 [hbm4b:s3+s10], $0x40, s15, s10, $0xb8;
	[tilespmem:$0x16400] =	vst v63  }
0x9f: {  	_ =	swait.ge [sflag:s28], $0x2000  }
0xa0: {  	s17 =	sadd.s32 $0x20008, s6;
	[sflag:s28] =	ssyncset.done $0x0  }
0xa1: {  	s6 =	simm.s32 @!p1 $0xD;
	s18 =	simm.s32 $0x10400;
	[sflag:s28] =	ssyncadd.s32 $0xFFFFE000  }
0xa2: {  	[hbm4b:s17+s23] =	stream.strided.scatter [tilespmem:s18], [sflag:$0xE], $0x2000, s8, s23, $0x38;
	[tilespmem:$0x16400] =	vst v63  }
0xa3: {  	_ =	swait.ge @!p1 [sflag:s6], $0x2000  }
0xa4: {  	[sflag:s6] =	ssyncset.done @!p1 $0x0  }
0xa5: {  	[sflag:s6] =	ssyncadd.s32 @!p1 $0xFFFFE000  }
0xa6: {  	[tilespmem:s11], [sflag:$0x5] =	stream.indirect.gather @!p1 [hbm4b:s3+s10], $0x40, s0, s10, $0xb8;
	[tilespmem:$0x16400] =	vst v63  }
0xa7: {  	s2 =	sadd.s32 $0x1000, s2;
	_ =	swait.ge [sflag:s29], $0x2000  }
0xa8: {  	p0 =	sne.s32 s2, $0x19000;
	[sflag:s29] =	ssyncset.done $0x0;
	s31 =	rddreg [dreg:$0x2]  }
0xa9: {  	s4 =	simm.s32 @!p1 $0xE;
	[sflag:s29] =	ssyncadd.s32 $0xFFFFE000;
	s0 =	sadd.s32 s19, s31  }
0xaa: {  	[hbm4b:s0+s23] =	stream.strided.scatter [tilespmem:s21], [sflag:$0xF], $0x2000, s8, s23, $0x38;
	[tilespmem:$0x16400] =	vst v63  }
.Ltmp0:
0xab: {  	_ =	swait.ge @!p1 [sflag:s4], $0x2000;
	(pc) =	sbr.rel @p0 .LBB2_2-.Ltmp0, $4  }
0xac: {  	[sflag:s4] =	ssyncset.done @!p1 $0x0  }
0xad: {  	s6 =	simm.s32 @!p1 $0x10400;
	s19 =	sadd.s32 $0x40000, s19;
	[sflag:s4] =	ssyncadd.s32 @!p1 $0xFFFFE000  }
0xae: {  	[tilespmem:s6], [sflag:$0x6] =	stream.indirect.gather @!p1 [hbm4b:s3+s10], $0x40, s1, s10, $0xb8;
	[tilespmem:$0x16400] =	vst v63  }
0xaf: {  	s0 =	sadd.s32 $0x8, s0;
	p1 =	seq.s32 s5, $0x0;
	_ =	swait.ge [sflag:s30], $0x2000  }
0xb0: {  	[sflag:s30] =	ssyncset.done $0x0  }
0xb1: {  	s1 =	simm.s32 @!p1 $0xF;
	[sflag:s30] =	ssyncadd.s32 $0xFFFFE000  }
0xb2: {  	[hbm4b:s0+s23] =	stream.strided.scatter [tilespmem:s24], [sflag:$0x10], $0x2000, s8, s23, $0x38;
	[tilespmem:$0x16400] =	vst v63  }
0xb3: {  	_ =	swait.ge @!p1 [sflag:s1], $0x2000  }
0xb4: {  	s15 =	sshra.s32 s5, $0x2;
	[sflag:s1] =	ssyncset.done @!p1 $0x0  }
0xb5: {  	s2 =	sadd.s32 $0x300, s15;
	[sflag:s1] =	ssyncadd.s32 @!p1 $0xFFFFE000  }
0xb6: {  	[tilespmem:s21], [sflag:$0x7] =	stream.indirect.gather [hbm4b:s3+s8], $0x40, s2, s8, $0xb8;
	[tilespmem:$0x16400] =	vst v63  }
0xb7: {  	_ =	swait.ge [sflag:s22], $0x2000  }
0xb8: {  	[sflag:s22] =	ssyncset.done $0x0  }
0xb9: {  	s16 =	sadd.s32 s19, s7;
	s2 =	simm.s32 @!p1 $0x10;
	[sflag:s22] =	ssyncadd.s32 $0xFFFFE000  }
0xba: {  	[hbm4b:s16+s23] =	stream.strided.scatter [tilespmem:s20], [sflag:$0x9], $0x2000, s8, s23, $0x38;
	[tilespmem:$0x16400] =	vst v63  }
0xbb: {  	_ =	swait.ge @!p1 [sflag:s2], $0x2000  }
0xbc: {  	[sflag:s2] =	ssyncset.done @!p1 $0x0  }
0xbd: {  	s0 =	sadd.s32 $0x380, s15;
	[sflag:s2] =	ssyncadd.s32 @!p1 $0xFFFFE000  }
0xbe: {  	[tilespmem:s24], [sflag:$0x8] =	stream.indirect.gather [hbm4b:s3+s8], $0x40, s0, s8, $0xb8;
	[tilespmem:$0x16400] =	vst v63  }
0xbf: {  	_ =	swait.ge [sflag:s25], $0x2000  }
0xc0: {  	p0 =	seq.s32 s5, $0x18000;
	s6 =	simm.s32 $0x8400;
	[sflag:s25] =	ssyncset.done $0x0  }
0xc1: {  	s17 =	sadd.s32 $0x8, s16;
	s2 =	simm.s32 @p0 $0x3;
	[sflag:s25] =	ssyncadd.s32 $0xFFFFE000  }
0xc2: {  	[hbm4b:s17+s23] =	stream.strided.scatter [tilespmem:s6], [sflag:$0xA], $0x2000, s8, s23, $0x38;
	[tilespmem:$0x16400] =	vst v63  }
0xc3: {  	s4 =	sadd.s32 @p0 s19, s7;
	s9 =	simm.s32 @p0 $0x40;
	_ =	swait.ge @p0 [sflag:s2], $0x2000  }
0xc4: {  	s10 =	simm.s32 @p0 $0x80;
	s11 =	simm.s32 @!p0 $0x9;
	[sflag:s2] =	ssyncset.done @p0 $0x0  }
0xc5: {  	s0 =	sadd.s32 @p0 $0x10000, s4;
	s6 =	simm.s32 @p0 $0xA400;
	[sflag:s2] =	ssyncadd.s32 @p0 $0xFFFFE000  }
0xc6: {  	[hbm4b:s0+s9] =	stream.strided.scatter @p0 [tilespmem:s6], [sflag:$0xB], $0x2000, s10, s9, $0x38;
	[tilespmem:$0x16400] =	vst v63  }
0xc7: {  	s2 =	sshra.s32 @!p0 s5, $0x2;
	_ =	swait.ge @!p0 [sflag:s11], $0x2000  }
0xc8: {  	s5 =	simm.s32 @!p0 $0x80;
	s0 =	sadd.s32 @!p0 $0x400, s2;
	[sflag:s11] =	ssyncset.done @!p0 $0x0  }
0xc9: {  	s6 =	simm.s32 @!p0 $0x6400;
	[sflag:s11] =	ssyncadd.s32 @!p0 $0xFFFFE000;
	s11 =	simm.s32 @!p0 $0x3  }
0xca: {  	[tilespmem:s6], [sflag:$0x1] =	stream.indirect.gather @!p0 [hbm4b:s3+s5], $0x40, s0, s5, $0xb8;
	[tilespmem:$0x16400] =	vst v63  }
0xcb: {  	s12 =	simm.s32 @!p0 $0x40;
	_ =	swait.ge @!p0 [sflag:s11], $0x2000  }
0xcc: {  	s13 =	simm.s32 @!p0 $0xA400;
	s0 =	sadd.s32 @!p0 s19, s7;
	[sflag:s11] =	ssyncset.done @!p0 $0x0  }
0xcd: {  	s6 =	sadd.s32 @!p0 $0x10000, s0;
	[sflag:s11] =	ssyncadd.s32 @!p0 $0xFFFFE000;
	s11 =	simm.s32 @!p0 $0xA  }
0xce: {  	[hbm4b:s6+s12] =	stream.strided.scatter @!p0 [tilespmem:s13], [sflag:$0xB], $0x2000, s5, s12, $0x38;
	[tilespmem:$0x16400] =	vst v63  }
0xcf: {  	_ =	swait.ge @!p0 [sflag:s11], $0x2000  }
0xd0: {  	[sflag:s11] =	ssyncset.done @!p0 $0x0  }
0xd1: {  	s6 =	sadd.s32 @!p0 $0x480, s2;
	[sflag:s11] =	ssyncadd.s32 @!p0 $0xFFFFE000;
	s11 =	simm.s32 @!p0 $0x8400  }
0xd2: {  	[tilespmem:s11], [sflag:$0x2] =	stream.indirect.gather @!p0 [hbm4b:s3+s5], $0x40, s6, s5, $0xb8;
	[tilespmem:$0x16400] =	vst v63  }
0xd3: {  	_ =	swait.ge [sflag:s26], $0x2000  }
0xd4: {  	s31 =	simm.s32 $0xC400;
	[sflag:s26] =	ssyncset.done $0x0  }
0xd5: {  	s18 =	sadd.s32 $0x10008, s16;
	s6 =	simm.s32 @p0 $0x5;
	[sflag:s26] =	ssyncadd.s32 $0xFFFFE000  }
0xd6: {  	[hbm4b:s18+s23] =	stream.strided.scatter [tilespmem:s31], [sflag:$0xC], $0x2000, s8, s23, $0x38;
	[tilespmem:$0x16400] =	vst v63  }
0xd7: {  	_ =	swait.ge @p0 [sflag:s6], $0x2000  }
0xd8: {  	[sflag:s6] =	ssyncset.done @p0 $0x0  }
0xd9: {  	s4 =	sadd.s32 @p0 $0x20000, s4;
	[sflag:s6] =	ssyncadd.s32 @p0 $0xFFFFE000;
	s6 =	simm.s32 @p0 $0xE400  }
0xda: {  	[hbm4b:s4+s9] =	stream.strided.scatter @p0 [tilespmem:s6], [sflag:$0xD], $0x2000, s10, s9, $0x38;
	[tilespmem:$0x16400] =	vst v63  }
0xdb: {  	s4 =	simm.s32 @!p0 $0xB  }
0xdc: {  	_ =	swait.ge @!p0 [sflag:s4], $0x2000  }
0xdd: {  	[sflag:s4] =	ssyncset.done @!p0 $0x0  }
0xde: {  	[sflag:s4] =	ssyncadd.s32 @!p0 $0xFFFFE000;
	s4 =	sadd.s32 @!p0 $0x500, s2  }
0xdf: {  	[tilespmem:s13], [sflag:$0x3] =	stream.indirect.gather @!p0 [hbm4b:s3+s5], $0x40, s4, s5, $0xb8;
	[tilespmem:$0x16400] =	vst v63  }
0xe0: {  	s4 =	simm.s32 @!p0 $0x5  }
0xe1: {  	_ =	swait.ge @!p0 [sflag:s4], $0x2000  }
0xe2: {  	[sflag:s4] =	ssyncset.done @!p0 $0x0  }
0xe3: {  	s0 =	sadd.s32 @!p0 $0x20000, s0;
	[sflag:s4] =	ssyncadd.s32 @!p0 $0xFFFFE000;
	s4 =	simm.s32 @!p0 $0xE400  }
0xe4: {  	[hbm4b:s0+s12] =	stream.strided.scatter @!p0 [tilespmem:s4], [sflag:$0xD], $0x2000, s5, s12, $0x38;
	[tilespmem:$0x16400] =	vst v63  }
0xe5: {  	s0 =	simm.s32 @!p0 $0xC  }
0xe6: {  	_ =	swait.ge @!p0 [sflag:s0], $0x2000  }
0xe7: {  	[sflag:s0] =	ssyncset.done @!p0 $0x0  }
0xe8: {  	s6 =	sadd.s32 @!p0 $0x580, s2;
	[sflag:s0] =	ssyncadd.s32 @!p0 $0xFFFFE000;
	s0 =	simm.s32 @!p0 $0xC400  }
0xe9: {  	[tilespmem:s0], [sflag:$0x4] =	stream.indirect.gather @!p0 [hbm4b:s3+s5], $0x40, s6, s5, $0xb8;
	[tilespmem:$0x16400] =	vst v63  }
0xea: {  	_ =	swait.ge [sflag:s28], $0x2000  }
0xeb: {  	s9 =	simm.s32 $0x10400;
	[sflag:s28] =	ssyncset.done $0x0  }
0xec: {  	s6 =	sadd.s32 $0x20008, s16;
	s0 =	simm.s32 @!p0 $0xD;
	[sflag:s28] =	ssyncadd.s32 $0xFFFFE000  }
0xed: {  	[hbm4b:s6+s23] =	stream.strided.scatter [tilespmem:s9], [sflag:$0xE], $0x2000, s8, s23, $0x38;
	[tilespmem:$0x16400] =	vst v63  }
0xee: {  	_ =	swait.ge @!p0 [sflag:s0], $0x2000  }
0xef: {  	[sflag:s0] =	ssyncset.done @!p0 $0x0  }
0xf0: {  	[sflag:s0] =	ssyncadd.s32 @!p0 $0xFFFFE000;
	s0 =	sadd.s32 @!p0 $0x600, s2  }
0xf1: {  	[tilespmem:s4], [sflag:$0x5] =	stream.indirect.gather @!p0 [hbm4b:s3+s5], $0x40, s0, s5, $0xb8;
	[tilespmem:$0x16400] =	vst v63  }
0xf2: {  	_ =	swait.ge [sflag:s29], $0x2000  }
0xf3: {  	s10 =	rddreg [dreg:$0x2];
	[sflag:s29] =	ssyncset.done $0x0  }
0xf4: {  	s1 =	simm.s32 @!p0 $0xE;
	[sflag:s29] =	ssyncadd.s32 $0xFFFFE000;
	s0 =	sadd.s32 s19, s10  }
0xf5: {  	[hbm4b:s0+s23] =	stream.strided.scatter [tilespmem:s21], [sflag:$0xF], $0x2000, s8, s23, $0x38;
	[tilespmem:$0x16400] =	vst v63  }
0xf6: {  	_ =	swait.ge @!p0 [sflag:s1], $0x2000  }
0xf7: {  	[sflag:s1] =	ssyncset.done @!p0 $0x0  }
0xf8: {  	s2 =	sadd.s32 @!p0 $0x680, s2;
	[sflag:s1] =	ssyncadd.s32 @!p0 $0xFFFFE000;
	s1 =	simm.s32 @!p0 $0x10400  }
0xf9: {  	[tilespmem:s1], [sflag:$0x6] =	stream.indirect.gather @!p0 [hbm4b:s3+s5], $0x40, s2, s5, $0xb8;
	[tilespmem:$0x16400] =	vst v63  }
0xfa: {  	_ =	swait.ge [sflag:s30], $0x2000  }
0xfb: {  	[sflag:s30] =	ssyncset.done $0x0  }
0xfc: {  	s11 =	simm.s32 $0x9;
	s0 =	sadd.s32 $0x8, s0;
	[sflag:s30] =	ssyncadd.s32 $0xFFFFE000  }
0xfd: {  	[hbm4b:s0+s23] =	stream.strided.scatter [tilespmem:s24], [sflag:$0x10], $0x2000, s8, s23, $0x38;
	[tilespmem:$0x16400] =	vst v63  }
0xfe: {  	_ =	swait.ge [sflag:s11], $0x2000  }
0xff: {  	[sflag:s11] =	ssyncset.done $0x0  }
0x100: {  	s12 =	simm.s32 $0xA;
	[sflag:s11] =	ssyncadd.s32 $0xFFFFE000  }
0x101: {  	_ =	swait.ge [sflag:s12], $0x2000  }
0x102: {  	[sflag:s12] =	ssyncset.done $0x0  }
0x103: {  	s13 =	simm.s32 $0xB;
	[sflag:s12] =	ssyncadd.s32 $0xFFFFE000  }
0x104: {  	_ =	swait.ge [sflag:s13], $0x2000  }
0x105: {  	[sflag:s13] =	ssyncset.done $0x0  }
0x106: {  	s14 =	simm.s32 $0xC;
	[sflag:s13] =	ssyncadd.s32 $0xFFFFE000  }
0x107: {  	_ =	swait.ge [sflag:s14], $0x2000  }
0x108: {  	[sflag:s14] =	ssyncset.done $0x0  }
0x109: {  	s15 =	simm.s32 $0xD;
	[sflag:s14] =	ssyncadd.s32 $0xFFFFE000  }
0x10a: {  	_ =	swait.ge [sflag:s15], $0x2000  }
0x10b: {  	[sflag:s15] =	ssyncset.done $0x0  }
0x10c: {  	s16 =	simm.s32 $0xE;
	[sflag:s15] =	ssyncadd.s32 $0xFFFFE000  }
0x10d: {  	_ =	swait.ge [sflag:s16], $0x2000  }
0x10e: {  	[sflag:s16] =	ssyncset.done $0x0  }
0x10f: {  	s17 =	simm.s32 $0xF;
	[sflag:s16] =	ssyncadd.s32 $0xFFFFE000  }
0x110: {  	_ =	swait.ge [sflag:s17], $0x2000  }
0x111: {  	[sflag:s17] =	ssyncset.done $0x0  }
0x112: {  	s18 =	simm.s32 $0x10;
	[sflag:s17] =	ssyncadd.s32 $0xFFFFE000  }
0x113: {  	_ =	swait.ge [sflag:s18], $0x2000  }
0x114: {  	s19 =	rddreg [dreg:$0x6]  }
0x115: {  	s31 =	rddreg [dreg:$0x5];
	s2 =	sadd.s32 $0x1, s19  }
0x116: {  	p0 =	sne.s32 s2, s31  }
.Ltmp1:
0x117: {  	_ = 	snop;
	(pc) =	sbr.rel @p0 .LBB2_1-.Ltmp1, $3  }
0x118: {  	_ =	sdelay $0x1  }
0x119: {  	[sflag:s18] =	ssyncset.done $0x0  }
0x11a: {  	[sflag:s18] =	ssyncadd.s32 $0xFFFFE000  }
0x11b: {  	_ =	sfence.sel $0x180000  }
0x11c: {  	[bflag:$0x0] =	sbarrier.arrive $0xFFFF  }
0x11d: {  	_ =	strace $0x90000047  }
0x11e: {  	s0 =	stileid.u32;
	[bflag:$0x2] =	sbarrier.arrive $0xFFFF  }
0x11f: {  	p0 =	sne.s32 s0, $0x0;
	s0 =	rddreg [dreg:$0x1]  }
0x120: {  	s0 =	sadd.s32 @!p0 $0x100000, s0  }
0x121: {  	[sflag:s0] =	ssyncadd.tile.s32 @!p0 $0x1;
	_ =	shalt  }
.Lfunc_end2:
_tile_overlayer_lowered:
.L_overlay_start_2:
0x122: {  	(tag) =	ssettag $0x2  }
0x123: {  	s0 =	rddreg [dreg:$0x0];
	s2 =	stileid.u32  }
0x124: {  	s1 =	rddreg [dreg:$0x1];
	p0 =	sne.s32 s2, $0x0  }
0x125: {  	s3 =	rddreg [dreg:$0x2];
	[bflag:$0x3] =	sbarrier.arrive $0xFFFF;
	s2 =	simm.s32 @!p0 $0x1C11  }
0x126: {  	[timem:s3], [sflag:s2] =	dma.local @!p0 [hbm:s0], s1  }
0x127: {  	s0 =	simm.s32 @!p0 $0x11  }
0x128: {  	_ =	swait.ge @!p0 [sflag:s0], s1  }
0x129: {  	s1 =	ssub.s32 @!p0 $0x0, s1;
	[sflag:s0] =	ssyncset.done @!p0 $0x0  }
0x12a: {  	[sflag:s0] =	ssyncadd.s32 @!p0 s1  }
0x12b: {  	[bflag:$0x3] =	sbarrier.arrive $0xFFFF  }
0x12c: {  	_ =	shalt  }

</sc_bundles>
